<compile_context>
chip_gen: v7x
topology: tpu7x:2x2x1
jax: 0.10.2.dev20260603
libtpu: 0.0.44.dev20260713+nightly
codegen_flags: <defaults>
</compile_context>

<pallas_src>
import jax
import jax.numpy as jnp
from jax import lax
from jax.experimental import pallas as pl
from jax.experimental.pallas import tpu as pltpu
from jax.experimental.pallas import tpu_sc as plsc

NC = 2
NS = 16
L = 16
NW = NC * NS

D = 64
STEP = 128
NB = 5
P = 3
_ENABLE_ZERO = True


def _gather_body(W_hbm, x_hbm, out_hbm, *scratch):
    idx_v = scratch[0]
    bufs = scratch[1:1 + NB]
    in_sems = scratch[1 + NB:1 + 2 * NB]
    out_sems = scratch[1 + 2 * NB:1 + 3 * NB]

    bpw = x_hbm.shape[0] // NW
    nstep = bpw // STEP

    wid = lax.axis_index("s") * NC + lax.axis_index("c")
    base = wid * bpw
    pltpu.sync_copy(x_hbm.at[pl.ds(base, bpw)], idx_v)

    def start_gather(step, b):
        pltpu.async_copy(
            W_hbm.at[idx_v.at[pl.ds(step * STEP, STEP)]], bufs[b], in_sems[b])

    def wait_gather(b):
        pltpu.make_async_copy(W_hbm.at[pl.ds(0, STEP)], bufs[b], in_sems[b]).wait()

    def start_out(step, b):
        pltpu.async_copy(
            bufs[b], out_hbm.at[pl.ds(base + step * STEP, STEP)], out_sems[b])

    def wait_out(b):
        pltpu.make_async_copy(bufs[b], out_hbm.at[pl.ds(0, STEP)], out_sems[b]).wait()

    rows = [lax.broadcasted_iota(jnp.int32, (L,), 0) + k * L
            for k in range(STEP // L)]
    zeros_f = jnp.zeros((L,), jnp.float32)

    def zero_pad_rows(g, b):
        j0 = g * STEP
        acc = jnp.zeros((L,), jnp.int32)
        for k in range(STEP // L):
            vec = idx_v[pl.ds(j0 + k * L, L)]
            acc = acc + (vec == 0).astype(jnp.int32)
        cnt = jnp.sum(acc)

        @pl.when(cnt != 0)
        def _slow():
            for k in range(STEP // L):
                vec = idx_v[pl.ds(j0 + k * L, L)]
                mk = vec == 0
                ck = jnp.sum(mk.astype(jnp.int32))

                @pl.when(ck != 0)
                def _zero_group():
                    def col_body(c, carry):
                        cols = jnp.zeros((L,), jnp.int32) + c
                        plsc.store_scatter(bufs[b], [rows[k], cols], zeros_f,
                                           mask=mk)
                        return carry
                    lax.fori_loop(0, D, col_body, 0)

    for j in range(P):
        start_gather(j, j)

    def outer(o, carry):
        for k in range(NB):
            g = o * NB + k
            nxt = g + P
            bn = (k + P) % NB

            @pl.when(nxt < nstep)
            def _issue():
                @pl.when(nxt >= NB)
                def _reuse_wait():
                    wait_out(bn)
                start_gather(nxt, bn)

            wait_gather(k)
            if _ENABLE_ZERO:
                zero_pad_rows(g, k)
            start_out(g, k)
        return carry

    lax.fori_loop(0, nstep // NB, outer, 0)

    for b in range(NB):
        wait_out(b)


def kernel(x, W):
    n_rows, n_cols = x.shape
    B = n_rows * n_cols
    xf = x.reshape(B).astype(jnp.int32)

    mesh = plsc.VectorSubcoreMesh(
        core_axis_name="c", subcore_axis_name="s",
        num_cores=NC, num_subcores=NS)
    bpw = B // NW
    scratch = (
        [pltpu.VMEM((bpw,), jnp.int32)]
        + [pltpu.VMEM((STEP, D), jnp.float32) for _ in range(NB)]
        + [pltpu.SemaphoreType.DMA] * (2 * NB)
    )
    gather = pl.kernel(
        _gather_body,
        out_type=jax.ShapeDtypeStruct((B, D), jnp.float32),
        mesh=mesh,
        scratch_types=scratch,
        compiler_params=pltpu.CompilerParams(
            use_tc_tiling_on_sc=False, needs_layout_passes=False),
    )
    out = gather(W, xf)
    return out.reshape(n_rows, n_cols, D)

# --- scband reference (transcript-rebuilt; emitter-appended) ---
"""Pipeline reference for scband-lookup-table-embeddings-22265110463302 (READ-ONLY COPY).

The authoritative reference and input builder live on the scoring server;
editing this copy changes nothing except your own understanding.
"""

import jax, jax.numpy as jnp
import numpy as np

VSZ = 1000000
DSZ = 64
PAD = 0

def setup_inputs(seed: int = 0) -> dict:
    key = jax.random.key(seed)
    k1, k2 = jax.random.split(key)
    x = jax.random.randint(k1, (4096, 50), 0, VSZ, dtype=jnp.int64 if jax.config.jax_enable_x64 else jnp.int32)
    W = jax.random.uniform(k2, (VSZ, DSZ), minval=-0.1, maxval=0.1, dtype=jnp.float32)
    return {"x": x, "W": W}

def reference(x, W):
    # Faithful to LookupTableEmbeddings.encode at inference:
    # The original zeroes the PAD row into a tensor e0 that is only used as a
    # control dependency; the actual lookup reads from self.W (with dropout,
    # identity at inference). We reproduce the PAD-zeroing on the table actually
    # used for lookup, matching the intended semantics of masking PAD.
    W_pad = W.at[PAD].set(jnp.zeros((DSZ,), dtype=W.dtype))
    word_embeddings = jnp.take(W_pad, x, axis=0)
    return word_embeddings

if __name__ == "__main__":
    import jax
    _d = setup_inputs()
    print(jax.jit(kernel)(*tuple(_d.values())))

</pallas_src>

<mosaic_0001>
#map = affine_map<(d0, d1) -> (0, 0)>
#map1 = affine_map<(d0, d1) -> (0)>
module attributes {stable_mosaic.version = 14 : i64} {
  func.func @_gather_body(%arg0: i32, %arg1: i32, %arg2: memref<1000000x64xf32, #tpu.memory_space<hbm>>, %arg3: memref<204800xi32, #tpu.memory_space<hbm>>, %arg4: memref<204800x64xf32, #tpu.memory_space<hbm>>, %arg5: memref<6400xi32, #tpu.memory_space<vmem>>, %arg6: memref<128x64xf32, #tpu.memory_space<vmem>>, %arg7: memref<128x64xf32, #tpu.memory_space<vmem>>, %arg8: memref<128x64xf32, #tpu.memory_space<vmem>>, %arg9: memref<128x64xf32, #tpu.memory_space<vmem>>, %arg10: memref<128x64xf32, #tpu.memory_space<vmem>>, %arg11: memref<!tpu.dma_semaphore, #tpu.memory_space<semaphore_mem>>, %arg12: memref<!tpu.dma_semaphore, #tpu.memory_space<semaphore_mem>>, %arg13: memref<!tpu.dma_semaphore, #tpu.memory_space<semaphore_mem>>, %arg14: memref<!tpu.dma_semaphore, #tpu.memory_space<semaphore_mem>>, %arg15: memref<!tpu.dma_semaphore, #tpu.memory_space<semaphore_mem>>, %arg16: memref<!tpu.dma_semaphore, #tpu.memory_space<semaphore_mem>>, %arg17: memref<!tpu.dma_semaphore, #tpu.memory_space<semaphore_mem>>, %arg18: memref<!tpu.dma_semaphore, #tpu.memory_space<semaphore_mem>>, %arg19: memref<!tpu.dma_semaphore, #tpu.memory_space<semaphore_mem>>, %arg20: memref<!tpu.dma_semaphore, #tpu.memory_space<semaphore_mem>>) attributes {dimension_semantics = [#tpu.dimension_semantics<core_parallel>, #tpu.dimension_semantics<subcore_parallel>], iteration_bounds = array<i64: 2, 16>, scalar_prefetch = 0 : i64, scratch_operands = 16 : i64, tpu.core_type = #tpu.core_type<sc_vector_subcore>, window_params = [{transform_indices = #map}, {transform_indices = #map1}, {transform_indices = #map}]} {
    %mul3A = arith.constant 2 : i32
    %mul3A_0 = arith.muli %arg1, %mul3A : i32
    %add3A = arith.addi %mul3A_0, %arg0 : i32
    %mul3A_1 = arith.constant 6400 : i32
    %mul3A_2 = arith.muli %add3A, %mul3A_1 : i32
    "tpu.region"() ({
      %run_scoped3A = tpu.sem_alloc : memref<!tpu.dma_semaphore, #tpu.memory_space<semaphore_mem>>
      %dma_start3A_83 = tpu.memref_slice %arg3[%mul3A_2] : memref<204800xi32, #tpu.memory_space<hbm>> -> memref<6400xi32, #tpu.memory_space<hbm>>
      %dma_start3A_84 = tpu.memref_slice %arg3[%mul3A_2] : memref<204800xi32, #tpu.memory_space<hbm>> -> memref<6400xi32, #tpu.memory_space<hbm>>
      tpu.enqueue_dma source(%dma_start3A_84 : memref<6400xi32, #tpu.memory_space<hbm>>) target(%arg5 : memref<6400xi32, #tpu.memory_space<vmem>>) target_semaphore(%run_scoped3A : memref<!tpu.dma_semaphore, #tpu.memory_space<semaphore_mem>>)
      %dma_wait3A_85 = tpu.memref_slice %arg3[%mul3A_2] : memref<204800xi32, #tpu.memory_space<hbm>> -> memref<6400xi32, #tpu.memory_space<hbm>>
      %dma_wait3A_86 = tpu.memref_slice %arg3[%mul3A_2] : memref<204800xi32, #tpu.memory_space<hbm>> -> memref<6400xi32, #tpu.memory_space<hbm>>
      tpu.wait_dma2 semaphore(%run_scoped3A : memref<!tpu.dma_semaphore, #tpu.memory_space<semaphore_mem>>) src(%dma_wait3A_86 : memref<6400xi32, #tpu.memory_space<hbm>>) dst(%arg5 : memref<6400xi32, #tpu.memory_space<vmem>>)
      tpu.yield
    }) : () -> ()
    %iota3A = tpu.iota {dimensions = array<i32: 0>} : vector<16xi32>
    %add3A_3 = arith.constant 0 : i32
    %add3A_4 = vector.broadcast %add3A_3 : i32 to vector<16xi32>
    %add3A_5 = arith.addi %iota3A, %add3A_4 : vector<16xi32>
    %iota3A_6 = tpu.iota {dimensions = array<i32: 0>} : vector<16xi32>
    %add3A_7 = arith.constant 16 : i32
    %add3A_8 = vector.broadcast %add3A_7 : i32 to vector<16xi32>
    %add3A_9 = arith.addi %iota3A_6, %add3A_8 : vector<16xi32>
    %iota3A_10 = tpu.iota {dimensions = array<i32: 0>} : vector<16xi32>
    %add3A_11 = arith.constant 32 : i32
    %add3A_12 = vector.broadcast %add3A_11 : i32 to vector<16xi32>
    %add3A_13 = arith.addi %iota3A_10, %add3A_12 : vector<16xi32>
    %iota3A_14 = tpu.iota {dimensions = array<i32: 0>} : vector<16xi32>
    %add3A_15 = arith.constant 48 : i32
    %add3A_16 = vector.broadcast %add3A_15 : i32 to vector<16xi32>
    %add3A_17 = arith.addi %iota3A_14, %add3A_16 : vector<16xi32>
    %iota3A_18 = tpu.iota {dimensions = array<i32: 0>} : vector<16xi32>
    %add3A_19 = arith.constant 64 : i32
    %add3A_20 = vector.broadcast %add3A_19 : i32 to vector<16xi32>
    %add3A_21 = arith.addi %iota3A_18, %add3A_20 : vector<16xi32>
    %iota3A_22 = tpu.iota {dimensions = array<i32: 0>} : vector<16xi32>
    %add3A_23 = arith.constant 80 : i32
    %add3A_24 = vector.broadcast %add3A_23 : i32 to vector<16xi32>
    %add3A_25 = arith.addi %iota3A_22, %add3A_24 : vector<16xi32>
    %iota3A_26 = tpu.iota {dimensions = array<i32: 0>} : vector<16xi32>
    %add3A_27 = arith.constant 96 : i32
    %add3A_28 = vector.broadcast %add3A_27 : i32 to vector<16xi32>
    %add3A_29 = arith.addi %iota3A_26, %add3A_28 : vector<16xi32>
    %iota3A_30 = tpu.iota {dimensions = array<i32: 0>} : vector<16xi32>
    %add3A_31 = arith.constant 112 : i32
    %add3A_32 = vector.broadcast %add3A_31 : i32 to vector<16xi32>
    %add3A_33 = arith.addi %iota3A_30, %add3A_32 : vector<16xi32>
    %broadcast_in_dim3A = arith.constant 0.000000e+00 : f32
    %broadcast_in_dim3A_34 = vector.broadcast %broadcast_in_dim3A : f32 to vector<16xf32>
    %dma_start3A = arith.constant 0 : i32
    %dma_start3A_35 = tpu.memref_slice %arg5[%dma_start3A] : memref<6400xi32, #tpu.memory_space<vmem>> -> memref<128xi32, #tpu.memory_space<vmem>>
    %dma_start3A_36 = arith.constant 0 : i32
    %dma_start3A_37 = arith.constant 0 : i32
    %dma_start3A_38 = tpu.memref_slice %arg2[%dma_start3A_36, %dma_start3A_37] : memref<1000000x64xf32, #tpu.memory_space<hbm>> -> memref<1000000x64xf32, #tpu.memory_space<hbm>>
    tpu.enqueue_indirect_dma source(%dma_start3A_38 : memref<1000000x64xf32, #tpu.memory_space<hbm>>) target(%arg6 : memref<128x64xf32, #tpu.memory_space<vmem>>) offsets(%dma_start3A_35 : memref<128xi32, #tpu.memory_space<vmem>>) semaphore(%arg11 : memref<!tpu.dma_semaphore, #tpu.memory_space<semaphore_mem>>)
    %dma_start3A_39 = arith.constant 128 : i32
    %dma_start3A_40 = tpu.memref_slice %arg5[%dma_start3A_39] : memref<6400xi32, #tpu.memory_space<vmem>> -> memref<128xi32, #tpu.memory_space<vmem>>
    %dma_start3A_41 = arith.constant 0 : i32
    %dma_start3A_42 = arith.constant 0 : i32
    %dma_start3A_43 = tpu.memref_slice %arg2[%dma_start3A_41, %dma_start3A_42] : memref<1000000x64xf32, #tpu.memory_space<hbm>> -> memref<1000000x64xf32, #tpu.memory_space<hbm>>
    tpu.enqueue_indirect_dma source(%dma_start3A_43 : memref<1000000x64xf32, #tpu.memory_space<hbm>>) target(%arg7 : memref<128x64xf32, #tpu.memory_space<vmem>>) offsets(%dma_start3A_40 : memref<128xi32, #tpu.memory_space<vmem>>) semaphore(%arg12 : memref<!tpu.dma_semaphore, #tpu.memory_space<semaphore_mem>>)
    %dma_start3A_44 = arith.constant 256 : i32
    %dma_start3A_45 = tpu.memref_slice %arg5[%dma_start3A_44] : memref<6400xi32, #tpu.memory_space<vmem>> -> memref<128xi32, #tpu.memory_space<vmem>>
    %dma_start3A_46 = arith.constant 0 : i32
    %dma_start3A_47 = arith.constant 0 : i32
    %dma_start3A_48 = tpu.memref_slice %arg2[%dma_start3A_46, %dma_start3A_47] : memref<1000000x64xf32, #tpu.memory_space<hbm>> -> memref<1000000x64xf32, #tpu.memory_space<hbm>>
    tpu.enqueue_indirect_dma source(%dma_start3A_48 : memref<1000000x64xf32, #tpu.memory_space<hbm>>) target(%arg8 : memref<128x64xf32, #tpu.memory_space<vmem>>) offsets(%dma_start3A_45 : memref<128xi32, #tpu.memory_space<vmem>>) semaphore(%arg13 : memref<!tpu.dma_semaphore, #tpu.memory_space<semaphore_mem>>)
    %scan3A = arith.constant 0 : i32
    %scan3A_49 = arith.constant 0 : i32
    %scan3A_50 = arith.constant 10 : i32
    %scan3A_51 = arith.addi %scan3A_49, %scan3A_50 : i32
    %scan3A_52 = arith.constant 1 : i32
    scf.for %scan3A_83 = %scan3A_49 to %scan3A_51 step %scan3A_52  : i32 {
      %mul3A_84 = arith.constant 5 : i32
      %mul3A_85 = arith.muli %scan3A_83, %mul3A_84 : i32
      %add3A_86 = arith.constant 0 : i32
      %add3A_87 = arith.addi %mul3A_85, %add3A_86 : i32
      %add3A_88 = arith.constant 3 : i32
      %add3A_89 = arith.addi %add3A_87, %add3A_88 : i32
      %lt3A = arith.constant 50 : i32
      %lt3A_90 = arith.cmpi slt, %add3A_89, %lt3A : i32
      %convert_element_type3A = arith.extui %lt3A_90 : i1 to i32
      %cond3A = arith.constant 0 : i32
      %cond3A_91 = arith.cmpi ne, %convert_element_type3A, %cond3A : i32
      scf.if %cond3A_91 {
        %ge3A = arith.constant 5 : i32
        %ge3A_622 = arith.cmpi sge, %add3A_89, %ge3A : i32
        %convert_element_type3A_623 = arith.extui %ge3A_622 : i1 to i32
        %cond3A_624 = arith.constant 0 : i32
        %cond3A_625 = arith.cmpi ne, %convert_element_type3A_623, %cond3A_624 : i32
        scf.if %cond3A_625 {
          %dma_wait3A_632 = arith.constant 0 : i32
          %dma_wait3A_633 = arith.constant 0 : i32
          %dma_wait3A_634 = tpu.memref_slice %arg4[%dma_wait3A_632, %dma_wait3A_633] : memref<204800x64xf32, #tpu.memory_space<hbm>> -> memref<128x64xf32, #tpu.memory_space<hbm>>
          %dma_wait3A_635 = arith.constant 0 : i32
          %dma_wait3A_636 = arith.constant 0 : i32
          %dma_wait3A_637 = tpu.memref_slice %arg4[%dma_wait3A_635, %dma_wait3A_636] : memref<204800x64xf32, #tpu.memory_space<hbm>> -> memref<128x64xf32, #tpu.memory_space<hbm>>
          tpu.wait_dma2 semaphore(%arg19 : memref<!tpu.dma_semaphore, #tpu.memory_space<semaphore_mem>>) src(%arg9 : memref<128x64xf32, #tpu.memory_space<vmem>>) dst(%dma_wait3A_637 : memref<128x64xf32, #tpu.memory_space<hbm>>)
        } else {
        }
        %mul3A_626 = arith.constant 128 : i32
        %mul3A_627 = arith.muli %add3A_89, %mul3A_626 : i32
        %dma_start3A_628 = tpu.memref_slice %arg5[%mul3A_627] : memref<6400xi32, #tpu.memory_space<vmem>> -> memref<128xi32, #tpu.memory_space<vmem>>
        %dma_start3A_629 = arith.constant 0 : i32
        %dma_start3A_630 = arith.constant 0 : i32
        %dma_start3A_631 = tpu.memref_slice %arg2[%dma_start3A_629, %dma_start3A_630] : memref<1000000x64xf32, #tpu.memory_space<hbm>> -> memref<1000000x64xf32, #tpu.memory_space<hbm>>
        tpu.enqueue_indirect_dma source(%dma_start3A_631 : memref<1000000x64xf32, #tpu.memory_space<hbm>>) target(%arg9 : memref<128x64xf32, #tpu.memory_space<vmem>>) offsets(%dma_start3A_628 : memref<128xi32, #tpu.memory_space<vmem>>) semaphore(%arg14 : memref<!tpu.dma_semaphore, #tpu.memory_space<semaphore_mem>>)
      } else {
      }
      %dma_wait3A_92 = arith.constant 0 : i32
      %dma_wait3A_93 = arith.constant 0 : i32
      %dma_wait3A_94 = tpu.memref_slice %arg2[%dma_wait3A_92, %dma_wait3A_93] : memref<1000000x64xf32, #tpu.memory_space<hbm>> -> memref<128x64xf32, #tpu.memory_space<hbm>>
      %dma_wait3A_95 = arith.constant 0 : i32
      %dma_wait3A_96 = arith.constant 0 : i32
      %dma_wait3A_97 = tpu.memref_slice %arg2[%dma_wait3A_95, %dma_wait3A_96] : memref<1000000x64xf32, #tpu.memory_space<hbm>> -> memref<128x64xf32, #tpu.memory_space<hbm>>
      tpu.wait_dma2 semaphore(%arg11 : memref<!tpu.dma_semaphore, #tpu.memory_space<semaphore_mem>>) src(%dma_wait3A_97 : memref<128x64xf32, #tpu.memory_space<hbm>>) dst(%arg6 : memref<128x64xf32, #tpu.memory_space<vmem>>)
      %mul3A_98 = arith.constant 128 : i32
      %mul3A_99 = arith.muli %add3A_87, %mul3A_98 : i32
      %broadcast_in_dim3A_100 = arith.constant 0 : i32
      %broadcast_in_dim3A_101 = vector.broadcast %broadcast_in_dim3A_100 : i32 to vector<16xi32>
      %add3A_102 = arith.constant 0 : i32
      %add3A_103 = arith.addi %mul3A_99, %add3A_102 : i32
      %get3A = arith.index_cast %add3A_103 : i32 to index
      %get3A_104 = tpu.vector_load %arg5[%get3A] {strides = array<i32>} : memref<6400xi32, #tpu.memory_space<vmem>>, vector<16xi32>,
      %eq3A = arith.constant 0 : i32
      %eq3A_105 = vector.broadcast %eq3A : i32 to vector<16xi32>
      %eq3A_106 = arith.cmpi eq, %get3A_104, %eq3A_105 : vector<16xi32>
      %convert_element_type3A_107 = arith.extui %eq3A_106 : vector<16xi1> to vector<16xi32>
      %add3A_108 = arith.addi %broadcast_in_dim3A_101, %convert_element_type3A_107 : vector<16xi32>
      %add3A_109 = arith.constant 16 : i32
      %add3A_110 = arith.addi %mul3A_99, %add3A_109 : i32
      %get3A_111 = arith.index_cast %add3A_110 : i32 to index
      %get3A_112 = tpu.vector_load %arg5[%get3A_111] {strides = array<i32>} : memref<6400xi32, #tpu.memory_space<vmem>>, vector<16xi32>,
      %eq3A_113 = arith.constant 0 : i32
      %eq3A_114 = vector.broadcast %eq3A_113 : i32 to vector<16xi32>
      %eq3A_115 = arith.cmpi eq, %get3A_112, %eq3A_114 : vector<16xi32>
      %convert_element_type3A_116 = arith.extui %eq3A_115 : vector<16xi1> to vector<16xi32>
      %add3A_117 = arith.addi %add3A_108, %convert_element_type3A_116 : vector<16xi32>
      %add3A_118 = arith.constant 32 : i32
      %add3A_119 = arith.addi %mul3A_99, %add3A_118 : i32
      %get3A_120 = arith.index_cast %add3A_119 : i32 to index
      %get3A_121 = tpu.vector_load %arg5[%get3A_120] {strides = array<i32>} : memref<6400xi32, #tpu.memory_space<vmem>>, vector<16xi32>,
      %eq3A_122 = arith.constant 0 : i32
      %eq3A_123 = vector.broadcast %eq3A_122 : i32 to vector<16xi32>
      %eq3A_124 = arith.cmpi eq, %get3A_121, %eq3A_123 : vector<16xi32>
      %convert_element_type3A_125 = arith.extui %eq3A_124 : vector<16xi1> to vector<16xi32>
      %add3A_126 = arith.addi %add3A_117, %convert_element_type3A_125 : vector<16xi32>
      %add3A_127 = arith.constant 48 : i32
      %add3A_128 = arith.addi %mul3A_99, %add3A_127 : i32
      %get3A_129 = arith.index_cast %add3A_128 : i32 to index
      %get3A_130 = tpu.vector_load %arg5[%get3A_129] {strides = array<i32>} : memref<6400xi32, #tpu.memory_space<vmem>>, vector<16xi32>,
      %eq3A_131 = arith.constant 0 : i32
      %eq3A_132 = vector.broadcast %eq3A_131 : i32 to vector<16xi32>
      %eq3A_133 = arith.cmpi eq, %get3A_130, %eq3A_132 : vector<16xi32>
      %convert_element_type3A_134 = arith.extui %eq3A_133 : vector<16xi1> to vector<16xi32>
      %add3A_135 = arith.addi %add3A_126, %convert_element_type3A_134 : vector<16xi32>
      %add3A_136 = arith.constant 64 : i32
      %add3A_137 = arith.addi %mul3A_99, %add3A_136 : i32
      %get3A_138 = arith.index_cast %add3A_137 : i32 to index
      %get3A_139 = tpu.vector_load %arg5[%get3A_138] {strides = array<i32>} : memref<6400xi32, #tpu.memory_space<vmem>>, vector<16xi32>,
      %eq3A_140 = arith.constant 0 : i32
      %eq3A_141 = vector.broadcast %eq3A_140 : i32 to vector<16xi32>
      %eq3A_142 = arith.cmpi eq, %get3A_139, %eq3A_141 : vector<16xi32>
      %convert_element_type3A_143 = arith.extui %eq3A_142 : vector<16xi1> to vector<16xi32>
      %add3A_144 = arith.addi %add3A_135, %convert_element_type3A_143 : vector<16xi32>
      %add3A_145 = arith.constant 80 : i32
      %add3A_146 = arith.addi %mul3A_99, %add3A_145 : i32
      %get3A_147 = arith.index_cast %add3A_146 : i32 to index
      %get3A_148 = tpu.vector_load %arg5[%get3A_147] {strides = array<i32>} : memref<6400xi32, #tpu.memory_space<vmem>>, vector<16xi32>,
      %eq3A_149 = arith.constant 0 : i32
      %eq3A_150 = vector.broadcast %eq3A_149 : i32 to vector<16xi32>
      %eq3A_151 = arith.cmpi eq, %get3A_148, %eq3A_150 : vector<16xi32>
      %convert_element_type3A_152 = arith.extui %eq3A_151 : vector<16xi1> to vector<16xi32>
      %add3A_153 = arith.addi %add3A_144, %convert_element_type3A_152 : vector<16xi32>
      %add3A_154 = arith.constant 96 : i32
      %add3A_155 = arith.addi %mul3A_99, %add3A_154 : i32
      %get3A_156 = arith.index_cast %add3A_155 : i32 to index
      %get3A_157 = tpu.vector_load %arg5[%get3A_156] {strides = array<i32>} : memref<6400xi32, #tpu.memory_space<vmem>>, vector<16xi32>,
      %eq3A_158 = arith.constant 0 : i32
      %eq3A_159 = vector.broadcast %eq3A_158 : i32 to vector<16xi32>
      %eq3A_160 = arith.cmpi eq, %get3A_157, %eq3A_159 : vector<16xi32>
      %convert_element_type3A_161 = arith.extui %eq3A_160 : vector<16xi1> to vector<16xi32>
      %add3A_162 = arith.addi %add3A_153, %convert_element_type3A_161 : vector<16xi32>
      %add3A_163 = arith.constant 112 : i32
      %add3A_164 = arith.addi %mul3A_99, %add3A_163 : i32
      %get3A_165 = arith.index_cast %add3A_164 : i32 to index
      %get3A_166 = tpu.vector_load %arg5[%get3A_165] {strides = array<i32>} : memref<6400xi32, #tpu.memory_space<vmem>>, vector<16xi32>,
      %eq3A_167 = arith.constant 0 : i32
      %eq3A_168 = vector.broadcast %eq3A_167 : i32 to vector<16xi32>
      %eq3A_169 = arith.cmpi eq, %get3A_166, %eq3A_168 : vector<16xi32>
      %convert_element_type3A_170 = arith.extui %eq3A_169 : vector<16xi1> to vector<16xi32>
      %add3A_171 = arith.addi %add3A_162, %convert_element_type3A_170 : vector<16xi32>
      %reduce_sum3A = arith.constant true
      %reduce_sum3A_172 = vector.broadcast %reduce_sum3A : i1 to vector<16xi1>
      %reduce_sum3A_173 = tpu.scan <sum>, %add3A_171 masked %reduce_sum3A_172 : vector<16xi32>, vector<16xi1> -> vector<16xi32>
      %reduce_sum3A_174 = vector.extract %reduce_sum3A_173[15] : i32 from vector<16xi32>
      %ne3A = arith.constant 0 : i32
      %ne3A_175 = arith.cmpi ne, %reduce_sum3A_174, %ne3A : i32
      %convert_element_type3A_176 = arith.extui %ne3A_175 : i1 to i32
      %cond3A_177 = arith.constant 0 : i32
      %cond3A_178 = arith.cmpi ne, %convert_element_type3A_176, %cond3A_177 : i32
      scf.if %cond3A_178 {
        %add3A_622 = arith.constant 0 : i32
        %add3A_623 = arith.addi %mul3A_99, %add3A_622 : i32
        %get3A_624 = arith.index_cast %add3A_623 : i32 to index
        %get3A_625 = tpu.vector_load %arg5[%get3A_624] {strides = array<i32>} : memref<6400xi32, #tpu.memory_space<vmem>>, vector<16xi32>,
        %eq3A_626 = arith.constant 0 : i32
        %eq3A_627 = vector.broadcast %eq3A_626 : i32 to vector<16xi32>
        %eq3A_628 = arith.cmpi eq, %get3A_625, %eq3A_627 : vector<16xi32>
        %convert_element_type3A_629 = arith.extui %eq3A_628 : vector<16xi1> to vector<16xi32>
        %reduce_sum3A_630 = arith.constant true
        %reduce_sum3A_631 = vector.broadcast %reduce_sum3A_630 : i1 to vector<16xi1>
        %reduce_sum3A_632 = tpu.scan <sum>, %convert_element_type3A_629 masked %reduce_sum3A_631 : vector<16xi32>, vector<16xi1> -> vector<16xi32>
        %reduce_sum3A_633 = vector.extract %reduce_sum3A_632[15] : i32 from vector<16xi32>
        %ne3A_634 = arith.constant 0 : i32
        %ne3A_635 = arith.cmpi ne, %reduce_sum3A_633, %ne3A_634 : i32
        %convert_element_type3A_636 = arith.extui %ne3A_635 : i1 to i32
        %cond3A_637 = arith.constant 0 : i32
        %cond3A_638 = arith.cmpi ne, %convert_element_type3A_636, %cond3A_637 : i32
        scf.if %cond3A_638 {
          %scan3A_758 = arith.constant 0 : i32
          %scan3A_759 = arith.constant 0 : i32
          %scan3A_760 = arith.constant 64 : i32
          %scan3A_761 = arith.addi %scan3A_759, %scan3A_760 : i32
          %scan3A_762 = arith.constant 1 : i32
          scf.for %scan3A_764 = %scan3A_759 to %scan3A_761 step %scan3A_762  : i32 {
            %broadcast_in_dim3A_765 = arith.constant 0 : i32
            %broadcast_in_dim3A_766 = vector.broadcast %broadcast_in_dim3A_765 : i32 to vector<16xi32>
            %add3A_767 = vector.broadcast %scan3A_764 : i32 to vector<16xi32>
            %add3A_768 = arith.addi %broadcast_in_dim3A_766, %add3A_767 : vector<16xi32>
            tpu.vector_store_idx %arg6[%add3A_5, %add3A_768], %broadcast_in_dim3A_34 masked %eq3A_628 : memref<128x64xf32, #tpu.memory_space<vmem>>[vector<16xi32>, vector<16xi32>], vector<16xf32>, vector<16xi1>
          }
          %scan3A_763 = arith.constant 64 : i32
        } else {
        }
        %add3A_639 = arith.constant 16 : i32
        %add3A_640 = arith.addi %mul3A_99, %add3A_639 : i32
        %get3A_641 = arith.index_cast %add3A_640 : i32 to index
        %get3A_642 = tpu.vector_load %arg5[%get3A_641] {strides = array<i32>} : memref<6400xi32, #tpu.memory_space<vmem>>, vector<16xi32>,
        %eq3A_643 = arith.constant 0 : i32
        %eq3A_644 = vector.broadcast %eq3A_643 : i32 to vector<16xi32>
        %eq3A_645 = arith.cmpi eq, %get3A_642, %eq3A_644 : vector<16xi32>
        %convert_element_type3A_646 = arith.extui %eq3A_645 : vector<16xi1> to vector<16xi32>
        %reduce_sum3A_647 = arith.constant true
        %reduce_sum3A_648 = vector.broadcast %reduce_sum3A_647 : i1 to vector<16xi1>
        %reduce_sum3A_649 = tpu.scan <sum>, %convert_element_type3A_646 masked %reduce_sum3A_648 : vector<16xi32>, vector<16xi1> -> vector<16xi32>
        %reduce_sum3A_650 = vector.extract %reduce_sum3A_649[15] : i32 from vector<16xi32>
        %ne3A_651 = arith.constant 0 : i32
        %ne3A_652 = arith.cmpi ne, %reduce_sum3A_650, %ne3A_651 : i32
        %convert_element_type3A_653 = arith.extui %ne3A_652 : i1 to i32
        %cond3A_654 = arith.constant 0 : i32
        %cond3A_655 = arith.cmpi ne, %convert_element_type3A_653, %cond3A_654 : i32
        scf.if %cond3A_655 {
          %scan3A_758 = arith.constant 0 : i32
          %scan3A_759 = arith.constant 0 : i32
          %scan3A_760 = arith.constant 64 : i32
          %scan3A_761 = arith.addi %scan3A_759, %scan3A_760 : i32
          %scan3A_762 = arith.constant 1 : i32
          scf.for %scan3A_764 = %scan3A_759 to %scan3A_761 step %scan3A_762  : i32 {
            %broadcast_in_dim3A_765 = arith.constant 0 : i32
            %broadcast_in_dim3A_766 = vector.broadcast %broadcast_in_dim3A_765 : i32 to vector<16xi32>
            %add3A_767 = vector.broadcast %scan3A_764 : i32 to vector<16xi32>
            %add3A_768 = arith.addi %broadcast_in_dim3A_766, %add3A_767 : vector<16xi32>
            tpu.vector_store_idx %arg6[%add3A_9, %add3A_768], %broadcast_in_dim3A_34 masked %eq3A_645 : memref<128x64xf32, #tpu.memory_space<vmem>>[vector<16xi32>, vector<16xi32>], vector<16xf32>, vector<16xi1>
          }
          %scan3A_763 = arith.constant 64 : i32
        } else {
        }
        %add3A_656 = arith.constant 32 : i32
        %add3A_657 = arith.addi %mul3A_99, %add3A_656 : i32
        %get3A_658 = arith.index_cast %add3A_657 : i32 to index
        %get3A_659 = tpu.vector_load %arg5[%get3A_658] {strides = array<i32>} : memref<6400xi32, #tpu.memory_space<vmem>>, vector<16xi32>,
        %eq3A_660 = arith.constant 0 : i32
        %eq3A_661 = vector.broadcast %eq3A_660 : i32 to vector<16xi32>
        %eq3A_662 = arith.cmpi eq, %get3A_659, %eq3A_661 : vector<16xi32>
        %convert_element_type3A_663 = arith.extui %eq3A_662 : vector<16xi1> to vector<16xi32>
        %reduce_sum3A_664 = arith.constant true
        %reduce_sum3A_665 = vector.broadcast %reduce_sum3A_664 : i1 to vector<16xi1>
        %reduce_sum3A_666 = tpu.scan <sum>, %convert_element_type3A_663 masked %reduce_sum3A_665 : vector<16xi32>, vector<16xi1> -> vector<16xi32>
        %reduce_sum3A_667 = vector.extract %reduce_sum3A_666[15] : i32 from vector<16xi32>
        %ne3A_668 = arith.constant 0 : i32
        %ne3A_669 = arith.cmpi ne, %reduce_sum3A_667, %ne3A_668 : i32
        %convert_element_type3A_670 = arith.extui %ne3A_669 : i1 to i32
        %cond3A_671 = arith.constant 0 : i32
        %cond3A_672 = arith.cmpi ne, %convert_element_type3A_670, %cond3A_671 : i32
        scf.if %cond3A_672 {
          %scan3A_758 = arith.constant 0 : i32
          %scan3A_759 = arith.constant 0 : i32
          %scan3A_760 = arith.constant 64 : i32
          %scan3A_761 = arith.addi %scan3A_759, %scan3A_760 : i32
          %scan3A_762 = arith.constant 1 : i32
          scf.for %scan3A_764 = %scan3A_759 to %scan3A_761 step %scan3A_762  : i32 {
            %broadcast_in_dim3A_765 = arith.constant 0 : i32
            %broadcast_in_dim3A_766 = vector.broadcast %broadcast_in_dim3A_765 : i32 to vector<16xi32>
            %add3A_767 = vector.broadcast %scan3A_764 : i32 to vector<16xi32>
            %add3A_768 = arith.addi %broadcast_in_dim3A_766, %add3A_767 : vector<16xi32>
            tpu.vector_store_idx %arg6[%add3A_13, %add3A_768], %broadcast_in_dim3A_34 masked %eq3A_662 : memref<128x64xf32, #tpu.memory_space<vmem>>[vector<16xi32>, vector<16xi32>], vector<16xf32>, vector<16xi1>
          }
          %scan3A_763 = arith.constant 64 : i32
        } else {
        }
        %add3A_673 = arith.constant 48 : i32
        %add3A_674 = arith.addi %mul3A_99, %add3A_673 : i32
        %get3A_675 = arith.index_cast %add3A_674 : i32 to index
        %get3A_676 = tpu.vector_load %arg5[%get3A_675] {strides = array<i32>} : memref<6400xi32, #tpu.memory_space<vmem>>, vector<16xi32>,
        %eq3A_677 = arith.constant 0 : i32
        %eq3A_678 = vector.broadcast %eq3A_677 : i32 to vector<16xi32>
        %eq3A_679 = arith.cmpi eq, %get3A_676, %eq3A_678 : vector<16xi32>
        %convert_element_type3A_680 = arith.extui %eq3A_679 : vector<16xi1> to vector<16xi32>
        %reduce_sum3A_681 = arith.constant true
        %reduce_sum3A_682 = vector.broadcast %reduce_sum3A_681 : i1 to vector<16xi1>
        %reduce_sum3A_683 = tpu.scan <sum>, %convert_element_type3A_680 masked %reduce_sum3A_682 : vector<16xi32>, vector<16xi1> -> vector<16xi32>
        %reduce_sum3A_684 = vector.extract %reduce_sum3A_683[15] : i32 from vector<16xi32>
        %ne3A_685 = arith.constant 0 : i32
        %ne3A_686 = arith.cmpi ne, %reduce_sum3A_684, %ne3A_685 : i32
        %convert_element_type3A_687 = arith.extui %ne3A_686 : i1 to i32
        %cond3A_688 = arith.constant 0 : i32
        %cond3A_689 = arith.cmpi ne, %convert_element_type3A_687, %cond3A_688 : i32
        scf.if %cond3A_689 {
          %scan3A_758 = arith.constant 0 : i32
          %scan3A_759 = arith.constant 0 : i32
          %scan3A_760 = arith.constant 64 : i32
          %scan3A_761 = arith.addi %scan3A_759, %scan3A_760 : i32
          %scan3A_762 = arith.constant 1 : i32
          scf.for %scan3A_764 = %scan3A_759 to %scan3A_761 step %scan3A_762  : i32 {
            %broadcast_in_dim3A_765 = arith.constant 0 : i32
            %broadcast_in_dim3A_766 = vector.broadcast %broadcast_in_dim3A_765 : i32 to vector<16xi32>
            %add3A_767 = vector.broadcast %scan3A_764 : i32 to vector<16xi32>
            %add3A_768 = arith.addi %broadcast_in_dim3A_766, %add3A_767 : vector<16xi32>
            tpu.vector_store_idx %arg6[%add3A_17, %add3A_768], %broadcast_in_dim3A_34 masked %eq3A_679 : memref<128x64xf32, #tpu.memory_space<vmem>>[vector<16xi32>, vector<16xi32>], vector<16xf32>, vector<16xi1>
          }
          %scan3A_763 = arith.constant 64 : i32
        } else {
        }
        %add3A_690 = arith.constant 64 : i32
        %add3A_691 = arith.addi %mul3A_99, %add3A_690 : i32
        %get3A_692 = arith.index_cast %add3A_691 : i32 to index
        %get3A_693 = tpu.vector_load %arg5[%get3A_692] {strides = array<i32>} : memref<6400xi32, #tpu.memory_space<vmem>>, vector<16xi32>,
        %eq3A_694 = arith.constant 0 : i32
        %eq3A_695 = vector.broadcast %eq3A_694 : i32 to vector<16xi32>
        %eq3A_696 = arith.cmpi eq, %get3A_693, %eq3A_695 : vector<16xi32>
        %convert_element_type3A_697 = arith.extui %eq3A_696 : vector<16xi1> to vector<16xi32>
        %reduce_sum3A_698 = arith.constant true
        %reduce_sum3A_699 = vector.broadcast %reduce_sum3A_698 : i1 to vector<16xi1>
        %reduce_sum3A_700 = tpu.scan <sum>, %convert_element_type3A_697 masked %reduce_sum3A_699 : vector<16xi32>, vector<16xi1> -> vector<16xi32>
        %reduce_sum3A_701 = vector.extract %reduce_sum3A_700[15] : i32 from vector<16xi32>
        %ne3A_702 = arith.constant 0 : i32
        %ne3A_703 = arith.cmpi ne, %reduce_sum3A_701, %ne3A_702 : i32
        %convert_element_type3A_704 = arith.extui %ne3A_703 : i1 to i32
        %cond3A_705 = arith.constant 0 : i32
        %cond3A_706 = arith.cmpi ne, %convert_element_type3A_704, %cond3A_705 : i32
        scf.if %cond3A_706 {
          %scan3A_758 = arith.constant 0 : i32
          %scan3A_759 = arith.constant 0 : i32
          %scan3A_760 = arith.constant 64 : i32
          %scan3A_761 = arith.addi %scan3A_759, %scan3A_760 : i32
          %scan3A_762 = arith.constant 1 : i32
          scf.for %scan3A_764 = %scan3A_759 to %scan3A_761 step %scan3A_762  : i32 {
            %broadcast_in_dim3A_765 = arith.constant 0 : i32
            %broadcast_in_dim3A_766 = vector.broadcast %broadcast_in_dim3A_765 : i32 to vector<16xi32>
            %add3A_767 = vector.broadcast %scan3A_764 : i32 to vector<16xi32>
            %add3A_768 = arith.addi %broadcast_in_dim3A_766, %add3A_767 : vector<16xi32>
            tpu.vector_store_idx %arg6[%add3A_21, %add3A_768], %broadcast_in_dim3A_34 masked %eq3A_696 : memref<128x64xf32, #tpu.memory_space<vmem>>[vector<16xi32>, vector<16xi32>], vector<16xf32>, vector<16xi1>
          }
          %scan3A_763 = arith.constant 64 : i32
        } else {
        }
        %add3A_707 = arith.constant 80 : i32
        %add3A_708 = arith.addi %mul3A_99, %add3A_707 : i32
        %get3A_709 = arith.index_cast %add3A_708 : i32 to index
        %get3A_710 = tpu.vector_load %arg5[%get3A_709] {strides = array<i32>} : memref<6400xi32, #tpu.memory_space<vmem>>, vector<16xi32>,
        %eq3A_711 = arith.constant 0 : i32
        %eq3A_712 = vector.broadcast %eq3A_711 : i32 to vector<16xi32>
        %eq3A_713 = arith.cmpi eq, %get3A_710, %eq3A_712 : vector<16xi32>
        %convert_element_type3A_714 = arith.extui %eq3A_713 : vector<16xi1> to vector<16xi32>
        %reduce_sum3A_715 = arith.constant true
        %reduce_sum3A_716 = vector.broadcast %reduce_sum3A_715 : i1 to vector<16xi1>
        %reduce_sum3A_717 = tpu.scan <sum>, %convert_element_type3A_714 masked %reduce_sum3A_716 : vector<16xi32>, vector<16xi1> -> vector<16xi32>
        %reduce_sum3A_718 = vector.extract %reduce_sum3A_717[15] : i32 from vector<16xi32>
        %ne3A_719 = arith.constant 0 : i32
        %ne3A_720 = arith.cmpi ne, %reduce_sum3A_718, %ne3A_719 : i32
        %convert_element_type3A_721 = arith.extui %ne3A_720 : i1 to i32
        %cond3A_722 = arith.constant 0 : i32
        %cond3A_723 = arith.cmpi ne, %convert_element_type3A_721, %cond3A_722 : i32
        scf.if %cond3A_723 {
          %scan3A_758 = arith.constant 0 : i32
          %scan3A_759 = arith.constant 0 : i32
          %scan3A_760 = arith.constant 64 : i32
          %scan3A_761 = arith.addi %scan3A_759, %scan3A_760 : i32
          %scan3A_762 = arith.constant 1 : i32
          scf.for %scan3A_764 = %scan3A_759 to %scan3A_761 step %scan3A_762  : i32 {
            %broadcast_in_dim3A_765 = arith.constant 0 : i32
            %broadcast_in_dim3A_766 = vector.broadcast %broadcast_in_dim3A_765 : i32 to vector<16xi32>
            %add3A_767 = vector.broadcast %scan3A_764 : i32 to vector<16xi32>
            %add3A_768 = arith.addi %broadcast_in_dim3A_766, %add3A_767 : vector<16xi32>
            tpu.vector_store_idx %arg6[%add3A_25, %add3A_768], %broadcast_in_dim3A_34 masked %eq3A_713 : memref<128x64xf32, #tpu.memory_space<vmem>>[vector<16xi32>, vector<16xi32>], vector<16xf32>, vector<16xi1>
          }
          %scan3A_763 = arith.constant 64 : i32
        } else {
        }
        %add3A_724 = arith.constant 96 : i32
        %add3A_725 = arith.addi %mul3A_99, %add3A_724 : i32
        %get3A_726 = arith.index_cast %add3A_725 : i32 to index
        %get3A_727 = tpu.vector_load %arg5[%get3A_726] {strides = array<i32>} : memref<6400xi32, #tpu.memory_space<vmem>>, vector<16xi32>,
        %eq3A_728 = arith.constant 0 : i32
        %eq3A_729 = vector.broadcast %eq3A_728 : i32 to vector<16xi32>
        %eq3A_730 = arith.cmpi eq, %get3A_727, %eq3A_729 : vector<16xi32>
        %convert_element_type3A_731 = arith.extui %eq3A_730 : vector<16xi1> to vector<16xi32>
        %reduce_sum3A_732 = arith.constant true
        %reduce_sum3A_733 = vector.broadcast %reduce_sum3A_732 : i1 to vector<16xi1>
        %reduce_sum3A_734 = tpu.scan <sum>, %convert_element_type3A_731 masked %reduce_sum3A_733 : vector<16xi32>, vector<16xi1> -> vector<16xi32>
        %reduce_sum3A_735 = vector.extract %reduce_sum3A_734[15] : i32 from vector<16xi32>
        %ne3A_736 = arith.constant 0 : i32
        %ne3A_737 = arith.cmpi ne, %reduce_sum3A_735, %ne3A_736 : i32
        %convert_element_type3A_738 = arith.extui %ne3A_737 : i1 to i32
        %cond3A_739 = arith.constant 0 : i32
        %cond3A_740 = arith.cmpi ne, %convert_element_type3A_738, %cond3A_739 : i32
        scf.if %cond3A_740 {
          %scan3A_758 = arith.constant 0 : i32
          %scan3A_759 = arith.constant 0 : i32
          %scan3A_760 = arith.constant 64 : i32
          %scan3A_761 = arith.addi %scan3A_759, %scan3A_760 : i32
          %scan3A_762 = arith.constant 1 : i32
          scf.for %scan3A_764 = %scan3A_759 to %scan3A_761 step %scan3A_762  : i32 {
            %broadcast_in_dim3A_765 = arith.constant 0 : i32
            %broadcast_in_dim3A_766 = vector.broadcast %broadcast_in_dim3A_765 : i32 to vector<16xi32>
            %add3A_767 = vector.broadcast %scan3A_764 : i32 to vector<16xi32>
            %add3A_768 = arith.addi %broadcast_in_dim3A_766, %add3A_767 : vector<16xi32>
            tpu.vector_store_idx %arg6[%add3A_29, %add3A_768], %broadcast_in_dim3A_34 masked %eq3A_730 : memref<128x64xf32, #tpu.memory_space<vmem>>[vector<16xi32>, vector<16xi32>], vector<16xf32>, vector<16xi1>
          }
          %scan3A_763 = arith.constant 64 : i32
        } else {
        }
        %add3A_741 = arith.constant 112 : i32
        %add3A_742 = arith.addi %mul3A_99, %add3A_741 : i32
        %get3A_743 = arith.index_cast %add3A_742 : i32 to index
        %get3A_744 = tpu.vector_load %arg5[%get3A_743] {strides = array<i32>} : memref<6400xi32, #tpu.memory_space<vmem>>, vector<16xi32>,
        %eq3A_745 = arith.constant 0 : i32
        %eq3A_746 = vector.broadcast %eq3A_745 : i32 to vector<16xi32>
        %eq3A_747 = arith.cmpi eq, %get3A_744, %eq3A_746 : vector<16xi32>
        %convert_element_type3A_748 = arith.extui %eq3A_747 : vector<16xi1> to vector<16xi32>
        %reduce_sum3A_749 = arith.constant true
        %reduce_sum3A_750 = vector.broadcast %reduce_sum3A_749 : i1 to vector<16xi1>
        %reduce_sum3A_751 = tpu.scan <sum>, %convert_element_type3A_748 masked %reduce_sum3A_750 : vector<16xi32>, vector<16xi1> -> vector<16xi32>
        %reduce_sum3A_752 = vector.extract %reduce_sum3A_751[15] : i32 from vector<16xi32>
        %ne3A_753 = arith.constant 0 : i32
        %ne3A_754 = arith.cmpi ne, %reduce_sum3A_752, %ne3A_753 : i32
        %convert_element_type3A_755 = arith.extui %ne3A_754 : i1 to i32
        %cond3A_756 = arith.constant 0 : i32
        %cond3A_757 = arith.cmpi ne, %convert_element_type3A_755, %cond3A_756 : i32
        scf.if %cond3A_757 {
          %scan3A_758 = arith.constant 0 : i32
          %scan3A_759 = arith.constant 0 : i32
          %scan3A_760 = arith.constant 64 : i32
          %scan3A_761 = arith.addi %scan3A_759, %scan3A_760 : i32
          %scan3A_762 = arith.constant 1 : i32
          scf.for %scan3A_764 = %scan3A_759 to %scan3A_761 step %scan3A_762  : i32 {
            %broadcast_in_dim3A_765 = arith.constant 0 : i32
            %broadcast_in_dim3A_766 = vector.broadcast %broadcast_in_dim3A_765 : i32 to vector<16xi32>
            %add3A_767 = vector.broadcast %scan3A_764 : i32 to vector<16xi32>
            %add3A_768 = arith.addi %broadcast_in_dim3A_766, %add3A_767 : vector<16xi32>
            tpu.vector_store_idx %arg6[%add3A_33, %add3A_768], %broadcast_in_dim3A_34 masked %eq3A_747 : memref<128x64xf32, #tpu.memory_space<vmem>>[vector<16xi32>, vector<16xi32>], vector<16xf32>, vector<16xi1>
          }
          %scan3A_763 = arith.constant 64 : i32
        } else {
        }
      } else {
      }
      %mul3A_179 = arith.constant 128 : i32
      %mul3A_180 = arith.muli %add3A_87, %mul3A_179 : i32
      %add3A_181 = arith.addi %mul3A_2, %mul3A_180 : i32
      %dma_start3A_182 = arith.constant 0 : i32
      %dma_start3A_183 = tpu.memref_slice %arg4[%add3A_181, %dma_start3A_182] : memref<204800x64xf32, #tpu.memory_space<hbm>> -> memref<128x64xf32, #tpu.memory_space<hbm>>
      %dma_start3A_184 = arith.constant 0 : i32
      %dma_start3A_185 = tpu.memref_slice %arg4[%add3A_181, %dma_start3A_184] : memref<204800x64xf32, #tpu.memory_space<hbm>> -> memref<128x64xf32, #tpu.memory_space<hbm>>
      tpu.enqueue_dma source(%arg6 : memref<128x64xf32, #tpu.memory_space<vmem>>) target(%dma_start3A_185 : memref<128x64xf32, #tpu.memory_space<hbm>>) target_semaphore(%arg16 : memref<!tpu.dma_semaphore, #tpu.memory_space<semaphore_mem>>)
      %mul3A_186 = arith.constant 5 : i32
      %mul3A_187 = arith.muli %scan3A_83, %mul3A_186 : i32
      %add3A_188 = arith.constant 1 : i32
      %add3A_189 = arith.addi %mul3A_187, %add3A_188 : i32
      %add3A_190 = arith.constant 3 : i32
      %add3A_191 = arith.addi %add3A_189, %add3A_190 : i32
      %lt3A_192 = arith.constant 50 : i32
      %lt3A_193 = arith.cmpi slt, %add3A_191, %lt3A_192 : i32
      %convert_element_type3A_194 = arith.extui %lt3A_193 : i1 to i32
      %cond3A_195 = arith.constant 0 : i32
      %cond3A_196 = arith.cmpi ne, %convert_element_type3A_194, %cond3A_195 : i32
      scf.if %cond3A_196 {
        %ge3A = arith.constant 5 : i32
        %ge3A_622 = arith.cmpi sge, %add3A_191, %ge3A : i32
        %convert_element_type3A_623 = arith.extui %ge3A_622 : i1 to i32
        %cond3A_624 = arith.constant 0 : i32
        %cond3A_625 = arith.cmpi ne, %convert_element_type3A_623, %cond3A_624 : i32
        scf.if %cond3A_625 {
          %dma_wait3A_632 = arith.constant 0 : i32
          %dma_wait3A_633 = arith.constant 0 : i32
          %dma_wait3A_634 = tpu.memref_slice %arg4[%dma_wait3A_632, %dma_wait3A_633] : memref<204800x64xf32, #tpu.memory_space<hbm>> -> memref<128x64xf32, #tpu.memory_space<hbm>>
          %dma_wait3A_635 = arith.constant 0 : i32
          %dma_wait3A_636 = arith.constant 0 : i32
          %dma_wait3A_637 = tpu.memref_slice %arg4[%dma_wait3A_635, %dma_wait3A_636] : memref<204800x64xf32, #tpu.memory_space<hbm>> -> memref<128x64xf32, #tpu.memory_space<hbm>>
          tpu.wait_dma2 semaphore(%arg20 : memref<!tpu.dma_semaphore, #tpu.memory_space<semaphore_mem>>) src(%arg10 : memref<128x64xf32, #tpu.memory_space<vmem>>) dst(%dma_wait3A_637 : memref<128x64xf32, #tpu.memory_space<hbm>>)
        } else {
        }
        %mul3A_626 = arith.constant 128 : i32
        %mul3A_627 = arith.muli %add3A_191, %mul3A_626 : i32
        %dma_start3A_628 = tpu.memref_slice %arg5[%mul3A_627] : memref<6400xi32, #tpu.memory_space<vmem>> -> memref<128xi32, #tpu.memory_space<vmem>>
        %dma_start3A_629 = arith.constant 0 : i32
        %dma_start3A_630 = arith.constant 0 : i32
        %dma_start3A_631 = tpu.memref_slice %arg2[%dma_start3A_629, %dma_start3A_630] : memref<1000000x64xf32, #tpu.memory_space<hbm>> -> memref<1000000x64xf32, #tpu.memory_space<hbm>>
        tpu.enqueue_indirect_dma source(%dma_start3A_631 : memref<1000000x64xf32, #tpu.memory_space<hbm>>) target(%arg10 : memref<128x64xf32, #tpu.memory_space<vmem>>) offsets(%dma_start3A_628 : memref<128xi32, #tpu.memory_space<vmem>>) semaphore(%arg15 : memref<!tpu.dma_semaphore, #tpu.memory_space<semaphore_mem>>)
      } else {
      }
      %dma_wait3A_197 = arith.constant 0 : i32
      %dma_wait3A_198 = arith.constant 0 : i32
      %dma_wait3A_199 = tpu.memref_slice %arg2[%dma_wait3A_197, %dma_wait3A_198] : memref<1000000x64xf32, #tpu.memory_space<hbm>> -> memref<128x64xf32, #tpu.memory_space<hbm>>
      %dma_wait3A_200 = arith.constant 0 : i32
      %dma_wait3A_201 = arith.constant 0 : i32
      %dma_wait3A_202 = tpu.memref_slice %arg2[%dma_wait3A_200, %dma_wait3A_201] : memref<1000000x64xf32, #tpu.memory_space<hbm>> -> memref<128x64xf32, #tpu.memory_space<hbm>>
      tpu.wait_dma2 semaphore(%arg12 : memref<!tpu.dma_semaphore, #tpu.memory_space<semaphore_mem>>) src(%dma_wait3A_202 : memref<128x64xf32, #tpu.memory_space<hbm>>) dst(%arg7 : memref<128x64xf32, #tpu.memory_space<vmem>>)
      %mul3A_203 = arith.constant 128 : i32
      %mul3A_204 = arith.muli %add3A_189, %mul3A_203 : i32
      %broadcast_in_dim3A_205 = arith.constant 0 : i32
      %broadcast_in_dim3A_206 = vector.broadcast %broadcast_in_dim3A_205 : i32 to vector<16xi32>
      %add3A_207 = arith.constant 0 : i32
      %add3A_208 = arith.addi %mul3A_204, %add3A_207 : i32
      %get3A_209 = arith.index_cast %add3A_208 : i32 to index
      %get3A_210 = tpu.vector_load %arg5[%get3A_209] {strides = array<i32>} : memref<6400xi32, #tpu.memory_space<vmem>>, vector<16xi32>,
      %eq3A_211 = arith.constant 0 : i32
      %eq3A_212 = vector.broadcast %eq3A_211 : i32 to vector<16xi32>
      %eq3A_213 = arith.cmpi eq, %get3A_210, %eq3A_212 : vector<16xi32>
      %convert_element_type3A_214 = arith.extui %eq3A_213 : vector<16xi1> to vector<16xi32>
      %add3A_215 = arith.addi %broadcast_in_dim3A_206, %convert_element_type3A_214 : vector<16xi32>
      %add3A_216 = arith.constant 16 : i32
      %add3A_217 = arith.addi %mul3A_204, %add3A_216 : i32
      %get3A_218 = arith.index_cast %add3A_217 : i32 to index
      %get3A_219 = tpu.vector_load %arg5[%get3A_218] {strides = array<i32>} : memref<6400xi32, #tpu.memory_space<vmem>>, vector<16xi32>,
      %eq3A_220 = arith.constant 0 : i32
      %eq3A_221 = vector.broadcast %eq3A_220 : i32 to vector<16xi32>
      %eq3A_222 = arith.cmpi eq, %get3A_219, %eq3A_221 : vector<16xi32>
      %convert_element_type3A_223 = arith.extui %eq3A_222 : vector<16xi1> to vector<16xi32>
      %add3A_224 = arith.addi %add3A_215, %convert_element_type3A_223 : vector<16xi32>
      %add3A_225 = arith.constant 32 : i32
      %add3A_226 = arith.addi %mul3A_204, %add3A_225 : i32
      %get3A_227 = arith.index_cast %add3A_226 : i32 to index
      %get3A_228 = tpu.vector_load %arg5[%get3A_227] {strides = array<i32>} : memref<6400xi32, #tpu.memory_space<vmem>>, vector<16xi32>,
      %eq3A_229 = arith.constant 0 : i32
      %eq3A_230 = vector.broadcast %eq3A_229 : i32 to vector<16xi32>
      %eq3A_231 = arith.cmpi eq, %get3A_228, %eq3A_230 : vector<16xi32>
      %convert_element_type3A_232 = arith.extui %eq3A_231 : vector<16xi1> to vector<16xi32>
      %add3A_233 = arith.addi %add3A_224, %convert_element_type3A_232 : vector<16xi32>
      %add3A_234 = arith.constant 48 : i32
      %add3A_235 = arith.addi %mul3A_204, %add3A_234 : i32
      %get3A_236 = arith.index_cast %add3A_235 : i32 to index
      %get3A_237 = tpu.vector_load %arg5[%get3A_236] {strides = array<i32>} : memref<6400xi32, #tpu.memory_space<vmem>>, vector<16xi32>,
      %eq3A_238 = arith.constant 0 : i32
      %eq3A_239 = vector.broadcast %eq3A_238 : i32 to vector<16xi32>
      %eq3A_240 = arith.cmpi eq, %get3A_237, %eq3A_239 : vector<16xi32>
      %convert_element_type3A_241 = arith.extui %eq3A_240 : vector<16xi1> to vector<16xi32>
      %add3A_242 = arith.addi %add3A_233, %convert_element_type3A_241 : vector<16xi32>
      %add3A_243 = arith.constant 64 : i32
      %add3A_244 = arith.addi %mul3A_204, %add3A_243 : i32
      %get3A_245 = arith.index_cast %add3A_244 : i32 to index
      %get3A_246 = tpu.vector_load %arg5[%get3A_245] {strides = array<i32>} : memref<6400xi32, #tpu.memory_space<vmem>>, vector<16xi32>,
      %eq3A_247 = arith.constant 0 : i32
      %eq3A_248 = vector.broadcast %eq3A_247 : i32 to vector<16xi32>
      %eq3A_249 = arith.cmpi eq, %get3A_246, %eq3A_248 : vector<16xi32>
      %convert_element_type3A_250 = arith.extui %eq3A_249 : vector<16xi1> to vector<16xi32>
      %add3A_251 = arith.addi %add3A_242, %convert_element_type3A_250 : vector<16xi32>
      %add3A_252 = arith.constant 80 : i32
      %add3A_253 = arith.addi %mul3A_204, %add3A_252 : i32
      %get3A_254 = arith.index_cast %add3A_253 : i32 to index
      %get3A_255 = tpu.vector_load %arg5[%get3A_254] {strides = array<i32>} : memref<6400xi32, #tpu.memory_space<vmem>>, vector<16xi32>,
      %eq3A_256 = arith.constant 0 : i32
      %eq3A_257 = vector.broadcast %eq3A_256 : i32 to vector<16xi32>
      %eq3A_258 = arith.cmpi eq, %get3A_255, %eq3A_257 : vector<16xi32>
      %convert_element_type3A_259 = arith.extui %eq3A_258 : vector<16xi1> to vector<16xi32>
      %add3A_260 = arith.addi %add3A_251, %convert_element_type3A_259 : vector<16xi32>
      %add3A_261 = arith.constant 96 : i32
      %add3A_262 = arith.addi %mul3A_204, %add3A_261 : i32
      %get3A_263 = arith.index_cast %add3A_262 : i32 to index
      %get3A_264 = tpu.vector_load %arg5[%get3A_263] {strides = array<i32>} : memref<6400xi32, #tpu.memory_space<vmem>>, vector<16xi32>,
      %eq3A_265 = arith.constant 0 : i32
      %eq3A_266 = vector.broadcast %eq3A_265 : i32 to vector<16xi32>
      %eq3A_267 = arith.cmpi eq, %get3A_264, %eq3A_266 : vector<16xi32>
      %convert_element_type3A_268 = arith.extui %eq3A_267 : vector<16xi1> to vector<16xi32>
      %add3A_269 = arith.addi %add3A_260, %convert_element_type3A_268 : vector<16xi32>
      %add3A_270 = arith.constant 112 : i32
      %add3A_271 = arith.addi %mul3A_204, %add3A_270 : i32
      %get3A_272 = arith.index_cast %add3A_271 : i32 to index
      %get3A_273 = tpu.vector_load %arg5[%get3A_272] {strides = array<i32>} : memref<6400xi32, #tpu.memory_space<vmem>>, vector<16xi32>,
      %eq3A_274 = arith.constant 0 : i32
      %eq3A_275 = vector.broadcast %eq3A_274 : i32 to vector<16xi32>
      %eq3A_276 = arith.cmpi eq, %get3A_273, %eq3A_275 : vector<16xi32>
      %convert_element_type3A_277 = arith.extui %eq3A_276 : vector<16xi1> to vector<16xi32>
      %add3A_278 = arith.addi %add3A_269, %convert_element_type3A_277 : vector<16xi32>
      %reduce_sum3A_279 = arith.constant true
      %reduce_sum3A_280 = vector.broadcast %reduce_sum3A_279 : i1 to vector<16xi1>
      %reduce_sum3A_281 = tpu.scan <sum>, %add3A_278 masked %reduce_sum3A_280 : vector<16xi32>, vector<16xi1> -> vector<16xi32>
      %reduce_sum3A_282 = vector.extract %reduce_sum3A_281[15] : i32 from vector<16xi32>
      %ne3A_283 = arith.constant 0 : i32
      %ne3A_284 = arith.cmpi ne, %reduce_sum3A_282, %ne3A_283 : i32
      %convert_element_type3A_285 = arith.extui %ne3A_284 : i1 to i32
      %cond3A_286 = arith.constant 0 : i32
      %cond3A_287 = arith.cmpi ne, %convert_element_type3A_285, %cond3A_286 : i32
      scf.if %cond3A_287 {
        %add3A_622 = arith.constant 0 : i32
        %add3A_623 = arith.addi %mul3A_204, %add3A_622 : i32
        %get3A_624 = arith.index_cast %add3A_623 : i32 to index
        %get3A_625 = tpu.vector_load %arg5[%get3A_624] {strides = array<i32>} : memref<6400xi32, #tpu.memory_space<vmem>>, vector<16xi32>,
        %eq3A_626 = arith.constant 0 : i32
        %eq3A_627 = vector.broadcast %eq3A_626 : i32 to vector<16xi32>
        %eq3A_628 = arith.cmpi eq, %get3A_625, %eq3A_627 : vector<16xi32>
        %convert_element_type3A_629 = arith.extui %eq3A_628 : vector<16xi1> to vector<16xi32>
        %reduce_sum3A_630 = arith.constant true
        %reduce_sum3A_631 = vector.broadcast %reduce_sum3A_630 : i1 to vector<16xi1>
        %reduce_sum3A_632 = tpu.scan <sum>, %convert_element_type3A_629 masked %reduce_sum3A_631 : vector<16xi32>, vector<16xi1> -> vector<16xi32>
        %reduce_sum3A_633 = vector.extract %reduce_sum3A_632[15] : i32 from vector<16xi32>
        %ne3A_634 = arith.constant 0 : i32
        %ne3A_635 = arith.cmpi ne, %reduce_sum3A_633, %ne3A_634 : i32
        %convert_element_type3A_636 = arith.extui %ne3A_635 : i1 to i32
        %cond3A_637 = arith.constant 0 : i32
        %cond3A_638 = arith.cmpi ne, %convert_element_type3A_636, %cond3A_637 : i32
        scf.if %cond3A_638 {
          %scan3A_758 = arith.constant 0 : i32
          %scan3A_759 = arith.constant 0 : i32
          %scan3A_760 = arith.constant 64 : i32
          %scan3A_761 = arith.addi %scan3A_759, %scan3A_760 : i32
          %scan3A_762 = arith.constant 1 : i32
          scf.for %scan3A_764 = %scan3A_759 to %scan3A_761 step %scan3A_762  : i32 {
            %broadcast_in_dim3A_765 = arith.constant 0 : i32
            %broadcast_in_dim3A_766 = vector.broadcast %broadcast_in_dim3A_765 : i32 to vector<16xi32>
            %add3A_767 = vector.broadcast %scan3A_764 : i32 to vector<16xi32>
            %add3A_768 = arith.addi %broadcast_in_dim3A_766, %add3A_767 : vector<16xi32>
            tpu.vector_store_idx %arg7[%add3A_5, %add3A_768], %broadcast_in_dim3A_34 masked %eq3A_628 : memref<128x64xf32, #tpu.memory_space<vmem>>[vector<16xi32>, vector<16xi32>], vector<16xf32>, vector<16xi1>
          }
          %scan3A_763 = arith.constant 64 : i32
        } else {
        }
        %add3A_639 = arith.constant 16 : i32
        %add3A_640 = arith.addi %mul3A_204, %add3A_639 : i32
        %get3A_641 = arith.index_cast %add3A_640 : i32 to index
        %get3A_642 = tpu.vector_load %arg5[%get3A_641] {strides = array<i32>} : memref<6400xi32, #tpu.memory_space<vmem>>, vector<16xi32>,
        %eq3A_643 = arith.constant 0 : i32
        %eq3A_644 = vector.broadcast %eq3A_643 : i32 to vector<16xi32>
        %eq3A_645 = arith.cmpi eq, %get3A_642, %eq3A_644 : vector<16xi32>
        %convert_element_type3A_646 = arith.extui %eq3A_645 : vector<16xi1> to vector<16xi32>
        %reduce_sum3A_647 = arith.constant true
        %reduce_sum3A_648 = vector.broadcast %reduce_sum3A_647 : i1 to vector<16xi1>
        %reduce_sum3A_649 = tpu.scan <sum>, %convert_element_type3A_646 masked %reduce_sum3A_648 : vector<16xi32>, vector<16xi1> -> vector<16xi32>
        %reduce_sum3A_650 = vector.extract %reduce_sum3A_649[15] : i32 from vector<16xi32>
        %ne3A_651 = arith.constant 0 : i32
        %ne3A_652 = arith.cmpi ne, %reduce_sum3A_650, %ne3A_651 : i32
        %convert_element_type3A_653 = arith.extui %ne3A_652 : i1 to i32
        %cond3A_654 = arith.constant 0 : i32
        %cond3A_655 = arith.cmpi ne, %convert_element_type3A_653, %cond3A_654 : i32
        scf.if %cond3A_655 {
          %scan3A_758 = arith.constant 0 : i32
          %scan3A_759 = arith.constant 0 : i32
          %scan3A_760 = arith.constant 64 : i32
          %scan3A_761 = arith.addi %scan3A_759, %scan3A_760 : i32
          %scan3A_762 = arith.constant 1 : i32
          scf.for %scan3A_764 = %scan3A_759 to %scan3A_761 step %scan3A_762  : i32 {
            %broadcast_in_dim3A_765 = arith.constant 0 : i32
            %broadcast_in_dim3A_766 = vector.broadcast %broadcast_in_dim3A_765 : i32 to vector<16xi32>
            %add3A_767 = vector.broadcast %scan3A_764 : i32 to vector<16xi32>
            %add3A_768 = arith.addi %broadcast_in_dim3A_766, %add3A_767 : vector<16xi32>
            tpu.vector_store_idx %arg7[%add3A_9, %add3A_768], %broadcast_in_dim3A_34 masked %eq3A_645 : memref<128x64xf32, #tpu.memory_space<vmem>>[vector<16xi32>, vector<16xi32>], vector<16xf32>, vector<16xi1>
          }
          %scan3A_763 = arith.constant 64 : i32
        } else {
        }
        %add3A_656 = arith.constant 32 : i32
        %add3A_657 = arith.addi %mul3A_204, %add3A_656 : i32
        %get3A_658 = arith.index_cast %add3A_657 : i32 to index
        %get3A_659 = tpu.vector_load %arg5[%get3A_658] {strides = array<i32>} : memref<6400xi32, #tpu.memory_space<vmem>>, vector<16xi32>,
        %eq3A_660 = arith.constant 0 : i32
        %eq3A_661 = vector.broadcast %eq3A_660 : i32 to vector<16xi32>
        %eq3A_662 = arith.cmpi eq, %get3A_659, %eq3A_661 : vector<16xi32>
        %convert_element_type3A_663 = arith.extui %eq3A_662 : vector<16xi1> to vector<16xi32>
        %reduce_sum3A_664 = arith.constant true
        %reduce_sum3A_665 = vector.broadcast %reduce_sum3A_664 : i1 to vector<16xi1>
        %reduce_sum3A_666 = tpu.scan <sum>, %convert_element_type3A_663 masked %reduce_sum3A_665 : vector<16xi32>, vector<16xi1> -> vector<16xi32>
        %reduce_sum3A_667 = vector.extract %reduce_sum3A_666[15] : i32 from vector<16xi32>
        %ne3A_668 = arith.constant 0 : i32
        %ne3A_669 = arith.cmpi ne, %reduce_sum3A_667, %ne3A_668 : i32
        %convert_element_type3A_670 = arith.extui %ne3A_669 : i1 to i32
        %cond3A_671 = arith.constant 0 : i32
        %cond3A_672 = arith.cmpi ne, %convert_element_type3A_670, %cond3A_671 : i32
        scf.if %cond3A_672 {
          %scan3A_758 = arith.constant 0 : i32
          %scan3A_759 = arith.constant 0 : i32
          %scan3A_760 = arith.constant 64 : i32
          %scan3A_761 = arith.addi %scan3A_759, %scan3A_760 : i32
          %scan3A_762 = arith.constant 1 : i32
          scf.for %scan3A_764 = %scan3A_759 to %scan3A_761 step %scan3A_762  : i32 {
            %broadcast_in_dim3A_765 = arith.constant 0 : i32
            %broadcast_in_dim3A_766 = vector.broadcast %broadcast_in_dim3A_765 : i32 to vector<16xi32>
            %add3A_767 = vector.broadcast %scan3A_764 : i32 to vector<16xi32>
            %add3A_768 = arith.addi %broadcast_in_dim3A_766, %add3A_767 : vector<16xi32>
            tpu.vector_store_idx %arg7[%add3A_13, %add3A_768], %broadcast_in_dim3A_34 masked %eq3A_662 : memref<128x64xf32, #tpu.memory_space<vmem>>[vector<16xi32>, vector<16xi32>], vector<16xf32>, vector<16xi1>
          }
          %scan3A_763 = arith.constant 64 : i32
        } else {
        }
        %add3A_673 = arith.constant 48 : i32
        %add3A_674 = arith.addi %mul3A_204, %add3A_673 : i32
        %get3A_675 = arith.index_cast %add3A_674 : i32 to index
        %get3A_676 = tpu.vector_load %arg5[%get3A_675] {strides = array<i32>} : memref<6400xi32, #tpu.memory_space<vmem>>, vector<16xi32>,
        %eq3A_677 = arith.constant 0 : i32
        %eq3A_678 = vector.broadcast %eq3A_677 : i32 to vector<16xi32>
        %eq3A_679 = arith.cmpi eq, %get3A_676, %eq3A_678 : vector<16xi32>
        %convert_element_type3A_680 = arith.extui %eq3A_679 : vector<16xi1> to vector<16xi32>
        %reduce_sum3A_681 = arith.constant true
        %reduce_sum3A_682 = vector.broadcast %reduce_sum3A_681 : i1 to vector<16xi1>
        %reduce_sum3A_683 = tpu.scan <sum>, %convert_element_type3A_680 masked %reduce_sum3A_682 : vector<16xi32>, vector<16xi1> -> vector<16xi32>
        %reduce_sum3A_684 = vector.extract %reduce_sum3A_683[15] : i32 from vector<16xi32>
        %ne3A_685 = arith.constant 0 : i32
        %ne3A_686 = arith.cmpi ne, %reduce_sum3A_684, %ne3A_685 : i32
        %convert_element_type3A_687 = arith.extui %ne3A_686 : i1 to i32
        %cond3A_688 = arith.constant 0 : i32
        %cond3A_689 = arith.cmpi ne, %convert_element_type3A_687, %cond3A_688 : i32
        scf.if %cond3A_689 {
          %scan3A_758 = arith.constant 0 : i32
          %scan3A_759 = arith.constant 0 : i32
          %scan3A_760 = arith.constant 64 : i32
          %scan3A_761 = arith.addi %scan3A_759, %scan3A_760 : i32
          %scan3A_762 = arith.constant 1 : i32
          scf.for %scan3A_764 = %scan3A_759 to %scan3A_761 step %scan3A_762  : i32 {
            %broadcast_in_dim3A_765 = arith.constant 0 : i32
            %broadcast_in_dim3A_766 = vector.broadcast %broadcast_in_dim3A_765 : i32 to vector<16xi32>
            %add3A_767 = vector.broadcast %scan3A_764 : i32 to vector<16xi32>
            %add3A_768 = arith.addi %broadcast_in_dim3A_766, %add3A_767 : vector<16xi32>
            tpu.vector_store_idx %arg7[%add3A_17, %add3A_768], %broadcast_in_dim3A_34 masked %eq3A_679 : memref<128x64xf32, #tpu.memory_space<vmem>>[vector<16xi32>, vector<16xi32>], vector<16xf32>, vector<16xi1>
          }
          %scan3A_763 = arith.constant 64 : i32
        } else {
        }
        %add3A_690 = arith.constant 64 : i32
        %add3A_691 = arith.addi %mul3A_204, %add3A_690 : i32
        %get3A_692 = arith.index_cast %add3A_691 : i32 to index
        %get3A_693 = tpu.vector_load %arg5[%get3A_692] {strides = array<i32>} : memref<6400xi32, #tpu.memory_space<vmem>>, vector<16xi32>,
        %eq3A_694 = arith.constant 0 : i32
        %eq3A_695 = vector.broadcast %eq3A_694 : i32 to vector<16xi32>
        %eq3A_696 = arith.cmpi eq, %get3A_693, %eq3A_695 : vector<16xi32>
        %convert_element_type3A_697 = arith.extui %eq3A_696 : vector<16xi1> to vector<16xi32>
        %reduce_sum3A_698 = arith.constant true
        %reduce_sum3A_699 = vector.broadcast %reduce_sum3A_698 : i1 to vector<16xi1>
        %reduce_sum3A_700 = tpu.scan <sum>, %convert_element_type3A_697 masked %reduce_sum3A_699 : vector<16xi32>, vector<16xi1> -> vector<16xi32>
        %reduce_sum3A_701 = vector.extract %reduce_sum3A_700[15] : i32 from vector<16xi32>
        %ne3A_702 = arith.constant 0 : i32
        %ne3A_703 = arith.cmpi ne, %reduce_sum3A_701, %ne3A_702 : i32
        %convert_element_type3A_704 = arith.extui %ne3A_703 : i1 to i32
        %cond3A_705 = arith.constant 0 : i32
        %cond3A_706 = arith.cmpi ne, %convert_element_type3A_704, %cond3A_705 : i32
        scf.if %cond3A_706 {
          %scan3A_758 = arith.constant 0 : i32
          %scan3A_759 = arith.constant 0 : i32
          %scan3A_760 = arith.constant 64 : i32
          %scan3A_761 = arith.addi %scan3A_759, %scan3A_760 : i32
          %scan3A_762 = arith.constant 1 : i32
          scf.for %scan3A_764 = %scan3A_759 to %scan3A_761 step %scan3A_762  : i32 {
            %broadcast_in_dim3A_765 = arith.constant 0 : i32
            %broadcast_in_dim3A_766 = vector.broadcast %broadcast_in_dim3A_765 : i32 to vector<16xi32>
            %add3A_767 = vector.broadcast %scan3A_764 : i32 to vector<16xi32>
            %add3A_768 = arith.addi %broadcast_in_dim3A_766, %add3A_767 : vector<16xi32>
            tpu.vector_store_idx %arg7[%add3A_21, %add3A_768], %broadcast_in_dim3A_34 masked %eq3A_696 : memref<128x64xf32, #tpu.memory_space<vmem>>[vector<16xi32>, vector<16xi32>], vector<16xf32>, vector<16xi1>
          }
          %scan3A_763 = arith.constant 64 : i32
        } else {
        }
        %add3A_707 = arith.constant 80 : i32
        %add3A_708 = arith.addi %mul3A_204, %add3A_707 : i32
        %get3A_709 = arith.index_cast %add3A_708 : i32 to index
        %get3A_710 = tpu.vector_load %arg5[%get3A_709] {strides = array<i32>} : memref<6400xi32, #tpu.memory_space<vmem>>, vector<16xi32>,
        %eq3A_711 = arith.constant 0 : i32
        %eq3A_712 = vector.broadcast %eq3A_711 : i32 to vector<16xi32>
        %eq3A_713 = arith.cmpi eq, %get3A_710, %eq3A_712 : vector<16xi32>
        %convert_element_type3A_714 = arith.extui %eq3A_713 : vector<16xi1> to vector<16xi32>
        %reduce_sum3A_715 = arith.constant true
        %reduce_sum3A_716 = vector.broadcast %reduce_sum3A_715 : i1 to vector<16xi1>
        %reduce_sum3A_717 = tpu.scan <sum>, %convert_element_type3A_714 masked %reduce_sum3A_716 : vector<16xi32>, vector<16xi1> -> vector<16xi32>
        %reduce_sum3A_718 = vector.extract %reduce_sum3A_717[15] : i32 from vector<16xi32>
        %ne3A_719 = arith.constant 0 : i32
        %ne3A_720 = arith.cmpi ne, %reduce_sum3A_718, %ne3A_719 : i32
        %convert_element_type3A_721 = arith.extui %ne3A_720 : i1 to i32
        %cond3A_722 = arith.constant 0 : i32
        %cond3A_723 = arith.cmpi ne, %convert_element_type3A_721, %cond3A_722 : i32
        scf.if %cond3A_723 {
          %scan3A_758 = arith.constant 0 : i32
          %scan3A_759 = arith.constant 0 : i32
          %scan3A_760 = arith.constant 64 : i32
          %scan3A_761 = arith.addi %scan3A_759, %scan3A_760 : i32
          %scan3A_762 = arith.constant 1 : i32
          scf.for %scan3A_764 = %scan3A_759 to %scan3A_761 step %scan3A_762  : i32 {
            %broadcast_in_dim3A_765 = arith.constant 0 : i32
            %broadcast_in_dim3A_766 = vector.broadcast %broadcast_in_dim3A_765 : i32 to vector<16xi32>
            %add3A_767 = vector.broadcast %scan3A_764 : i32 to vector<16xi32>
            %add3A_768 = arith.addi %broadcast_in_dim3A_766, %add3A_767 : vector<16xi32>
            tpu.vector_store_idx %arg7[%add3A_25, %add3A_768], %broadcast_in_dim3A_34 masked %eq3A_713 : memref<128x64xf32, #tpu.memory_space<vmem>>[vector<16xi32>, vector<16xi32>], vector<16xf32>, vector<16xi1>
          }
          %scan3A_763 = arith.constant 64 : i32
        } else {
        }
        %add3A_724 = arith.constant 96 : i32
        %add3A_725 = arith.addi %mul3A_204, %add3A_724 : i32
        %get3A_726 = arith.index_cast %add3A_725 : i32 to index
        %get3A_727 = tpu.vector_load %arg5[%get3A_726] {strides = array<i32>} : memref<6400xi32, #tpu.memory_space<vmem>>, vector<16xi32>,
        %eq3A_728 = arith.constant 0 : i32
        %eq3A_729 = vector.broadcast %eq3A_728 : i32 to vector<16xi32>
        %eq3A_730 = arith.cmpi eq, %get3A_727, %eq3A_729 : vector<16xi32>
        %convert_element_type3A_731 = arith.extui %eq3A_730 : vector<16xi1> to vector<16xi32>
        %reduce_sum3A_732 = arith.constant true
        %reduce_sum3A_733 = vector.broadcast %reduce_sum3A_732 : i1 to vector<16xi1>
        %reduce_sum3A_734 = tpu.scan <sum>, %convert_element_type3A_731 masked %reduce_sum3A_733 : vector<16xi32>, vector<16xi1> -> vector<16xi32>
        %reduce_sum3A_735 = vector.extract %reduce_sum3A_734[15] : i32 from vector<16xi32>
        %ne3A_736 = arith.constant 0 : i32
        %ne3A_737 = arith.cmpi ne, %reduce_sum3A_735, %ne3A_736 : i32
        %convert_element_type3A_738 = arith.extui %ne3A_737 : i1 to i32
        %cond3A_739 = arith.constant 0 : i32
        %cond3A_740 = arith.cmpi ne, %convert_element_type3A_738, %cond3A_739 : i32
        scf.if %cond3A_740 {
          %scan3A_758 = arith.constant 0 : i32
          %scan3A_759 = arith.constant 0 : i32
          %scan3A_760 = arith.constant 64 : i32
          %scan3A_761 = arith.addi %scan3A_759, %scan3A_760 : i32
          %scan3A_762 = arith.constant 1 : i32
          scf.for %scan3A_764 = %scan3A_759 to %scan3A_761 step %scan3A_762  : i32 {
            %broadcast_in_dim3A_765 = arith.constant 0 : i32
            %broadcast_in_dim3A_766 = vector.broadcast %broadcast_in_dim3A_765 : i32 to vector<16xi32>
            %add3A_767 = vector.broadcast %scan3A_764 : i32 to vector<16xi32>
            %add3A_768 = arith.addi %broadcast_in_dim3A_766, %add3A_767 : vector<16xi32>
            tpu.vector_store_idx %arg7[%add3A_29, %add3A_768], %broadcast_in_dim3A_34 masked %eq3A_730 : memref<128x64xf32, #tpu.memory_space<vmem>>[vector<16xi32>, vector<16xi32>], vector<16xf32>, vector<16xi1>
          }
          %scan3A_763 = arith.constant 64 : i32
        } else {
        }
        %add3A_741 = arith.constant 112 : i32
        %add3A_742 = arith.addi %mul3A_204, %add3A_741 : i32
        %get3A_743 = arith.index_cast %add3A_742 : i32 to index
        %get3A_744 = tpu.vector_load %arg5[%get3A_743] {strides = array<i32>} : memref<6400xi32, #tpu.memory_space<vmem>>, vector<16xi32>,
        %eq3A_745 = arith.constant 0 : i32
        %eq3A_746 = vector.broadcast %eq3A_745 : i32 to vector<16xi32>
        %eq3A_747 = arith.cmpi eq, %get3A_744, %eq3A_746 : vector<16xi32>
        %convert_element_type3A_748 = arith.extui %eq3A_747 : vector<16xi1> to vector<16xi32>
        %reduce_sum3A_749 = arith.constant true
        %reduce_sum3A_750 = vector.broadcast %reduce_sum3A_749 : i1 to vector<16xi1>
        %reduce_sum3A_751 = tpu.scan <sum>, %convert_element_type3A_748 masked %reduce_sum3A_750 : vector<16xi32>, vector<16xi1> -> vector<16xi32>
        %reduce_sum3A_752 = vector.extract %reduce_sum3A_751[15] : i32 from vector<16xi32>
        %ne3A_753 = arith.constant 0 : i32
        %ne3A_754 = arith.cmpi ne, %reduce_sum3A_752, %ne3A_753 : i32
        %convert_element_type3A_755 = arith.extui %ne3A_754 : i1 to i32
        %cond3A_756 = arith.constant 0 : i32
        %cond3A_757 = arith.cmpi ne, %convert_element_type3A_755, %cond3A_756 : i32
        scf.if %cond3A_757 {
          %scan3A_758 = arith.constant 0 : i32
          %scan3A_759 = arith.constant 0 : i32
          %scan3A_760 = arith.constant 64 : i32
          %scan3A_761 = arith.addi %scan3A_759, %scan3A_760 : i32
          %scan3A_762 = arith.constant 1 : i32
          scf.for %scan3A_764 = %scan3A_759 to %scan3A_761 step %scan3A_762  : i32 {
            %broadcast_in_dim3A_765 = arith.constant 0 : i32
            %broadcast_in_dim3A_766 = vector.broadcast %broadcast_in_dim3A_765 : i32 to vector<16xi32>
            %add3A_767 = vector.broadcast %scan3A_764 : i32 to vector<16xi32>
            %add3A_768 = arith.addi %broadcast_in_dim3A_766, %add3A_767 : vector<16xi32>
            tpu.vector_store_idx %arg7[%add3A_33, %add3A_768], %broadcast_in_dim3A_34 masked %eq3A_747 : memref<128x64xf32, #tpu.memory_space<vmem>>[vector<16xi32>, vector<16xi32>], vector<16xf32>, vector<16xi1>
          }
          %scan3A_763 = arith.constant 64 : i32
        } else {
        }
      } else {
      }
      %mul3A_288 = arith.constant 128 : i32
      %mul3A_289 = arith.muli %add3A_189, %mul3A_288 : i32
      %add3A_290 = arith.addi %mul3A_2, %mul3A_289 : i32
      %dma_start3A_291 = arith.constant 0 : i32
      %dma_start3A_292 = tpu.memref_slice %arg4[%add3A_290, %dma_start3A_291] : memref<204800x64xf32, #tpu.memory_space<hbm>> -> memref<128x64xf32, #tpu.memory_space<hbm>>
      %dma_start3A_293 = arith.constant 0 : i32
      %dma_start3A_294 = tpu.memref_slice %arg4[%add3A_290, %dma_start3A_293] : memref<204800x64xf32, #tpu.memory_space<hbm>> -> memref<128x64xf32, #tpu.memory_space<hbm>>
      tpu.enqueue_dma source(%arg7 : memref<128x64xf32, #tpu.memory_space<vmem>>) target(%dma_start3A_294 : memref<128x64xf32, #tpu.memory_space<hbm>>) target_semaphore(%arg17 : memref<!tpu.dma_semaphore, #tpu.memory_space<semaphore_mem>>)
      %mul3A_295 = arith.constant 5 : i32
      %mul3A_296 = arith.muli %scan3A_83, %mul3A_295 : i32
      %add3A_297 = arith.constant 2 : i32
      %add3A_298 = arith.addi %mul3A_296, %add3A_297 : i32
      %add3A_299 = arith.constant 3 : i32
      %add3A_300 = arith.addi %add3A_298, %add3A_299 : i32
      %lt3A_301 = arith.constant 50 : i32
      %lt3A_302 = arith.cmpi slt, %add3A_300, %lt3A_301 : i32
      %convert_element_type3A_303 = arith.extui %lt3A_302 : i1 to i32
      %cond3A_304 = arith.constant 0 : i32
      %cond3A_305 = arith.cmpi ne, %convert_element_type3A_303, %cond3A_304 : i32
      scf.if %cond3A_305 {
        %ge3A = arith.constant 5 : i32
        %ge3A_622 = arith.cmpi sge, %add3A_300, %ge3A : i32
        %convert_element_type3A_623 = arith.extui %ge3A_622 : i1 to i32
        %cond3A_624 = arith.constant 0 : i32
        %cond3A_625 = arith.cmpi ne, %convert_element_type3A_623, %cond3A_624 : i32
        scf.if %cond3A_625 {
          %dma_wait3A_632 = arith.constant 0 : i32
          %dma_wait3A_633 = arith.constant 0 : i32
          %dma_wait3A_634 = tpu.memref_slice %arg4[%dma_wait3A_632, %dma_wait3A_633] : memref<204800x64xf32, #tpu.memory_space<hbm>> -> memref<128x64xf32, #tpu.memory_space<hbm>>
          %dma_wait3A_635 = arith.constant 0 : i32
          %dma_wait3A_636 = arith.constant 0 : i32
          %dma_wait3A_637 = tpu.memref_slice %arg4[%dma_wait3A_635, %dma_wait3A_636] : memref<204800x64xf32, #tpu.memory_space<hbm>> -> memref<128x64xf32, #tpu.memory_space<hbm>>
          tpu.wait_dma2 semaphore(%arg16 : memref<!tpu.dma_semaphore, #tpu.memory_space<semaphore_mem>>) src(%arg6 : memref<128x64xf32, #tpu.memory_space<vmem>>) dst(%dma_wait3A_637 : memref<128x64xf32, #tpu.memory_space<hbm>>)
        } else {
        }
        %mul3A_626 = arith.constant 128 : i32
        %mul3A_627 = arith.muli %add3A_300, %mul3A_626 : i32
        %dma_start3A_628 = tpu.memref_slice %arg5[%mul3A_627] : memref<6400xi32, #tpu.memory_space<vmem>> -> memref<128xi32, #tpu.memory_space<vmem>>
        %dma_start3A_629 = arith.constant 0 : i32
        %dma_start3A_630 = arith.constant 0 : i32
        %dma_start3A_631 = tpu.memref_slice %arg2[%dma_start3A_629, %dma_start3A_630] : memref<1000000x64xf32, #tpu.memory_space<hbm>> -> memref<1000000x64xf32, #tpu.memory_space<hbm>>
        tpu.enqueue_indirect_dma source(%dma_start3A_631 : memref<1000000x64xf32, #tpu.memory_space<hbm>>) target(%arg6 : memref<128x64xf32, #tpu.memory_space<vmem>>) offsets(%dma_start3A_628 : memref<128xi32, #tpu.memory_space<vmem>>) semaphore(%arg11 : memref<!tpu.dma_semaphore, #tpu.memory_space<semaphore_mem>>)
      } else {
      }
      %dma_wait3A_306 = arith.constant 0 : i32
      %dma_wait3A_307 = arith.constant 0 : i32
      %dma_wait3A_308 = tpu.memref_slice %arg2[%dma_wait3A_306, %dma_wait3A_307] : memref<1000000x64xf32, #tpu.memory_space<hbm>> -> memref<128x64xf32, #tpu.memory_space<hbm>>
      %dma_wait3A_309 = arith.constant 0 : i32
      %dma_wait3A_310 = arith.constant 0 : i32
      %dma_wait3A_311 = tpu.memref_slice %arg2[%dma_wait3A_309, %dma_wait3A_310] : memref<1000000x64xf32, #tpu.memory_space<hbm>> -> memref<128x64xf32, #tpu.memory_space<hbm>>
      tpu.wait_dma2 semaphore(%arg13 : memref<!tpu.dma_semaphore, #tpu.memory_space<semaphore_mem>>) src(%dma_wait3A_311 : memref<128x64xf32, #tpu.memory_space<hbm>>) dst(%arg8 : memref<128x64xf32, #tpu.memory_space<vmem>>)
      %mul3A_312 = arith.constant 128 : i32
      %mul3A_313 = arith.muli %add3A_298, %mul3A_312 : i32
      %broadcast_in_dim3A_314 = arith.constant 0 : i32
      %broadcast_in_dim3A_315 = vector.broadcast %broadcast_in_dim3A_314 : i32 to vector<16xi32>
      %add3A_316 = arith.constant 0 : i32
      %add3A_317 = arith.addi %mul3A_313, %add3A_316 : i32
      %get3A_318 = arith.index_cast %add3A_317 : i32 to index
      %get3A_319 = tpu.vector_load %arg5[%get3A_318] {strides = array<i32>} : memref<6400xi32, #tpu.memory_space<vmem>>, vector<16xi32>,
      %eq3A_320 = arith.constant 0 : i32
      %eq3A_321 = vector.broadcast %eq3A_320 : i32 to vector<16xi32>
      %eq3A_322 = arith.cmpi eq, %get3A_319, %eq3A_321 : vector<16xi32>
      %convert_element_type3A_323 = arith.extui %eq3A_322 : vector<16xi1> to vector<16xi32>
      %add3A_324 = arith.addi %broadcast_in_dim3A_315, %convert_element_type3A_323 : vector<16xi32>
      %add3A_325 = arith.constant 16 : i32
      %add3A_326 = arith.addi %mul3A_313, %add3A_325 : i32
      %get3A_327 = arith.index_cast %add3A_326 : i32 to index
      %get3A_328 = tpu.vector_load %arg5[%get3A_327] {strides = array<i32>} : memref<6400xi32, #tpu.memory_space<vmem>>, vector<16xi32>,
      %eq3A_329 = arith.constant 0 : i32
      %eq3A_330 = vector.broadcast %eq3A_329 : i32 to vector<16xi32>
      %eq3A_331 = arith.cmpi eq, %get3A_328, %eq3A_330 : vector<16xi32>
      %convert_element_type3A_332 = arith.extui %eq3A_331 : vector<16xi1> to vector<16xi32>
      %add3A_333 = arith.addi %add3A_324, %convert_element_type3A_332 : vector<16xi32>
      %add3A_334 = arith.constant 32 : i32
      %add3A_335 = arith.addi %mul3A_313, %add3A_334 : i32
      %get3A_336 = arith.index_cast %add3A_335 : i32 to index
      %get3A_337 = tpu.vector_load %arg5[%get3A_336] {strides = array<i32>} : memref<6400xi32, #tpu.memory_space<vmem>>, vector<16xi32>,
      %eq3A_338 = arith.constant 0 : i32
      %eq3A_339 = vector.broadcast %eq3A_338 : i32 to vector<16xi32>
      %eq3A_340 = arith.cmpi eq, %get3A_337, %eq3A_339 : vector<16xi32>
      %convert_element_type3A_341 = arith.extui %eq3A_340 : vector<16xi1> to vector<16xi32>
      %add3A_342 = arith.addi %add3A_333, %convert_element_type3A_341 : vector<16xi32>
      %add3A_343 = arith.constant 48 : i32
      %add3A_344 = arith.addi %mul3A_313, %add3A_343 : i32
      %get3A_345 = arith.index_cast %add3A_344 : i32 to index
      %get3A_346 = tpu.vector_load %arg5[%get3A_345] {strides = array<i32>} : memref<6400xi32, #tpu.memory_space<vmem>>, vector<16xi32>,
      %eq3A_347 = arith.constant 0 : i32
      %eq3A_348 = vector.broadcast %eq3A_347 : i32 to vector<16xi32>
      %eq3A_349 = arith.cmpi eq, %get3A_346, %eq3A_348 : vector<16xi32>
      %convert_element_type3A_350 = arith.extui %eq3A_349 : vector<16xi1> to vector<16xi32>
      %add3A_351 = arith.addi %add3A_342, %convert_element_type3A_350 : vector<16xi32>
      %add3A_352 = arith.constant 64 : i32
      %add3A_353 = arith.addi %mul3A_313, %add3A_352 : i32
      %get3A_354 = arith.index_cast %add3A_353 : i32 to index
      %get3A_355 = tpu.vector_load %arg5[%get3A_354] {strides = array<i32>} : memref<6400xi32, #tpu.memory_space<vmem>>, vector<16xi32>,
      %eq3A_356 = arith.constant 0 : i32
      %eq3A_357 = vector.broadcast %eq3A_356 : i32 to vector<16xi32>
      %eq3A_358 = arith.cmpi eq, %get3A_355, %eq3A_357 : vector<16xi32>
      %convert_element_type3A_359 = arith.extui %eq3A_358 : vector<16xi1> to vector<16xi32>
      %add3A_360 = arith.addi %add3A_351, %convert_element_type3A_359 : vector<16xi32>
      %add3A_361 = arith.constant 80 : i32
      %add3A_362 = arith.addi %mul3A_313, %add3A_361 : i32
      %get3A_363 = arith.index_cast %add3A_362 : i32 to index
      %get3A_364 = tpu.vector_load %arg5[%get3A_363] {strides = array<i32>} : memref<6400xi32, #tpu.memory_space<vmem>>, vector<16xi32>,
      %eq3A_365 = arith.constant 0 : i32
      %eq3A_366 = vector.broadcast %eq3A_365 : i32 to vector<16xi32>
      %eq3A_367 = arith.cmpi eq, %get3A_364, %eq3A_366 : vector<16xi32>
      %convert_element_type3A_368 = arith.extui %eq3A_367 : vector<16xi1> to vector<16xi32>
      %add3A_369 = arith.addi %add3A_360, %convert_element_type3A_368 : vector<16xi32>
      %add3A_370 = arith.constant 96 : i32
      %add3A_371 = arith.addi %mul3A_313, %add3A_370 : i32
      %get3A_372 = arith.index_cast %add3A_371 : i32 to index
      %get3A_373 = tpu.vector_load %arg5[%get3A_372] {strides = array<i32>} : memref<6400xi32, #tpu.memory_space<vmem>>, vector<16xi32>,
      %eq3A_374 = arith.constant 0 : i32
      %eq3A_375 = vector.broadcast %eq3A_374 : i32 to vector<16xi32>
      %eq3A_376 = arith.cmpi eq, %get3A_373, %eq3A_375 : vector<16xi32>
      %convert_element_type3A_377 = arith.extui %eq3A_376 : vector<16xi1> to vector<16xi32>
      %add3A_378 = arith.addi %add3A_369, %convert_element_type3A_377 : vector<16xi32>
      %add3A_379 = arith.constant 112 : i32
      %add3A_380 = arith.addi %mul3A_313, %add3A_379 : i32
      %get3A_381 = arith.index_cast %add3A_380 : i32 to index
      %get3A_382 = tpu.vector_load %arg5[%get3A_381] {strides = array<i32>} : memref<6400xi32, #tpu.memory_space<vmem>>, vector<16xi32>,
      %eq3A_383 = arith.constant 0 : i32
      %eq3A_384 = vector.broadcast %eq3A_383 : i32 to vector<16xi32>
      %eq3A_385 = arith.cmpi eq, %get3A_382, %eq3A_384 : vector<16xi32>
      %convert_element_type3A_386 = arith.extui %eq3A_385 : vector<16xi1> to vector<16xi32>
      %add3A_387 = arith.addi %add3A_378, %convert_element_type3A_386 : vector<16xi32>
      %reduce_sum3A_388 = arith.constant true
      %reduce_sum3A_389 = vector.broadcast %reduce_sum3A_388 : i1 to vector<16xi1>
      %reduce_sum3A_390 = tpu.scan <sum>, %add3A_387 masked %reduce_sum3A_389 : vector<16xi32>, vector<16xi1> -> vector<16xi32>
      %reduce_sum3A_391 = vector.extract %reduce_sum3A_390[15] : i32 from vector<16xi32>
      %ne3A_392 = arith.constant 0 : i32
      %ne3A_393 = arith.cmpi ne, %reduce_sum3A_391, %ne3A_392 : i32
      %convert_element_type3A_394 = arith.extui %ne3A_393 : i1 to i32
      %cond3A_395 = arith.constant 0 : i32
      %cond3A_396 = arith.cmpi ne, %convert_element_type3A_394, %cond3A_395 : i32
      scf.if %cond3A_396 {
        %add3A_622 = arith.constant 0 : i32
        %add3A_623 = arith.addi %mul3A_313, %add3A_622 : i32
        %get3A_624 = arith.index_cast %add3A_623 : i32 to index
        %get3A_625 = tpu.vector_load %arg5[%get3A_624] {strides = array<i32>} : memref<6400xi32, #tpu.memory_space<vmem>>, vector<16xi32>,
        %eq3A_626 = arith.constant 0 : i32
        %eq3A_627 = vector.broadcast %eq3A_626 : i32 to vector<16xi32>
        %eq3A_628 = arith.cmpi eq, %get3A_625, %eq3A_627 : vector<16xi32>
        %convert_element_type3A_629 = arith.extui %eq3A_628 : vector<16xi1> to vector<16xi32>
        %reduce_sum3A_630 = arith.constant true
        %reduce_sum3A_631 = vector.broadcast %reduce_sum3A_630 : i1 to vector<16xi1>
        %reduce_sum3A_632 = tpu.scan <sum>, %convert_element_type3A_629 masked %reduce_sum3A_631 : vector<16xi32>, vector<16xi1> -> vector<16xi32>
        %reduce_sum3A_633 = vector.extract %reduce_sum3A_632[15] : i32 from vector<16xi32>
        %ne3A_634 = arith.constant 0 : i32
        %ne3A_635 = arith.cmpi ne, %reduce_sum3A_633, %ne3A_634 : i32
        %convert_element_type3A_636 = arith.extui %ne3A_635 : i1 to i32
        %cond3A_637 = arith.constant 0 : i32
        %cond3A_638 = arith.cmpi ne, %convert_element_type3A_636, %cond3A_637 : i32
        scf.if %cond3A_638 {
          %scan3A_758 = arith.constant 0 : i32
          %scan3A_759 = arith.constant 0 : i32
          %scan3A_760 = arith.constant 64 : i32
          %scan3A_761 = arith.addi %scan3A_759, %scan3A_760 : i32
          %scan3A_762 = arith.constant 1 : i32
          scf.for %scan3A_764 = %scan3A_759 to %scan3A_761 step %scan3A_762  : i32 {
            %broadcast_in_dim3A_765 = arith.constant 0 : i32
            %broadcast_in_dim3A_766 = vector.broadcast %broadcast_in_dim3A_765 : i32 to vector<16xi32>
            %add3A_767 = vector.broadcast %scan3A_764 : i32 to vector<16xi32>
            %add3A_768 = arith.addi %broadcast_in_dim3A_766, %add3A_767 : vector<16xi32>
            tpu.vector_store_idx %arg8[%add3A_5, %add3A_768], %broadcast_in_dim3A_34 masked %eq3A_628 : memref<128x64xf32, #tpu.memory_space<vmem>>[vector<16xi32>, vector<16xi32>], vector<16xf32>, vector<16xi1>
          }
          %scan3A_763 = arith.constant 64 : i32
        } else {
        }
        %add3A_639 = arith.constant 16 : i32
        %add3A_640 = arith.addi %mul3A_313, %add3A_639 : i32
        %get3A_641 = arith.index_cast %add3A_640 : i32 to index
        %get3A_642 = tpu.vector_load %arg5[%get3A_641] {strides = array<i32>} : memref<6400xi32, #tpu.memory_space<vmem>>, vector<16xi32>,
        %eq3A_643 = arith.constant 0 : i32
        %eq3A_644 = vector.broadcast %eq3A_643 : i32 to vector<16xi32>
        %eq3A_645 = arith.cmpi eq, %get3A_642, %eq3A_644 : vector<16xi32>
        %convert_element_type3A_646 = arith.extui %eq3A_645 : vector<16xi1> to vector<16xi32>
        %reduce_sum3A_647 = arith.constant true
        %reduce_sum3A_648 = vector.broadcast %reduce_sum3A_647 : i1 to vector<16xi1>
        %reduce_sum3A_649 = tpu.scan <sum>, %convert_element_type3A_646 masked %reduce_sum3A_648 : vector<16xi32>, vector<16xi1> -> vector<16xi32>
        %reduce_sum3A_650 = vector.extract %reduce_sum3A_649[15] : i32 from vector<16xi32>
        %ne3A_651 = arith.constant 0 : i32
        %ne3A_652 = arith.cmpi ne, %reduce_sum3A_650, %ne3A_651 : i32
        %convert_element_type3A_653 = arith.extui %ne3A_652 : i1 to i32
        %cond3A_654 = arith.constant 0 : i32
        %cond3A_655 = arith.cmpi ne, %convert_element_type3A_653, %cond3A_654 : i32
        scf.if %cond3A_655 {
          %scan3A_758 = arith.constant 0 : i32
          %scan3A_759 = arith.constant 0 : i32
          %scan3A_760 = arith.constant 64 : i32
          %scan3A_761 = arith.addi %scan3A_759, %scan3A_760 : i32
          %scan3A_762 = arith.constant 1 : i32
          scf.for %scan3A_764 = %scan3A_759 to %scan3A_761 step %scan3A_762  : i32 {
            %broadcast_in_dim3A_765 = arith.constant 0 : i32
            %broadcast_in_dim3A_766 = vector.broadcast %broadcast_in_dim3A_765 : i32 to vector<16xi32>
            %add3A_767 = vector.broadcast %scan3A_764 : i32 to vector<16xi32>
            %add3A_768 = arith.addi %broadcast_in_dim3A_766, %add3A_767 : vector<16xi32>
            tpu.vector_store_idx %arg8[%add3A_9, %add3A_768], %broadcast_in_dim3A_34 masked %eq3A_645 : memref<128x64xf32, #tpu.memory_space<vmem>>[vector<16xi32>, vector<16xi32>], vector<16xf32>, vector<16xi1>
          }
          %scan3A_763 = arith.constant 64 : i32
        } else {
        }
        %add3A_656 = arith.constant 32 : i32
        %add3A_657 = arith.addi %mul3A_313, %add3A_656 : i32
        %get3A_658 = arith.index_cast %add3A_657 : i32 to index
        %get3A_659 = tpu.vector_load %arg5[%get3A_658] {strides = array<i32>} : memref<6400xi32, #tpu.memory_space<vmem>>, vector<16xi32>,
        %eq3A_660 = arith.constant 0 : i32
        %eq3A_661 = vector.broadcast %eq3A_660 : i32 to vector<16xi32>
        %eq3A_662 = arith.cmpi eq, %get3A_659, %eq3A_661 : vector<16xi32>
        %convert_element_type3A_663 = arith.extui %eq3A_662 : vector<16xi1> to vector<16xi32>
        %reduce_sum3A_664 = arith.constant true
        %reduce_sum3A_665 = vector.broadcast %reduce_sum3A_664 : i1 to vector<16xi1>
        %reduce_sum3A_666 = tpu.scan <sum>, %convert_element_type3A_663 masked %reduce_sum3A_665 : vector<16xi32>, vector<16xi1> -> vector<16xi32>
        %reduce_sum3A_667 = vector.extract %reduce_sum3A_666[15] : i32 from vector<16xi32>
        %ne3A_668 = arith.constant 0 : i32
        %ne3A_669 = arith.cmpi ne, %reduce_sum3A_667, %ne3A_668 : i32
        %convert_element_type3A_670 = arith.extui %ne3A_669 : i1 to i32
        %cond3A_671 = arith.constant 0 : i32
        %cond3A_672 = arith.cmpi ne, %convert_element_type3A_670, %cond3A_671 : i32
        scf.if %cond3A_672 {
          %scan3A_758 = arith.constant 0 : i32
          %scan3A_759 = arith.constant 0 : i32
          %scan3A_760 = arith.constant 64 : i32
          %scan3A_761 = arith.addi %scan3A_759, %scan3A_760 : i32
          %scan3A_762 = arith.constant 1 : i32
          scf.for %scan3A_764 = %scan3A_759 to %scan3A_761 step %scan3A_762  : i32 {
            %broadcast_in_dim3A_765 = arith.constant 0 : i32
            %broadcast_in_dim3A_766 = vector.broadcast %broadcast_in_dim3A_765 : i32 to vector<16xi32>
            %add3A_767 = vector.broadcast %scan3A_764 : i32 to vector<16xi32>
            %add3A_768 = arith.addi %broadcast_in_dim3A_766, %add3A_767 : vector<16xi32>
            tpu.vector_store_idx %arg8[%add3A_13, %add3A_768], %broadcast_in_dim3A_34 masked %eq3A_662 : memref<128x64xf32, #tpu.memory_space<vmem>>[vector<16xi32>, vector<16xi32>], vector<16xf32>, vector<16xi1>
          }
          %scan3A_763 = arith.constant 64 : i32
        } else {
        }
        %add3A_673 = arith.constant 48 : i32
        %add3A_674 = arith.addi %mul3A_313, %add3A_673 : i32
        %get3A_675 = arith.index_cast %add3A_674 : i32 to index
        %get3A_676 = tpu.vector_load %arg5[%get3A_675] {strides = array<i32>} : memref<6400xi32, #tpu.memory_space<vmem>>, vector<16xi32>,
        %eq3A_677 = arith.constant 0 : i32
        %eq3A_678 = vector.broadcast %eq3A_677 : i32 to vector<16xi32>
        %eq3A_679 = arith.cmpi eq, %get3A_676, %eq3A_678 : vector<16xi32>
        %convert_element_type3A_680 = arith.extui %eq3A_679 : vector<16xi1> to vector<16xi32>
        %reduce_sum3A_681 = arith.constant true
        %reduce_sum3A_682 = vector.broadcast %reduce_sum3A_681 : i1 to vector<16xi1>
        %reduce_sum3A_683 = tpu.scan <sum>, %convert_element_type3A_680 masked %reduce_sum3A_682 : vector<16xi32>, vector<16xi1> -> vector<16xi32>
        %reduce_sum3A_684 = vector.extract %reduce_sum3A_683[15] : i32 from vector<16xi32>
        %ne3A_685 = arith.constant 0 : i32
        %ne3A_686 = arith.cmpi ne, %reduce_sum3A_684, %ne3A_685 : i32
        %convert_element_type3A_687 = arith.extui %ne3A_686 : i1 to i32
        %cond3A_688 = arith.constant 0 : i32
        %cond3A_689 = arith.cmpi ne, %convert_element_type3A_687, %cond3A_688 : i32
        scf.if %cond3A_689 {
          %scan3A_758 = arith.constant 0 : i32
          %scan3A_759 = arith.constant 0 : i32
          %scan3A_760 = arith.constant 64 : i32
          %scan3A_761 = arith.addi %scan3A_759, %scan3A_760 : i32
          %scan3A_762 = arith.constant 1 : i32
          scf.for %scan3A_764 = %scan3A_759 to %scan3A_761 step %scan3A_762  : i32 {
            %broadcast_in_dim3A_765 = arith.constant 0 : i32
            %broadcast_in_dim3A_766 = vector.broadcast %broadcast_in_dim3A_765 : i32 to vector<16xi32>
            %add3A_767 = vector.broadcast %scan3A_764 : i32 to vector<16xi32>
            %add3A_768 = arith.addi %broadcast_in_dim3A_766, %add3A_767 : vector<16xi32>
            tpu.vector_store_idx %arg8[%add3A_17, %add3A_768], %broadcast_in_dim3A_34 masked %eq3A_679 : memref<128x64xf32, #tpu.memory_space<vmem>>[vector<16xi32>, vector<16xi32>], vector<16xf32>, vector<16xi1>
          }
          %scan3A_763 = arith.constant 64 : i32
        } else {
        }
        %add3A_690 = arith.constant 64 : i32
        %add3A_691 = arith.addi %mul3A_313, %add3A_690 : i32
        %get3A_692 = arith.index_cast %add3A_691 : i32 to index
        %get3A_693 = tpu.vector_load %arg5[%get3A_692] {strides = array<i32>} : memref<6400xi32, #tpu.memory_space<vmem>>, vector<16xi32>,
        %eq3A_694 = arith.constant 0 : i32
        %eq3A_695 = vector.broadcast %eq3A_694 : i32 to vector<16xi32>
        %eq3A_696 = arith.cmpi eq, %get3A_693, %eq3A_695 : vector<16xi32>
        %convert_element_type3A_697 = arith.extui %eq3A_696 : vector<16xi1> to vector<16xi32>
        %reduce_sum3A_698 = arith.constant true
        %reduce_sum3A_699 = vector.broadcast %reduce_sum3A_698 : i1 to vector<16xi1>
        %reduce_sum3A_700 = tpu.scan <sum>, %convert_element_type3A_697 masked %reduce_sum3A_699 : vector<16xi32>, vector<16xi1> -> vector<16xi32>
        %reduce_sum3A_701 = vector.extract %reduce_sum3A_700[15] : i32 from vector<16xi32>
        %ne3A_702 = arith.constant 0 : i32
        %ne3A_703 = arith.cmpi ne, %reduce_sum3A_701, %ne3A_702 : i32
        %convert_element_type3A_704 = arith.extui %ne3A_703 : i1 to i32
        %cond3A_705 = arith.constant 0 : i32
        %cond3A_706 = arith.cmpi ne, %convert_element_type3A_704, %cond3A_705 : i32
        scf.if %cond3A_706 {
          %scan3A_758 = arith.constant 0 : i32
          %scan3A_759 = arith.constant 0 : i32
          %scan3A_760 = arith.constant 64 : i32
          %scan3A_761 = arith.addi %scan3A_759, %scan3A_760 : i32
          %scan3A_762 = arith.constant 1 : i32
          scf.for %scan3A_764 = %scan3A_759 to %scan3A_761 step %scan3A_762  : i32 {
            %broadcast_in_dim3A_765 = arith.constant 0 : i32
            %broadcast_in_dim3A_766 = vector.broadcast %broadcast_in_dim3A_765 : i32 to vector<16xi32>
            %add3A_767 = vector.broadcast %scan3A_764 : i32 to vector<16xi32>
            %add3A_768 = arith.addi %broadcast_in_dim3A_766, %add3A_767 : vector<16xi32>
            tpu.vector_store_idx %arg8[%add3A_21, %add3A_768], %broadcast_in_dim3A_34 masked %eq3A_696 : memref<128x64xf32, #tpu.memory_space<vmem>>[vector<16xi32>, vector<16xi32>], vector<16xf32>, vector<16xi1>
          }
          %scan3A_763 = arith.constant 64 : i32
        } else {
        }
        %add3A_707 = arith.constant 80 : i32
        %add3A_708 = arith.addi %mul3A_313, %add3A_707 : i32
        %get3A_709 = arith.index_cast %add3A_708 : i32 to index
        %get3A_710 = tpu.vector_load %arg5[%get3A_709] {strides = array<i32>} : memref<6400xi32, #tpu.memory_space<vmem>>, vector<16xi32>,
        %eq3A_711 = arith.constant 0 : i32
        %eq3A_712 = vector.broadcast %eq3A_711 : i32 to vector<16xi32>
        %eq3A_713 = arith.cmpi eq, %get3A_710, %eq3A_712 : vector<16xi32>
        %convert_element_type3A_714 = arith.extui %eq3A_713 : vector<16xi1> to vector<16xi32>
        %reduce_sum3A_715 = arith.constant true
        %reduce_sum3A_716 = vector.broadcast %reduce_sum3A_715 : i1 to vector<16xi1>
        %reduce_sum3A_717 = tpu.scan <sum>, %convert_element_type3A_714 masked %reduce_sum3A_716 : vector<16xi32>, vector<16xi1> -> vector<16xi32>
        %reduce_sum3A_718 = vector.extract %reduce_sum3A_717[15] : i32 from vector<16xi32>
        %ne3A_719 = arith.constant 0 : i32
        %ne3A_720 = arith.cmpi ne, %reduce_sum3A_718, %ne3A_719 : i32
        %convert_element_type3A_721 = arith.extui %ne3A_720 : i1 to i32
        %cond3A_722 = arith.constant 0 : i32
        %cond3A_723 = arith.cmpi ne, %convert_element_type3A_721, %cond3A_722 : i32
        scf.if %cond3A_723 {
          %scan3A_758 = arith.constant 0 : i32
          %scan3A_759 = arith.constant 0 : i32
          %scan3A_760 = arith.constant 64 : i32
          %scan3A_761 = arith.addi %scan3A_759, %scan3A_760 : i32
          %scan3A_762 = arith.constant 1 : i32
          scf.for %scan3A_764 = %scan3A_759 to %scan3A_761 step %scan3A_762  : i32 {
            %broadcast_in_dim3A_765 = arith.constant 0 : i32
            %broadcast_in_dim3A_766 = vector.broadcast %broadcast_in_dim3A_765 : i32 to vector<16xi32>
            %add3A_767 = vector.broadcast %scan3A_764 : i32 to vector<16xi32>
            %add3A_768 = arith.addi %broadcast_in_dim3A_766, %add3A_767 : vector<16xi32>
            tpu.vector_store_idx %arg8[%add3A_25, %add3A_768], %broadcast_in_dim3A_34 masked %eq3A_713 : memref<128x64xf32, #tpu.memory_space<vmem>>[vector<16xi32>, vector<16xi32>], vector<16xf32>, vector<16xi1>
          }
          %scan3A_763 = arith.constant 64 : i32
        } else {
        }
        %add3A_724 = arith.constant 96 : i32
        %add3A_725 = arith.addi %mul3A_313, %add3A_724 : i32
        %get3A_726 = arith.index_cast %add3A_725 : i32 to index
        %get3A_727 = tpu.vector_load %arg5[%get3A_726] {strides = array<i32>} : memref<6400xi32, #tpu.memory_space<vmem>>, vector<16xi32>,
        %eq3A_728 = arith.constant 0 : i32
        %eq3A_729 = vector.broadcast %eq3A_728 : i32 to vector<16xi32>
        %eq3A_730 = arith.cmpi eq, %get3A_727, %eq3A_729 : vector<16xi32>
        %convert_element_type3A_731 = arith.extui %eq3A_730 : vector<16xi1> to vector<16xi32>
        %reduce_sum3A_732 = arith.constant true
        %reduce_sum3A_733 = vector.broadcast %reduce_sum3A_732 : i1 to vector<16xi1>
        %reduce_sum3A_734 = tpu.scan <sum>, %convert_element_type3A_731 masked %reduce_sum3A_733 : vector<16xi32>, vector<16xi1> -> vector<16xi32>
        %reduce_sum3A_735 = vector.extract %reduce_sum3A_734[15] : i32 from vector<16xi32>
        %ne3A_736 = arith.constant 0 : i32
        %ne3A_737 = arith.cmpi ne, %reduce_sum3A_735, %ne3A_736 : i32
        %convert_element_type3A_738 = arith.extui %ne3A_737 : i1 to i32
        %cond3A_739 = arith.constant 0 : i32
        %cond3A_740 = arith.cmpi ne, %convert_element_type3A_738, %cond3A_739 : i32
        scf.if %cond3A_740 {
          %scan3A_758 = arith.constant 0 : i32
          %scan3A_759 = arith.constant 0 : i32
          %scan3A_760 = arith.constant 64 : i32
          %scan3A_761 = arith.addi %scan3A_759, %scan3A_760 : i32
          %scan3A_762 = arith.constant 1 : i32
          scf.for %scan3A_764 = %scan3A_759 to %scan3A_761 step %scan3A_762  : i32 {
            %broadcast_in_dim3A_765 = arith.constant 0 : i32
            %broadcast_in_dim3A_766 = vector.broadcast %broadcast_in_dim3A_765 : i32 to vector<16xi32>
            %add3A_767 = vector.broadcast %scan3A_764 : i32 to vector<16xi32>
            %add3A_768 = arith.addi %broadcast_in_dim3A_766, %add3A_767 : vector<16xi32>
            tpu.vector_store_idx %arg8[%add3A_29, %add3A_768], %broadcast_in_dim3A_34 masked %eq3A_730 : memref<128x64xf32, #tpu.memory_space<vmem>>[vector<16xi32>, vector<16xi32>], vector<16xf32>, vector<16xi1>
          }
          %scan3A_763 = arith.constant 64 : i32
        } else {
        }
        %add3A_741 = arith.constant 112 : i32
        %add3A_742 = arith.addi %mul3A_313, %add3A_741 : i32
        %get3A_743 = arith.index_cast %add3A_742 : i32 to index
        %get3A_744 = tpu.vector_load %arg5[%get3A_743] {strides = array<i32>} : memref<6400xi32, #tpu.memory_space<vmem>>, vector<16xi32>,
        %eq3A_745 = arith.constant 0 : i32
        %eq3A_746 = vector.broadcast %eq3A_745 : i32 to vector<16xi32>
        %eq3A_747 = arith.cmpi eq, %get3A_744, %eq3A_746 : vector<16xi32>
        %convert_element_type3A_748 = arith.extui %eq3A_747 : vector<16xi1> to vector<16xi32>
        %reduce_sum3A_749 = arith.constant true
        %reduce_sum3A_750 = vector.broadcast %reduce_sum3A_749 : i1 to vector<16xi1>
        %reduce_sum3A_751 = tpu.scan <sum>, %convert_element_type3A_748 masked %reduce_sum3A_750 : vector<16xi32>, vector<16xi1> -> vector<16xi32>
        %reduce_sum3A_752 = vector.extract %reduce_sum3A_751[15] : i32 from vector<16xi32>
        %ne3A_753 = arith.constant 0 : i32
        %ne3A_754 = arith.cmpi ne, %reduce_sum3A_752, %ne3A_753 : i32
        %convert_element_type3A_755 = arith.extui %ne3A_754 : i1 to i32
        %cond3A_756 = arith.constant 0 : i32
        %cond3A_757 = arith.cmpi ne, %convert_element_type3A_755, %cond3A_756 : i32
        scf.if %cond3A_757 {
          %scan3A_758 = arith.constant 0 : i32
          %scan3A_759 = arith.constant 0 : i32
          %scan3A_760 = arith.constant 64 : i32
          %scan3A_761 = arith.addi %scan3A_759, %scan3A_760 : i32
          %scan3A_762 = arith.constant 1 : i32
          scf.for %scan3A_764 = %scan3A_759 to %scan3A_761 step %scan3A_762  : i32 {
            %broadcast_in_dim3A_765 = arith.constant 0 : i32
            %broadcast_in_dim3A_766 = vector.broadcast %broadcast_in_dim3A_765 : i32 to vector<16xi32>
            %add3A_767 = vector.broadcast %scan3A_764 : i32 to vector<16xi32>
            %add3A_768 = arith.addi %broadcast_in_dim3A_766, %add3A_767 : vector<16xi32>
            tpu.vector_store_idx %arg8[%add3A_33, %add3A_768], %broadcast_in_dim3A_34 masked %eq3A_747 : memref<128x64xf32, #tpu.memory_space<vmem>>[vector<16xi32>, vector<16xi32>], vector<16xf32>, vector<16xi1>
          }
          %scan3A_763 = arith.constant 64 : i32
        } else {
        }
      } else {
      }
      %mul3A_397 = arith.constant 128 : i32
      %mul3A_398 = arith.muli %add3A_298, %mul3A_397 : i32
      %add3A_399 = arith.addi %mul3A_2, %mul3A_398 : i32
      %dma_start3A_400 = arith.constant 0 : i32
      %dma_start3A_401 = tpu.memref_slice %arg4[%add3A_399, %dma_start3A_400] : memref<204800x64xf32, #tpu.memory_space<hbm>> -> memref<128x64xf32, #tpu.memory_space<hbm>>
      %dma_start3A_402 = arith.constant 0 : i32
      %dma_start3A_403 = tpu.memref_slice %arg4[%add3A_399, %dma_start3A_402] : memref<204800x64xf32, #tpu.memory_space<hbm>> -> memref<128x64xf32, #tpu.memory_space<hbm>>
      tpu.enqueue_dma source(%arg8 : memref<128x64xf32, #tpu.memory_space<vmem>>) target(%dma_start3A_403 : memref<128x64xf32, #tpu.memory_space<hbm>>) target_semaphore(%arg18 : memref<!tpu.dma_semaphore, #tpu.memory_space<semaphore_mem>>)
      %mul3A_404 = arith.constant 5 : i32
      %mul3A_405 = arith.muli %scan3A_83, %mul3A_404 : i32
      %add3A_406 = arith.constant 3 : i32
      %add3A_407 = arith.addi %mul3A_405, %add3A_406 : i32
      %add3A_408 = arith.constant 3 : i32
      %add3A_409 = arith.addi %add3A_407, %add3A_408 : i32
      %lt3A_410 = arith.constant 50 : i32
      %lt3A_411 = arith.cmpi slt, %add3A_409, %lt3A_410 : i32
      %convert_element_type3A_412 = arith.extui %lt3A_411 : i1 to i32
      %cond3A_413 = arith.constant 0 : i32
      %cond3A_414 = arith.cmpi ne, %convert_element_type3A_412, %cond3A_413 : i32
      scf.if %cond3A_414 {
        %ge3A = arith.constant 5 : i32
        %ge3A_622 = arith.cmpi sge, %add3A_409, %ge3A : i32
        %convert_element_type3A_623 = arith.extui %ge3A_622 : i1 to i32
        %cond3A_624 = arith.constant 0 : i32
        %cond3A_625 = arith.cmpi ne, %convert_element_type3A_623, %cond3A_624 : i32
        scf.if %cond3A_625 {
          %dma_wait3A_632 = arith.constant 0 : i32
          %dma_wait3A_633 = arith.constant 0 : i32
          %dma_wait3A_634 = tpu.memref_slice %arg4[%dma_wait3A_632, %dma_wait3A_633] : memref<204800x64xf32, #tpu.memory_space<hbm>> -> memref<128x64xf32, #tpu.memory_space<hbm>>
          %dma_wait3A_635 = arith.constant 0 : i32
          %dma_wait3A_636 = arith.constant 0 : i32
          %dma_wait3A_637 = tpu.memref_slice %arg4[%dma_wait3A_635, %dma_wait3A_636] : memref<204800x64xf32, #tpu.memory_space<hbm>> -> memref<128x64xf32, #tpu.memory_space<hbm>>
          tpu.wait_dma2 semaphore(%arg17 : memref<!tpu.dma_semaphore, #tpu.memory_space<semaphore_mem>>) src(%arg7 : memref<128x64xf32, #tpu.memory_space<vmem>>) dst(%dma_wait3A_637 : memref<128x64xf32, #tpu.memory_space<hbm>>)
        } else {
        }
        %mul3A_626 = arith.constant 128 : i32
        %mul3A_627 = arith.muli %add3A_409, %mul3A_626 : i32
        %dma_start3A_628 = tpu.memref_slice %arg5[%mul3A_627] : memref<6400xi32, #tpu.memory_space<vmem>> -> memref<128xi32, #tpu.memory_space<vmem>>
        %dma_start3A_629 = arith.constant 0 : i32
        %dma_start3A_630 = arith.constant 0 : i32
        %dma_start3A_631 = tpu.memref_slice %arg2[%dma_start3A_629, %dma_start3A_630] : memref<1000000x64xf32, #tpu.memory_space<hbm>> -> memref<1000000x64xf32, #tpu.memory_space<hbm>>
        tpu.enqueue_indirect_dma source(%dma_start3A_631 : memref<1000000x64xf32, #tpu.memory_space<hbm>>) target(%arg7 : memref<128x64xf32, #tpu.memory_space<vmem>>) offsets(%dma_start3A_628 : memref<128xi32, #tpu.memory_space<vmem>>) semaphore(%arg12 : memref<!tpu.dma_semaphore, #tpu.memory_space<semaphore_mem>>)
      } else {
      }
      %dma_wait3A_415 = arith.constant 0 : i32
      %dma_wait3A_416 = arith.constant 0 : i32
      %dma_wait3A_417 = tpu.memref_slice %arg2[%dma_wait3A_415, %dma_wait3A_416] : memref<1000000x64xf32, #tpu.memory_space<hbm>> -> memref<128x64xf32, #tpu.memory_space<hbm>>
      %dma_wait3A_418 = arith.constant 0 : i32
      %dma_wait3A_419 = arith.constant 0 : i32
      %dma_wait3A_420 = tpu.memref_slice %arg2[%dma_wait3A_418, %dma_wait3A_419] : memref<1000000x64xf32, #tpu.memory_space<hbm>> -> memref<128x64xf32, #tpu.memory_space<hbm>>
      tpu.wait_dma2 semaphore(%arg14 : memref<!tpu.dma_semaphore, #tpu.memory_space<semaphore_mem>>) src(%dma_wait3A_420 : memref<128x64xf32, #tpu.memory_space<hbm>>) dst(%arg9 : memref<128x64xf32, #tpu.memory_space<vmem>>)
      %mul3A_421 = arith.constant 128 : i32
      %mul3A_422 = arith.muli %add3A_407, %mul3A_421 : i32
      %broadcast_in_dim3A_423 = arith.constant 0 : i32
      %broadcast_in_dim3A_424 = vector.broadcast %broadcast_in_dim3A_423 : i32 to vector<16xi32>
      %add3A_425 = arith.constant 0 : i32
      %add3A_426 = arith.addi %mul3A_422, %add3A_425 : i32
      %get3A_427 = arith.index_cast %add3A_426 : i32 to index
      %get3A_428 = tpu.vector_load %arg5[%get3A_427] {strides = array<i32>} : memref<6400xi32, #tpu.memory_space<vmem>>, vector<16xi32>,
      %eq3A_429 = arith.constant 0 : i32
      %eq3A_430 = vector.broadcast %eq3A_429 : i32 to vector<16xi32>
      %eq3A_431 = arith.cmpi eq, %get3A_428, %eq3A_430 : vector<16xi32>
      %convert_element_type3A_432 = arith.extui %eq3A_431 : vector<16xi1> to vector<16xi32>
      %add3A_433 = arith.addi %broadcast_in_dim3A_424, %convert_element_type3A_432 : vector<16xi32>
      %add3A_434 = arith.constant 16 : i32
      %add3A_435 = arith.addi %mul3A_422, %add3A_434 : i32
      %get3A_436 = arith.index_cast %add3A_435 : i32 to index
      %get3A_437 = tpu.vector_load %arg5[%get3A_436] {strides = array<i32>} : memref<6400xi32, #tpu.memory_space<vmem>>, vector<16xi32>,
      %eq3A_438 = arith.constant 0 : i32
      %eq3A_439 = vector.broadcast %eq3A_438 : i32 to vector<16xi32>
      %eq3A_440 = arith.cmpi eq, %get3A_437, %eq3A_439 : vector<16xi32>
      %convert_element_type3A_441 = arith.extui %eq3A_440 : vector<16xi1> to vector<16xi32>
      %add3A_442 = arith.addi %add3A_433, %convert_element_type3A_441 : vector<16xi32>
      %add3A_443 = arith.constant 32 : i32
      %add3A_444 = arith.addi %mul3A_422, %add3A_443 : i32
      %get3A_445 = arith.index_cast %add3A_444 : i32 to index
      %get3A_446 = tpu.vector_load %arg5[%get3A_445] {strides = array<i32>} : memref<6400xi32, #tpu.memory_space<vmem>>, vector<16xi32>,
      %eq3A_447 = arith.constant 0 : i32
      %eq3A_448 = vector.broadcast %eq3A_447 : i32 to vector<16xi32>
      %eq3A_449 = arith.cmpi eq, %get3A_446, %eq3A_448 : vector<16xi32>
      %convert_element_type3A_450 = arith.extui %eq3A_449 : vector<16xi1> to vector<16xi32>
      %add3A_451 = arith.addi %add3A_442, %convert_element_type3A_450 : vector<16xi32>
      %add3A_452 = arith.constant 48 : i32
      %add3A_453 = arith.addi %mul3A_422, %add3A_452 : i32
      %get3A_454 = arith.index_cast %add3A_453 : i32 to index
      %get3A_455 = tpu.vector_load %arg5[%get3A_454] {strides = array<i32>} : memref<6400xi32, #tpu.memory_space<vmem>>, vector<16xi32>,
      %eq3A_456 = arith.constant 0 : i32
      %eq3A_457 = vector.broadcast %eq3A_456 : i32 to vector<16xi32>
      %eq3A_458 = arith.cmpi eq, %get3A_455, %eq3A_457 : vector<16xi32>
      %convert_element_type3A_459 = arith.extui %eq3A_458 : vector<16xi1> to vector<16xi32>
      %add3A_460 = arith.addi %add3A_451, %convert_element_type3A_459 : vector<16xi32>
      %add3A_461 = arith.constant 64 : i32
      %add3A_462 = arith.addi %mul3A_422, %add3A_461 : i32
      %get3A_463 = arith.index_cast %add3A_462 : i32 to index
      %get3A_464 = tpu.vector_load %arg5[%get3A_463] {strides = array<i32>} : memref<6400xi32, #tpu.memory_space<vmem>>, vector<16xi32>,
      %eq3A_465 = arith.constant 0 : i32
      %eq3A_466 = vector.broadcast %eq3A_465 : i32 to vector<16xi32>
      %eq3A_467 = arith.cmpi eq, %get3A_464, %eq3A_466 : vector<16xi32>
      %convert_element_type3A_468 = arith.extui %eq3A_467 : vector<16xi1> to vector<16xi32>
      %add3A_469 = arith.addi %add3A_460, %convert_element_type3A_468 : vector<16xi32>
      %add3A_470 = arith.constant 80 : i32
      %add3A_471 = arith.addi %mul3A_422, %add3A_470 : i32
      %get3A_472 = arith.index_cast %add3A_471 : i32 to index
      %get3A_473 = tpu.vector_load %arg5[%get3A_472] {strides = array<i32>} : memref<6400xi32, #tpu.memory_space<vmem>>, vector<16xi32>,
      %eq3A_474 = arith.constant 0 : i32
      %eq3A_475 = vector.broadcast %eq3A_474 : i32 to vector<16xi32>
      %eq3A_476 = arith.cmpi eq, %get3A_473, %eq3A_475 : vector<16xi32>
      %convert_element_type3A_477 = arith.extui %eq3A_476 : vector<16xi1> to vector<16xi32>
      %add3A_478 = arith.addi %add3A_469, %convert_element_type3A_477 : vector<16xi32>
      %add3A_479 = arith.constant 96 : i32
      %add3A_480 = arith.addi %mul3A_422, %add3A_479 : i32
      %get3A_481 = arith.index_cast %add3A_480 : i32 to index
      %get3A_482 = tpu.vector_load %arg5[%get3A_481] {strides = array<i32>} : memref<6400xi32, #tpu.memory_space<vmem>>, vector<16xi32>,
      %eq3A_483 = arith.constant 0 : i32
      %eq3A_484 = vector.broadcast %eq3A_483 : i32 to vector<16xi32>
      %eq3A_485 = arith.cmpi eq, %get3A_482, %eq3A_484 : vector<16xi32>
      %convert_element_type3A_486 = arith.extui %eq3A_485 : vector<16xi1> to vector<16xi32>
      %add3A_487 = arith.addi %add3A_478, %convert_element_type3A_486 : vector<16xi32>
      %add3A_488 = arith.constant 112 : i32
      %add3A_489 = arith.addi %mul3A_422, %add3A_488 : i32
      %get3A_490 = arith.index_cast %add3A_489 : i32 to index
      %get3A_491 = tpu.vector_load %arg5[%get3A_490] {strides = array<i32>} : memref<6400xi32, #tpu.memory_space<vmem>>, vector<16xi32>,
      %eq3A_492 = arith.constant 0 : i32
      %eq3A_493 = vector.broadcast %eq3A_492 : i32 to vector<16xi32>
      %eq3A_494 = arith.cmpi eq, %get3A_491, %eq3A_493 : vector<16xi32>
      %convert_element_type3A_495 = arith.extui %eq3A_494 : vector<16xi1> to vector<16xi32>
      %add3A_496 = arith.addi %add3A_487, %convert_element_type3A_495 : vector<16xi32>
      %reduce_sum3A_497 = arith.constant true
      %reduce_sum3A_498 = vector.broadcast %reduce_sum3A_497 : i1 to vector<16xi1>
      %reduce_sum3A_499 = tpu.scan <sum>, %add3A_496 masked %reduce_sum3A_498 : vector<16xi32>, vector<16xi1> -> vector<16xi32>
      %reduce_sum3A_500 = vector.extract %reduce_sum3A_499[15] : i32 from vector<16xi32>
      %ne3A_501 = arith.constant 0 : i32
      %ne3A_502 = arith.cmpi ne, %reduce_sum3A_500, %ne3A_501 : i32
      %convert_element_type3A_503 = arith.extui %ne3A_502 : i1 to i32
      %cond3A_504 = arith.constant 0 : i32
      %cond3A_505 = arith.cmpi ne, %convert_element_type3A_503, %cond3A_504 : i32
      scf.if %cond3A_505 {
        %add3A_622 = arith.constant 0 : i32
        %add3A_623 = arith.addi %mul3A_422, %add3A_622 : i32
        %get3A_624 = arith.index_cast %add3A_623 : i32 to index
        %get3A_625 = tpu.vector_load %arg5[%get3A_624] {strides = array<i32>} : memref<6400xi32, #tpu.memory_space<vmem>>, vector<16xi32>,
        %eq3A_626 = arith.constant 0 : i32
        %eq3A_627 = vector.broadcast %eq3A_626 : i32 to vector<16xi32>
        %eq3A_628 = arith.cmpi eq, %get3A_625, %eq3A_627 : vector<16xi32>
        %convert_element_type3A_629 = arith.extui %eq3A_628 : vector<16xi1> to vector<16xi32>
        %reduce_sum3A_630 = arith.constant true
        %reduce_sum3A_631 = vector.broadcast %reduce_sum3A_630 : i1 to vector<16xi1>
        %reduce_sum3A_632 = tpu.scan <sum>, %convert_element_type3A_629 masked %reduce_sum3A_631 : vector<16xi32>, vector<16xi1> -> vector<16xi32>
        %reduce_sum3A_633 = vector.extract %reduce_sum3A_632[15] : i32 from vector<16xi32>
        %ne3A_634 = arith.constant 0 : i32
        %ne3A_635 = arith.cmpi ne, %reduce_sum3A_633, %ne3A_634 : i32
        %convert_element_type3A_636 = arith.extui %ne3A_635 : i1 to i32
        %cond3A_637 = arith.constant 0 : i32
        %cond3A_638 = arith.cmpi ne, %convert_element_type3A_636, %cond3A_637 : i32
        scf.if %cond3A_638 {
          %scan3A_758 = arith.constant 0 : i32
          %scan3A_759 = arith.constant 0 : i32
          %scan3A_760 = arith.constant 64 : i32
          %scan3A_761 = arith.addi %scan3A_759, %scan3A_760 : i32
          %scan3A_762 = arith.constant 1 : i32
          scf.for %scan3A_764 = %scan3A_759 to %scan3A_761 step %scan3A_762  : i32 {
            %broadcast_in_dim3A_765 = arith.constant 0 : i32
            %broadcast_in_dim3A_766 = vector.broadcast %broadcast_in_dim3A_765 : i32 to vector<16xi32>
            %add3A_767 = vector.broadcast %scan3A_764 : i32 to vector<16xi32>
            %add3A_768 = arith.addi %broadcast_in_dim3A_766, %add3A_767 : vector<16xi32>
            tpu.vector_store_idx %arg9[%add3A_5, %add3A_768], %broadcast_in_dim3A_34 masked %eq3A_628 : memref<128x64xf32, #tpu.memory_space<vmem>>[vector<16xi32>, vector<16xi32>], vector<16xf32>, vector<16xi1>
          }
          %scan3A_763 = arith.constant 64 : i32
        } else {
        }
        %add3A_639 = arith.constant 16 : i32
        %add3A_640 = arith.addi %mul3A_422, %add3A_639 : i32
        %get3A_641 = arith.index_cast %add3A_640 : i32 to index
        %get3A_642 = tpu.vector_load %arg5[%get3A_641] {strides = array<i32>} : memref<6400xi32, #tpu.memory_space<vmem>>, vector<16xi32>,
        %eq3A_643 = arith.constant 0 : i32
        %eq3A_644 = vector.broadcast %eq3A_643 : i32 to vector<16xi32>
        %eq3A_645 = arith.cmpi eq, %get3A_642, %eq3A_644 : vector<16xi32>
        %convert_element_type3A_646 = arith.extui %eq3A_645 : vector<16xi1> to vector<16xi32>
        %reduce_sum3A_647 = arith.constant true
        %reduce_sum3A_648 = vector.broadcast %reduce_sum3A_647 : i1 to vector<16xi1>
        %reduce_sum3A_649 = tpu.scan <sum>, %convert_element_type3A_646 masked %reduce_sum3A_648 : vector<16xi32>, vector<16xi1> -> vector<16xi32>
        %reduce_sum3A_650 = vector.extract %reduce_sum3A_649[15] : i32 from vector<16xi32>
        %ne3A_651 = arith.constant 0 : i32
        %ne3A_652 = arith.cmpi ne, %reduce_sum3A_650, %ne3A_651 : i32
        %convert_element_type3A_653 = arith.extui %ne3A_652 : i1 to i32
        %cond3A_654 = arith.constant 0 : i32
        %cond3A_655 = arith.cmpi ne, %convert_element_type3A_653, %cond3A_654 : i32
        scf.if %cond3A_655 {
          %scan3A_758 = arith.constant 0 : i32
          %scan3A_759 = arith.constant 0 : i32
          %scan3A_760 = arith.constant 64 : i32
          %scan3A_761 = arith.addi %scan3A_759, %scan3A_760 : i32
          %scan3A_762 = arith.constant 1 : i32
          scf.for %scan3A_764 = %scan3A_759 to %scan3A_761 step %scan3A_762  : i32 {
            %broadcast_in_dim3A_765 = arith.constant 0 : i32
            %broadcast_in_dim3A_766 = vector.broadcast %broadcast_in_dim3A_765 : i32 to vector<16xi32>
            %add3A_767 = vector.broadcast %scan3A_764 : i32 to vector<16xi32>
            %add3A_768 = arith.addi %broadcast_in_dim3A_766, %add3A_767 : vector<16xi32>
            tpu.vector_store_idx %arg9[%add3A_9, %add3A_768], %broadcast_in_dim3A_34 masked %eq3A_645 : memref<128x64xf32, #tpu.memory_space<vmem>>[vector<16xi32>, vector<16xi32>], vector<16xf32>, vector<16xi1>
          }
          %scan3A_763 = arith.constant 64 : i32
        } else {
        }
        %add3A_656 = arith.constant 32 : i32
        %add3A_657 = arith.addi %mul3A_422, %add3A_656 : i32
        %get3A_658 = arith.index_cast %add3A_657 : i32 to index
        %get3A_659 = tpu.vector_load %arg5[%get3A_658] {strides = array<i32>} : memref<6400xi32, #tpu.memory_space<vmem>>, vector<16xi32>,
        %eq3A_660 = arith.constant 0 : i32
        %eq3A_661 = vector.broadcast %eq3A_660 : i32 to vector<16xi32>
        %eq3A_662 = arith.cmpi eq, %get3A_659, %eq3A_661 : vector<16xi32>
        %convert_element_type3A_663 = arith.extui %eq3A_662 : vector<16xi1> to vector<16xi32>
        %reduce_sum3A_664 = arith.constant true
        %reduce_sum3A_665 = vector.broadcast %reduce_sum3A_664 : i1 to vector<16xi1>
        %reduce_sum3A_666 = tpu.scan <sum>, %convert_element_type3A_663 masked %reduce_sum3A_665 : vector<16xi32>, vector<16xi1> -> vector<16xi32>
        %reduce_sum3A_667 = vector.extract %reduce_sum3A_666[15] : i32 from vector<16xi32>
        %ne3A_668 = arith.constant 0 : i32
        %ne3A_669 = arith.cmpi ne, %reduce_sum3A_667, %ne3A_668 : i32
        %convert_element_type3A_670 = arith.extui %ne3A_669 : i1 to i32
        %cond3A_671 = arith.constant 0 : i32
        %cond3A_672 = arith.cmpi ne, %convert_element_type3A_670, %cond3A_671 : i32
        scf.if %cond3A_672 {
          %scan3A_758 = arith.constant 0 : i32
          %scan3A_759 = arith.constant 0 : i32
          %scan3A_760 = arith.constant 64 : i32
          %scan3A_761 = arith.addi %scan3A_759, %scan3A_760 : i32
          %scan3A_762 = arith.constant 1 : i32
          scf.for %scan3A_764 = %scan3A_759 to %scan3A_761 step %scan3A_762  : i32 {
            %broadcast_in_dim3A_765 = arith.constant 0 : i32
            %broadcast_in_dim3A_766 = vector.broadcast %broadcast_in_dim3A_765 : i32 to vector<16xi32>
            %add3A_767 = vector.broadcast %scan3A_764 : i32 to vector<16xi32>
            %add3A_768 = arith.addi %broadcast_in_dim3A_766, %add3A_767 : vector<16xi32>
            tpu.vector_store_idx %arg9[%add3A_13, %add3A_768], %broadcast_in_dim3A_34 masked %eq3A_662 : memref<128x64xf32, #tpu.memory_space<vmem>>[vector<16xi32>, vector<16xi32>], vector<16xf32>, vector<16xi1>
          }
          %scan3A_763 = arith.constant 64 : i32
        } else {
        }
        %add3A_673 = arith.constant 48 : i32
        %add3A_674 = arith.addi %mul3A_422, %add3A_673 : i32
        %get3A_675 = arith.index_cast %add3A_674 : i32 to index
        %get3A_676 = tpu.vector_load %arg5[%get3A_675] {strides = array<i32>} : memref<6400xi32, #tpu.memory_space<vmem>>, vector<16xi32>,
        %eq3A_677 = arith.constant 0 : i32
        %eq3A_678 = vector.broadcast %eq3A_677 : i32 to vector<16xi32>
        %eq3A_679 = arith.cmpi eq, %get3A_676, %eq3A_678 : vector<16xi32>
        %convert_element_type3A_680 = arith.extui %eq3A_679 : vector<16xi1> to vector<16xi32>
        %reduce_sum3A_681 = arith.constant true
        %reduce_sum3A_682 = vector.broadcast %reduce_sum3A_681 : i1 to vector<16xi1>
        %reduce_sum3A_683 = tpu.scan <sum>, %convert_element_type3A_680 masked %reduce_sum3A_682 : vector<16xi32>, vector<16xi1> -> vector<16xi32>
        %reduce_sum3A_684 = vector.extract %reduce_sum3A_683[15] : i32 from vector<16xi32>
        %ne3A_685 = arith.constant 0 : i32
        %ne3A_686 = arith.cmpi ne, %reduce_sum3A_684, %ne3A_685 : i32
        %convert_element_type3A_687 = arith.extui %ne3A_686 : i1 to i32
        %cond3A_688 = arith.constant 0 : i32
        %cond3A_689 = arith.cmpi ne, %convert_element_type3A_687, %cond3A_688 : i32
        scf.if %cond3A_689 {
          %scan3A_758 = arith.constant 0 : i32
          %scan3A_759 = arith.constant 0 : i32
          %scan3A_760 = arith.constant 64 : i32
          %scan3A_761 = arith.addi %scan3A_759, %scan3A_760 : i32
          %scan3A_762 = arith.constant 1 : i32
          scf.for %scan3A_764 = %scan3A_759 to %scan3A_761 step %scan3A_762  : i32 {
            %broadcast_in_dim3A_765 = arith.constant 0 : i32
            %broadcast_in_dim3A_766 = vector.broadcast %broadcast_in_dim3A_765 : i32 to vector<16xi32>
            %add3A_767 = vector.broadcast %scan3A_764 : i32 to vector<16xi32>
            %add3A_768 = arith.addi %broadcast_in_dim3A_766, %add3A_767 : vector<16xi32>
            tpu.vector_store_idx %arg9[%add3A_17, %add3A_768], %broadcast_in_dim3A_34 masked %eq3A_679 : memref<128x64xf32, #tpu.memory_space<vmem>>[vector<16xi32>, vector<16xi32>], vector<16xf32>, vector<16xi1>
          }
          %scan3A_763 = arith.constant 64 : i32
        } else {
        }
        %add3A_690 = arith.constant 64 : i32
        %add3A_691 = arith.addi %mul3A_422, %add3A_690 : i32
        %get3A_692 = arith.index_cast %add3A_691 : i32 to index
        %get3A_693 = tpu.vector_load %arg5[%get3A_692] {strides = array<i32>} : memref<6400xi32, #tpu.memory_space<vmem>>, vector<16xi32>,
        %eq3A_694 = arith.constant 0 : i32
        %eq3A_695 = vector.broadcast %eq3A_694 : i32 to vector<16xi32>
        %eq3A_696 = arith.cmpi eq, %get3A_693, %eq3A_695 : vector<16xi32>
        %convert_element_type3A_697 = arith.extui %eq3A_696 : vector<16xi1> to vector<16xi32>
        %reduce_sum3A_698 = arith.constant true
        %reduce_sum3A_699 = vector.broadcast %reduce_sum3A_698 : i1 to vector<16xi1>
        %reduce_sum3A_700 = tpu.scan <sum>, %convert_element_type3A_697 masked %reduce_sum3A_699 : vector<16xi32>, vector<16xi1> -> vector<16xi32>
        %reduce_sum3A_701 = vector.extract %reduce_sum3A_700[15] : i32 from vector<16xi32>
        %ne3A_702 = arith.constant 0 : i32
        %ne3A_703 = arith.cmpi ne, %reduce_sum3A_701, %ne3A_702 : i32
        %convert_element_type3A_704 = arith.extui %ne3A_703 : i1 to i32
        %cond3A_705 = arith.constant 0 : i32
        %cond3A_706 = arith.cmpi ne, %convert_element_type3A_704, %cond3A_705 : i32
        scf.if %cond3A_706 {
          %scan3A_758 = arith.constant 0 : i32
          %scan3A_759 = arith.constant 0 : i32
          %scan3A_760 = arith.constant 64 : i32
          %scan3A_761 = arith.addi %scan3A_759, %scan3A_760 : i32
          %scan3A_762 = arith.constant 1 : i32
          scf.for %scan3A_764 = %scan3A_759 to %scan3A_761 step %scan3A_762  : i32 {
            %broadcast_in_dim3A_765 = arith.constant 0 : i32
            %broadcast_in_dim3A_766 = vector.broadcast %broadcast_in_dim3A_765 : i32 to vector<16xi32>
            %add3A_767 = vector.broadcast %scan3A_764 : i32 to vector<16xi32>
            %add3A_768 = arith.addi %broadcast_in_dim3A_766, %add3A_767 : vector<16xi32>
            tpu.vector_store_idx %arg9[%add3A_21, %add3A_768], %broadcast_in_dim3A_34 masked %eq3A_696 : memref<128x64xf32, #tpu.memory_space<vmem>>[vector<16xi32>, vector<16xi32>], vector<16xf32>, vector<16xi1>
          }
          %scan3A_763 = arith.constant 64 : i32
        } else {
        }
        %add3A_707 = arith.constant 80 : i32
        %add3A_708 = arith.addi %mul3A_422, %add3A_707 : i32
        %get3A_709 = arith.index_cast %add3A_708 : i32 to index
        %get3A_710 = tpu.vector_load %arg5[%get3A_709] {strides = array<i32>} : memref<6400xi32, #tpu.memory_space<vmem>>, vector<16xi32>,
        %eq3A_711 = arith.constant 0 : i32
        %eq3A_712 = vector.broadcast %eq3A_711 : i32 to vector<16xi32>
        %eq3A_713 = arith.cmpi eq, %get3A_710, %eq3A_712 : vector<16xi32>
        %convert_element_type3A_714 = arith.extui %eq3A_713 : vector<16xi1> to vector<16xi32>
        %reduce_sum3A_715 = arith.constant true
        %reduce_sum3A_716 = vector.broadcast %reduce_sum3A_715 : i1 to vector<16xi1>
        %reduce_sum3A_717 = tpu.scan <sum>, %convert_element_type3A_714 masked %reduce_sum3A_716 : vector<16xi32>, vector<16xi1> -> vector<16xi32>
        %reduce_sum3A_718 = vector.extract %reduce_sum3A_717[15] : i32 from vector<16xi32>
        %ne3A_719 = arith.constant 0 : i32
        %ne3A_720 = arith.cmpi ne, %reduce_sum3A_718, %ne3A_719 : i32
        %convert_element_type3A_721 = arith.extui %ne3A_720 : i1 to i32
        %cond3A_722 = arith.constant 0 : i32
        %cond3A_723 = arith.cmpi ne, %convert_element_type3A_721, %cond3A_722 : i32
        scf.if %cond3A_723 {
          %scan3A_758 = arith.constant 0 : i32
          %scan3A_759 = arith.constant 0 : i32
          %scan3A_760 = arith.constant 64 : i32
          %scan3A_761 = arith.addi %scan3A_759, %scan3A_760 : i32
          %scan3A_762 = arith.constant 1 : i32
          scf.for %scan3A_764 = %scan3A_759 to %scan3A_761 step %scan3A_762  : i32 {
            %broadcast_in_dim3A_765 = arith.constant 0 : i32
            %broadcast_in_dim3A_766 = vector.broadcast %broadcast_in_dim3A_765 : i32 to vector<16xi32>
            %add3A_767 = vector.broadcast %scan3A_764 : i32 to vector<16xi32>
            %add3A_768 = arith.addi %broadcast_in_dim3A_766, %add3A_767 : vector<16xi32>
            tpu.vector_store_idx %arg9[%add3A_25, %add3A_768], %broadcast_in_dim3A_34 masked %eq3A_713 : memref<128x64xf32, #tpu.memory_space<vmem>>[vector<16xi32>, vector<16xi32>], vector<16xf32>, vector<16xi1>
          }
          %scan3A_763 = arith.constant 64 : i32
        } else {
        }
        %add3A_724 = arith.constant 96 : i32
        %add3A_725 = arith.addi %mul3A_422, %add3A_724 : i32
        %get3A_726 = arith.index_cast %add3A_725 : i32 to index
        %get3A_727 = tpu.vector_load %arg5[%get3A_726] {strides = array<i32>} : memref<6400xi32, #tpu.memory_space<vmem>>, vector<16xi32>,
        %eq3A_728 = arith.constant 0 : i32
        %eq3A_729 = vector.broadcast %eq3A_728 : i32 to vector<16xi32>
        %eq3A_730 = arith.cmpi eq, %get3A_727, %eq3A_729 : vector<16xi32>
        %convert_element_type3A_731 = arith.extui %eq3A_730 : vector<16xi1> to vector<16xi32>
        %reduce_sum3A_732 = arith.constant true
        %reduce_sum3A_733 = vector.broadcast %reduce_sum3A_732 : i1 to vector<16xi1>
        %reduce_sum3A_734 = tpu.scan <sum>, %convert_element_type3A_731 masked %reduce_sum3A_733 : vector<16xi32>, vector<16xi1> -> vector<16xi32>
        %reduce_sum3A_735 = vector.extract %reduce_sum3A_734[15] : i32 from vector<16xi32>
        %ne3A_736 = arith.constant 0 : i32
        %ne3A_737 = arith.cmpi ne, %reduce_sum3A_735, %ne3A_736 : i32
        %convert_element_type3A_738 = arith.extui %ne3A_737 : i1 to i32
        %cond3A_739 = arith.constant 0 : i32
        %cond3A_740 = arith.cmpi ne, %convert_element_type3A_738, %cond3A_739 : i32
        scf.if %cond3A_740 {
          %scan3A_758 = arith.constant 0 : i32
          %scan3A_759 = arith.constant 0 : i32
          %scan3A_760 = arith.constant 64 : i32
          %scan3A_761 = arith.addi %scan3A_759, %scan3A_760 : i32
          %scan3A_762 = arith.constant 1 : i32
          scf.for %scan3A_764 = %scan3A_759 to %scan3A_761 step %scan3A_762  : i32 {
            %broadcast_in_dim3A_765 = arith.constant 0 : i32
            %broadcast_in_dim3A_766 = vector.broadcast %broadcast_in_dim3A_765 : i32 to vector<16xi32>
            %add3A_767 = vector.broadcast %scan3A_764 : i32 to vector<16xi32>
            %add3A_768 = arith.addi %broadcast_in_dim3A_766, %add3A_767 : vector<16xi32>
            tpu.vector_store_idx %arg9[%add3A_29, %add3A_768], %broadcast_in_dim3A_34 masked %eq3A_730 : memref<128x64xf32, #tpu.memory_space<vmem>>[vector<16xi32>, vector<16xi32>], vector<16xf32>, vector<16xi1>
          }
          %scan3A_763 = arith.constant 64 : i32
        } else {
        }
        %add3A_741 = arith.constant 112 : i32
        %add3A_742 = arith.addi %mul3A_422, %add3A_741 : i32
        %get3A_743 = arith.index_cast %add3A_742 : i32 to index
        %get3A_744 = tpu.vector_load %arg5[%get3A_743] {strides = array<i32>} : memref<6400xi32, #tpu.memory_space<vmem>>, vector<16xi32>,
        %eq3A_745 = arith.constant 0 : i32
        %eq3A_746 = vector.broadcast %eq3A_745 : i32 to vector<16xi32>
        %eq3A_747 = arith.cmpi eq, %get3A_744, %eq3A_746 : vector<16xi32>
        %convert_element_type3A_748 = arith.extui %eq3A_747 : vector<16xi1> to vector<16xi32>
        %reduce_sum3A_749 = arith.constant true
        %reduce_sum3A_750 = vector.broadcast %reduce_sum3A_749 : i1 to vector<16xi1>
        %reduce_sum3A_751 = tpu.scan <sum>, %convert_element_type3A_748 masked %reduce_sum3A_750 : vector<16xi32>, vector<16xi1> -> vector<16xi32>
        %reduce_sum3A_752 = vector.extract %reduce_sum3A_751[15] : i32 from vector<16xi32>
        %ne3A_753 = arith.constant 0 : i32
        %ne3A_754 = arith.cmpi ne, %reduce_sum3A_752, %ne3A_753 : i32
        %convert_element_type3A_755 = arith.extui %ne3A_754 : i1 to i32
        %cond3A_756 = arith.constant 0 : i32
        %cond3A_757 = arith.cmpi ne, %convert_element_type3A_755, %cond3A_756 : i32
        scf.if %cond3A_757 {
          %scan3A_758 = arith.constant 0 : i32
          %scan3A_759 = arith.constant 0 : i32
          %scan3A_760 = arith.constant 64 : i32
          %scan3A_761 = arith.addi %scan3A_759, %scan3A_760 : i32
          %scan3A_762 = arith.constant 1 : i32
          scf.for %scan3A_764 = %scan3A_759 to %scan3A_761 step %scan3A_762  : i32 {
            %broadcast_in_dim3A_765 = arith.constant 0 : i32
            %broadcast_in_dim3A_766 = vector.broadcast %broadcast_in_dim3A_765 : i32 to vector<16xi32>
            %add3A_767 = vector.broadcast %scan3A_764 : i32 to vector<16xi32>
            %add3A_768 = arith.addi %broadcast_in_dim3A_766, %add3A_767 : vector<16xi32>
            tpu.vector_store_idx %arg9[%add3A_33, %add3A_768], %broadcast_in_dim3A_34 masked %eq3A_747 : memref<128x64xf32, #tpu.memory_space<vmem>>[vector<16xi32>, vector<16xi32>], vector<16xf32>, vector<16xi1>
          }
          %scan3A_763 = arith.constant 64 : i32
        } else {
        }
      } else {
      }
      %mul3A_506 = arith.constant 128 : i32
      %mul3A_507 = arith.muli %add3A_407, %mul3A_506 : i32
      %add3A_508 = arith.addi %mul3A_2, %mul3A_507 : i32
      %dma_start3A_509 = arith.constant 0 : i32
      %dma_start3A_510 = tpu.memref_slice %arg4[%add3A_508, %dma_start3A_509] : memref<204800x64xf32, #tpu.memory_space<hbm>> -> memref<128x64xf32, #tpu.memory_space<hbm>>
      %dma_start3A_511 = arith.constant 0 : i32
      %dma_start3A_512 = tpu.memref_slice %arg4[%add3A_508, %dma_start3A_511] : memref<204800x64xf32, #tpu.memory_space<hbm>> -> memref<128x64xf32, #tpu.memory_space<hbm>>
      tpu.enqueue_dma source(%arg9 : memref<128x64xf32, #tpu.memory_space<vmem>>) target(%dma_start3A_512 : memref<128x64xf32, #tpu.memory_space<hbm>>) target_semaphore(%arg19 : memref<!tpu.dma_semaphore, #tpu.memory_space<semaphore_mem>>)
      %mul3A_513 = arith.constant 5 : i32
      %mul3A_514 = arith.muli %scan3A_83, %mul3A_513 : i32
      %add3A_515 = arith.constant 4 : i32
      %add3A_516 = arith.addi %mul3A_514, %add3A_515 : i32
      %add3A_517 = arith.constant 3 : i32
      %add3A_518 = arith.addi %add3A_516, %add3A_517 : i32
      %lt3A_519 = arith.constant 50 : i32
      %lt3A_520 = arith.cmpi slt, %add3A_518, %lt3A_519 : i32
      %convert_element_type3A_521 = arith.extui %lt3A_520 : i1 to i32
      %cond3A_522 = arith.constant 0 : i32
      %cond3A_523 = arith.cmpi ne, %convert_element_type3A_521, %cond3A_522 : i32
      scf.if %cond3A_523 {
        %ge3A = arith.constant 5 : i32
        %ge3A_622 = arith.cmpi sge, %add3A_518, %ge3A : i32
        %convert_element_type3A_623 = arith.extui %ge3A_622 : i1 to i32
        %cond3A_624 = arith.constant 0 : i32
        %cond3A_625 = arith.cmpi ne, %convert_element_type3A_623, %cond3A_624 : i32
        scf.if %cond3A_625 {
          %dma_wait3A_632 = arith.constant 0 : i32
          %dma_wait3A_633 = arith.constant 0 : i32
          %dma_wait3A_634 = tpu.memref_slice %arg4[%dma_wait3A_632, %dma_wait3A_633] : memref<204800x64xf32, #tpu.memory_space<hbm>> -> memref<128x64xf32, #tpu.memory_space<hbm>>
          %dma_wait3A_635 = arith.constant 0 : i32
          %dma_wait3A_636 = arith.constant 0 : i32
          %dma_wait3A_637 = tpu.memref_slice %arg4[%dma_wait3A_635, %dma_wait3A_636] : memref<204800x64xf32, #tpu.memory_space<hbm>> -> memref<128x64xf32, #tpu.memory_space<hbm>>
          tpu.wait_dma2 semaphore(%arg18 : memref<!tpu.dma_semaphore, #tpu.memory_space<semaphore_mem>>) src(%arg8 : memref<128x64xf32, #tpu.memory_space<vmem>>) dst(%dma_wait3A_637 : memref<128x64xf32, #tpu.memory_space<hbm>>)
        } else {
        }
        %mul3A_626 = arith.constant 128 : i32
        %mul3A_627 = arith.muli %add3A_518, %mul3A_626 : i32
        %dma_start3A_628 = tpu.memref_slice %arg5[%mul3A_627] : memref<6400xi32, #tpu.memory_space<vmem>> -> memref<128xi32, #tpu.memory_space<vmem>>
        %dma_start3A_629 = arith.constant 0 : i32
        %dma_start3A_630 = arith.constant 0 : i32
        %dma_start3A_631 = tpu.memref_slice %arg2[%dma_start3A_629, %dma_start3A_630] : memref<1000000x64xf32, #tpu.memory_space<hbm>> -> memref<1000000x64xf32, #tpu.memory_space<hbm>>
        tpu.enqueue_indirect_dma source(%dma_start3A_631 : memref<1000000x64xf32, #tpu.memory_space<hbm>>) target(%arg8 : memref<128x64xf32, #tpu.memory_space<vmem>>) offsets(%dma_start3A_628 : memref<128xi32, #tpu.memory_space<vmem>>) semaphore(%arg13 : memref<!tpu.dma_semaphore, #tpu.memory_space<semaphore_mem>>)
      } else {
      }
      %dma_wait3A_524 = arith.constant 0 : i32
      %dma_wait3A_525 = arith.constant 0 : i32
      %dma_wait3A_526 = tpu.memref_slice %arg2[%dma_wait3A_524, %dma_wait3A_525] : memref<1000000x64xf32, #tpu.memory_space<hbm>> -> memref<128x64xf32, #tpu.memory_space<hbm>>
      %dma_wait3A_527 = arith.constant 0 : i32
      %dma_wait3A_528 = arith.constant 0 : i32
      %dma_wait3A_529 = tpu.memref_slice %arg2[%dma_wait3A_527, %dma_wait3A_528] : memref<1000000x64xf32, #tpu.memory_space<hbm>> -> memref<128x64xf32, #tpu.memory_space<hbm>>
      tpu.wait_dma2 semaphore(%arg15 : memref<!tpu.dma_semaphore, #tpu.memory_space<semaphore_mem>>) src(%dma_wait3A_529 : memref<128x64xf32, #tpu.memory_space<hbm>>) dst(%arg10 : memref<128x64xf32, #tpu.memory_space<vmem>>)
      %mul3A_530 = arith.constant 128 : i32
      %mul3A_531 = arith.muli %add3A_516, %mul3A_530 : i32
      %broadcast_in_dim3A_532 = arith.constant 0 : i32
      %broadcast_in_dim3A_533 = vector.broadcast %broadcast_in_dim3A_532 : i32 to vector<16xi32>
      %add3A_534 = arith.constant 0 : i32
      %add3A_535 = arith.addi %mul3A_531, %add3A_534 : i32
      %get3A_536 = arith.index_cast %add3A_535 : i32 to index
      %get3A_537 = tpu.vector_load %arg5[%get3A_536] {strides = array<i32>} : memref<6400xi32, #tpu.memory_space<vmem>>, vector<16xi32>,
      %eq3A_538 = arith.constant 0 : i32
      %eq3A_539 = vector.broadcast %eq3A_538 : i32 to vector<16xi32>
      %eq3A_540 = arith.cmpi eq, %get3A_537, %eq3A_539 : vector<16xi32>
      %convert_element_type3A_541 = arith.extui %eq3A_540 : vector<16xi1> to vector<16xi32>
      %add3A_542 = arith.addi %broadcast_in_dim3A_533, %convert_element_type3A_541 : vector<16xi32>
      %add3A_543 = arith.constant 16 : i32
      %add3A_544 = arith.addi %mul3A_531, %add3A_543 : i32
      %get3A_545 = arith.index_cast %add3A_544 : i32 to index
      %get3A_546 = tpu.vector_load %arg5[%get3A_545] {strides = array<i32>} : memref<6400xi32, #tpu.memory_space<vmem>>, vector<16xi32>,
      %eq3A_547 = arith.constant 0 : i32
      %eq3A_548 = vector.broadcast %eq3A_547 : i32 to vector<16xi32>
      %eq3A_549 = arith.cmpi eq, %get3A_546, %eq3A_548 : vector<16xi32>
      %convert_element_type3A_550 = arith.extui %eq3A_549 : vector<16xi1> to vector<16xi32>
      %add3A_551 = arith.addi %add3A_542, %convert_element_type3A_550 : vector<16xi32>
      %add3A_552 = arith.constant 32 : i32
      %add3A_553 = arith.addi %mul3A_531, %add3A_552 : i32
      %get3A_554 = arith.index_cast %add3A_553 : i32 to index
      %get3A_555 = tpu.vector_load %arg5[%get3A_554] {strides = array<i32>} : memref<6400xi32, #tpu.memory_space<vmem>>, vector<16xi32>,
      %eq3A_556 = arith.constant 0 : i32
      %eq3A_557 = vector.broadcast %eq3A_556 : i32 to vector<16xi32>
      %eq3A_558 = arith.cmpi eq, %get3A_555, %eq3A_557 : vector<16xi32>
      %convert_element_type3A_559 = arith.extui %eq3A_558 : vector<16xi1> to vector<16xi32>
      %add3A_560 = arith.addi %add3A_551, %convert_element_type3A_559 : vector<16xi32>
      %add3A_561 = arith.constant 48 : i32
      %add3A_562 = arith.addi %mul3A_531, %add3A_561 : i32
      %get3A_563 = arith.index_cast %add3A_562 : i32 to index
      %get3A_564 = tpu.vector_load %arg5[%get3A_563] {strides = array<i32>} : memref<6400xi32, #tpu.memory_space<vmem>>, vector<16xi32>,
      %eq3A_565 = arith.constant 0 : i32
      %eq3A_566 = vector.broadcast %eq3A_565 : i32 to vector<16xi32>
      %eq3A_567 = arith.cmpi eq, %get3A_564, %eq3A_566 : vector<16xi32>
      %convert_element_type3A_568 = arith.extui %eq3A_567 : vector<16xi1> to vector<16xi32>
      %add3A_569 = arith.addi %add3A_560, %convert_element_type3A_568 : vector<16xi32>
      %add3A_570 = arith.constant 64 : i32
      %add3A_571 = arith.addi %mul3A_531, %add3A_570 : i32
      %get3A_572 = arith.index_cast %add3A_571 : i32 to index
      %get3A_573 = tpu.vector_load %arg5[%get3A_572] {strides = array<i32>} : memref<6400xi32, #tpu.memory_space<vmem>>, vector<16xi32>,
      %eq3A_574 = arith.constant 0 : i32
      %eq3A_575 = vector.broadcast %eq3A_574 : i32 to vector<16xi32>
      %eq3A_576 = arith.cmpi eq, %get3A_573, %eq3A_575 : vector<16xi32>
      %convert_element_type3A_577 = arith.extui %eq3A_576 : vector<16xi1> to vector<16xi32>
      %add3A_578 = arith.addi %add3A_569, %convert_element_type3A_577 : vector<16xi32>
      %add3A_579 = arith.constant 80 : i32
      %add3A_580 = arith.addi %mul3A_531, %add3A_579 : i32
      %get3A_581 = arith.index_cast %add3A_580 : i32 to index
      %get3A_582 = tpu.vector_load %arg5[%get3A_581] {strides = array<i32>} : memref<6400xi32, #tpu.memory_space<vmem>>, vector<16xi32>,
      %eq3A_583 = arith.constant 0 : i32
      %eq3A_584 = vector.broadcast %eq3A_583 : i32 to vector<16xi32>
      %eq3A_585 = arith.cmpi eq, %get3A_582, %eq3A_584 : vector<16xi32>
      %convert_element_type3A_586 = arith.extui %eq3A_585 : vector<16xi1> to vector<16xi32>
      %add3A_587 = arith.addi %add3A_578, %convert_element_type3A_586 : vector<16xi32>
      %add3A_588 = arith.constant 96 : i32
      %add3A_589 = arith.addi %mul3A_531, %add3A_588 : i32
      %get3A_590 = arith.index_cast %add3A_589 : i32 to index
      %get3A_591 = tpu.vector_load %arg5[%get3A_590] {strides = array<i32>} : memref<6400xi32, #tpu.memory_space<vmem>>, vector<16xi32>,
      %eq3A_592 = arith.constant 0 : i32
      %eq3A_593 = vector.broadcast %eq3A_592 : i32 to vector<16xi32>
      %eq3A_594 = arith.cmpi eq, %get3A_591, %eq3A_593 : vector<16xi32>
      %convert_element_type3A_595 = arith.extui %eq3A_594 : vector<16xi1> to vector<16xi32>
      %add3A_596 = arith.addi %add3A_587, %convert_element_type3A_595 : vector<16xi32>
      %add3A_597 = arith.constant 112 : i32
      %add3A_598 = arith.addi %mul3A_531, %add3A_597 : i32
      %get3A_599 = arith.index_cast %add3A_598 : i32 to index
      %get3A_600 = tpu.vector_load %arg5[%get3A_599] {strides = array<i32>} : memref<6400xi32, #tpu.memory_space<vmem>>, vector<16xi32>,
      %eq3A_601 = arith.constant 0 : i32
      %eq3A_602 = vector.broadcast %eq3A_601 : i32 to vector<16xi32>
      %eq3A_603 = arith.cmpi eq, %get3A_600, %eq3A_602 : vector<16xi32>
      %convert_element_type3A_604 = arith.extui %eq3A_603 : vector<16xi1> to vector<16xi32>
      %add3A_605 = arith.addi %add3A_596, %convert_element_type3A_604 : vector<16xi32>
      %reduce_sum3A_606 = arith.constant true
      %reduce_sum3A_607 = vector.broadcast %reduce_sum3A_606 : i1 to vector<16xi1>
      %reduce_sum3A_608 = tpu.scan <sum>, %add3A_605 masked %reduce_sum3A_607 : vector<16xi32>, vector<16xi1> -> vector<16xi32>
      %reduce_sum3A_609 = vector.extract %reduce_sum3A_608[15] : i32 from vector<16xi32>
      %ne3A_610 = arith.constant 0 : i32
      %ne3A_611 = arith.cmpi ne, %reduce_sum3A_609, %ne3A_610 : i32
      %convert_element_type3A_612 = arith.extui %ne3A_611 : i1 to i32
      %cond3A_613 = arith.constant 0 : i32
      %cond3A_614 = arith.cmpi ne, %convert_element_type3A_612, %cond3A_613 : i32
      scf.if %cond3A_614 {
        %add3A_622 = arith.constant 0 : i32
        %add3A_623 = arith.addi %mul3A_531, %add3A_622 : i32
        %get3A_624 = arith.index_cast %add3A_623 : i32 to index
        %get3A_625 = tpu.vector_load %arg5[%get3A_624] {strides = array<i32>} : memref<6400xi32, #tpu.memory_space<vmem>>, vector<16xi32>,
        %eq3A_626 = arith.constant 0 : i32
        %eq3A_627 = vector.broadcast %eq3A_626 : i32 to vector<16xi32>
        %eq3A_628 = arith.cmpi eq, %get3A_625, %eq3A_627 : vector<16xi32>
        %convert_element_type3A_629 = arith.extui %eq3A_628 : vector<16xi1> to vector<16xi32>
        %reduce_sum3A_630 = arith.constant true
        %reduce_sum3A_631 = vector.broadcast %reduce_sum3A_630 : i1 to vector<16xi1>
        %reduce_sum3A_632 = tpu.scan <sum>, %convert_element_type3A_629 masked %reduce_sum3A_631 : vector<16xi32>, vector<16xi1> -> vector<16xi32>
        %reduce_sum3A_633 = vector.extract %reduce_sum3A_632[15] : i32 from vector<16xi32>
        %ne3A_634 = arith.constant 0 : i32
        %ne3A_635 = arith.cmpi ne, %reduce_sum3A_633, %ne3A_634 : i32
        %convert_element_type3A_636 = arith.extui %ne3A_635 : i1 to i32
        %cond3A_637 = arith.constant 0 : i32
        %cond3A_638 = arith.cmpi ne, %convert_element_type3A_636, %cond3A_637 : i32
        scf.if %cond3A_638 {
          %scan3A_758 = arith.constant 0 : i32
          %scan3A_759 = arith.constant 0 : i32
          %scan3A_760 = arith.constant 64 : i32
          %scan3A_761 = arith.addi %scan3A_759, %scan3A_760 : i32
          %scan3A_762 = arith.constant 1 : i32
          scf.for %scan3A_764 = %scan3A_759 to %scan3A_761 step %scan3A_762  : i32 {
            %broadcast_in_dim3A_765 = arith.constant 0 : i32
            %broadcast_in_dim3A_766 = vector.broadcast %broadcast_in_dim3A_765 : i32 to vector<16xi32>
            %add3A_767 = vector.broadcast %scan3A_764 : i32 to vector<16xi32>
            %add3A_768 = arith.addi %broadcast_in_dim3A_766, %add3A_767 : vector<16xi32>
            tpu.vector_store_idx %arg10[%add3A_5, %add3A_768], %broadcast_in_dim3A_34 masked %eq3A_628 : memref<128x64xf32, #tpu.memory_space<vmem>>[vector<16xi32>, vector<16xi32>], vector<16xf32>, vector<16xi1>
          }
          %scan3A_763 = arith.constant 64 : i32
        } else {
        }
        %add3A_639 = arith.constant 16 : i32
        %add3A_640 = arith.addi %mul3A_531, %add3A_639 : i32
        %get3A_641 = arith.index_cast %add3A_640 : i32 to index
        %get3A_642 = tpu.vector_load %arg5[%get3A_641] {strides = array<i32>} : memref<6400xi32, #tpu.memory_space<vmem>>, vector<16xi32>,
        %eq3A_643 = arith.constant 0 : i32
        %eq3A_644 = vector.broadcast %eq3A_643 : i32 to vector<16xi32>
        %eq3A_645 = arith.cmpi eq, %get3A_642, %eq3A_644 : vector<16xi32>
        %convert_element_type3A_646 = arith.extui %eq3A_645 : vector<16xi1> to vector<16xi32>
        %reduce_sum3A_647 = arith.constant true
        %reduce_sum3A_648 = vector.broadcast %reduce_sum3A_647 : i1 to vector<16xi1>
        %reduce_sum3A_649 = tpu.scan <sum>, %convert_element_type3A_646 masked %reduce_sum3A_648 : vector<16xi32>, vector<16xi1> -> vector<16xi32>
        %reduce_sum3A_650 = vector.extract %reduce_sum3A_649[15] : i32 from vector<16xi32>
        %ne3A_651 = arith.constant 0 : i32
        %ne3A_652 = arith.cmpi ne, %reduce_sum3A_650, %ne3A_651 : i32
        %convert_element_type3A_653 = arith.extui %ne3A_652 : i1 to i32
        %cond3A_654 = arith.constant 0 : i32
        %cond3A_655 = arith.cmpi ne, %convert_element_type3A_653, %cond3A_654 : i32
        scf.if %cond3A_655 {
          %scan3A_758 = arith.constant 0 : i32
          %scan3A_759 = arith.constant 0 : i32
          %scan3A_760 = arith.constant 64 : i32
          %scan3A_761 = arith.addi %scan3A_759, %scan3A_760 : i32
          %scan3A_762 = arith.constant 1 : i32
          scf.for %scan3A_764 = %scan3A_759 to %scan3A_761 step %scan3A_762  : i32 {
            %broadcast_in_dim3A_765 = arith.constant 0 : i32
            %broadcast_in_dim3A_766 = vector.broadcast %broadcast_in_dim3A_765 : i32 to vector<16xi32>
            %add3A_767 = vector.broadcast %scan3A_764 : i32 to vector<16xi32>
            %add3A_768 = arith.addi %broadcast_in_dim3A_766, %add3A_767 : vector<16xi32>
            tpu.vector_store_idx %arg10[%add3A_9, %add3A_768], %broadcast_in_dim3A_34 masked %eq3A_645 : memref<128x64xf32, #tpu.memory_space<vmem>>[vector<16xi32>, vector<16xi32>], vector<16xf32>, vector<16xi1>
          }
          %scan3A_763 = arith.constant 64 : i32
        } else {
        }
        %add3A_656 = arith.constant 32 : i32
        %add3A_657 = arith.addi %mul3A_531, %add3A_656 : i32
        %get3A_658 = arith.index_cast %add3A_657 : i32 to index
        %get3A_659 = tpu.vector_load %arg5[%get3A_658] {strides = array<i32>} : memref<6400xi32, #tpu.memory_space<vmem>>, vector<16xi32>,
        %eq3A_660 = arith.constant 0 : i32
        %eq3A_661 = vector.broadcast %eq3A_660 : i32 to vector<16xi32>
        %eq3A_662 = arith.cmpi eq, %get3A_659, %eq3A_661 : vector<16xi32>
        %convert_element_type3A_663 = arith.extui %eq3A_662 : vector<16xi1> to vector<16xi32>
        %reduce_sum3A_664 = arith.constant true
        %reduce_sum3A_665 = vector.broadcast %reduce_sum3A_664 : i1 to vector<16xi1>
        %reduce_sum3A_666 = tpu.scan <sum>, %convert_element_type3A_663 masked %reduce_sum3A_665 : vector<16xi32>, vector<16xi1> -> vector<16xi32>
        %reduce_sum3A_667 = vector.extract %reduce_sum3A_666[15] : i32 from vector<16xi32>
        %ne3A_668 = arith.constant 0 : i32
        %ne3A_669 = arith.cmpi ne, %reduce_sum3A_667, %ne3A_668 : i32
        %convert_element_type3A_670 = arith.extui %ne3A_669 : i1 to i32
        %cond3A_671 = arith.constant 0 : i32
        %cond3A_672 = arith.cmpi ne, %convert_element_type3A_670, %cond3A_671 : i32
        scf.if %cond3A_672 {
          %scan3A_758 = arith.constant 0 : i32
          %scan3A_759 = arith.constant 0 : i32
          %scan3A_760 = arith.constant 64 : i32
          %scan3A_761 = arith.addi %scan3A_759, %scan3A_760 : i32
          %scan3A_762 = arith.constant 1 : i32
          scf.for %scan3A_764 = %scan3A_759 to %scan3A_761 step %scan3A_762  : i32 {
            %broadcast_in_dim3A_765 = arith.constant 0 : i32
            %broadcast_in_dim3A_766 = vector.broadcast %broadcast_in_dim3A_765 : i32 to vector<16xi32>
            %add3A_767 = vector.broadcast %scan3A_764 : i32 to vector<16xi32>
            %add3A_768 = arith.addi %broadcast_in_dim3A_766, %add3A_767 : vector<16xi32>
            tpu.vector_store_idx %arg10[%add3A_13, %add3A_768], %broadcast_in_dim3A_34 masked %eq3A_662 : memref<128x64xf32, #tpu.memory_space<vmem>>[vector<16xi32>, vector<16xi32>], vector<16xf32>, vector<16xi1>
          }
          %scan3A_763 = arith.constant 64 : i32
        } else {
        }
        %add3A_673 = arith.constant 48 : i32
        %add3A_674 = arith.addi %mul3A_531, %add3A_673 : i32
        %get3A_675 = arith.index_cast %add3A_674 : i32 to index
        %get3A_676 = tpu.vector_load %arg5[%get3A_675] {strides = array<i32>} : memref<6400xi32, #tpu.memory_space<vmem>>, vector<16xi32>,
        %eq3A_677 = arith.constant 0 : i32
        %eq3A_678 = vector.broadcast %eq3A_677 : i32 to vector<16xi32>
        %eq3A_679 = arith.cmpi eq, %get3A_676, %eq3A_678 : vector<16xi32>
        %convert_element_type3A_680 = arith.extui %eq3A_679 : vector<16xi1> to vector<16xi32>
        %reduce_sum3A_681 = arith.constant true
        %reduce_sum3A_682 = vector.broadcast %reduce_sum3A_681 : i1 to vector<16xi1>
        %reduce_sum3A_683 = tpu.scan <sum>, %convert_element_type3A_680 masked %reduce_sum3A_682 : vector<16xi32>, vector<16xi1> -> vector<16xi32>
        %reduce_sum3A_684 = vector.extract %reduce_sum3A_683[15] : i32 from vector<16xi32>
        %ne3A_685 = arith.constant 0 : i32
        %ne3A_686 = arith.cmpi ne, %reduce_sum3A_684, %ne3A_685 : i32
        %convert_element_type3A_687 = arith.extui %ne3A_686 : i1 to i32
        %cond3A_688 = arith.constant 0 : i32
        %cond3A_689 = arith.cmpi ne, %convert_element_type3A_687, %cond3A_688 : i32
        scf.if %cond3A_689 {
          %scan3A_758 = arith.constant 0 : i32
          %scan3A_759 = arith.constant 0 : i32
          %scan3A_760 = arith.constant 64 : i32
          %scan3A_761 = arith.addi %scan3A_759, %scan3A_760 : i32
          %scan3A_762 = arith.constant 1 : i32
          scf.for %scan3A_764 = %scan3A_759 to %scan3A_761 step %scan3A_762  : i32 {
            %broadcast_in_dim3A_765 = arith.constant 0 : i32
            %broadcast_in_dim3A_766 = vector.broadcast %broadcast_in_dim3A_765 : i32 to vector<16xi32>
            %add3A_767 = vector.broadcast %scan3A_764 : i32 to vector<16xi32>
            %add3A_768 = arith.addi %broadcast_in_dim3A_766, %add3A_767 : vector<16xi32>
            tpu.vector_store_idx %arg10[%add3A_17, %add3A_768], %broadcast_in_dim3A_34 masked %eq3A_679 : memref<128x64xf32, #tpu.memory_space<vmem>>[vector<16xi32>, vector<16xi32>], vector<16xf32>, vector<16xi1>
          }
          %scan3A_763 = arith.constant 64 : i32
        } else {
        }
        %add3A_690 = arith.constant 64 : i32
        %add3A_691 = arith.addi %mul3A_531, %add3A_690 : i32
        %get3A_692 = arith.index_cast %add3A_691 : i32 to index
        %get3A_693 = tpu.vector_load %arg5[%get3A_692] {strides = array<i32>} : memref<6400xi32, #tpu.memory_space<vmem>>, vector<16xi32>,
        %eq3A_694 = arith.constant 0 : i32
        %eq3A_695 = vector.broadcast %eq3A_694 : i32 to vector<16xi32>
        %eq3A_696 = arith.cmpi eq, %get3A_693, %eq3A_695 : vector<16xi32>
        %convert_element_type3A_697 = arith.extui %eq3A_696 : vector<16xi1> to vector<16xi32>
        %reduce_sum3A_698 = arith.constant true
        %reduce_sum3A_699 = vector.broadcast %reduce_sum3A_698 : i1 to vector<16xi1>
        %reduce_sum3A_700 = tpu.scan <sum>, %convert_element_type3A_697 masked %reduce_sum3A_699 : vector<16xi32>, vector<16xi1> -> vector<16xi32>
        %reduce_sum3A_701 = vector.extract %reduce_sum3A_700[15] : i32 from vector<16xi32>
        %ne3A_702 = arith.constant 0 : i32
        %ne3A_703 = arith.cmpi ne, %reduce_sum3A_701, %ne3A_702 : i32
        %convert_element_type3A_704 = arith.extui %ne3A_703 : i1 to i32
        %cond3A_705 = arith.constant 0 : i32
        %cond3A_706 = arith.cmpi ne, %convert_element_type3A_704, %cond3A_705 : i32
        scf.if %cond3A_706 {
          %scan3A_758 = arith.constant 0 : i32
          %scan3A_759 = arith.constant 0 : i32
          %scan3A_760 = arith.constant 64 : i32
          %scan3A_761 = arith.addi %scan3A_759, %scan3A_760 : i32
          %scan3A_762 = arith.constant 1 : i32
          scf.for %scan3A_764 = %scan3A_759 to %scan3A_761 step %scan3A_762  : i32 {
            %broadcast_in_dim3A_765 = arith.constant 0 : i32
            %broadcast_in_dim3A_766 = vector.broadcast %broadcast_in_dim3A_765 : i32 to vector<16xi32>
            %add3A_767 = vector.broadcast %scan3A_764 : i32 to vector<16xi32>
            %add3A_768 = arith.addi %broadcast_in_dim3A_766, %add3A_767 : vector<16xi32>
            tpu.vector_store_idx %arg10[%add3A_21, %add3A_768], %broadcast_in_dim3A_34 masked %eq3A_696 : memref<128x64xf32, #tpu.memory_space<vmem>>[vector<16xi32>, vector<16xi32>], vector<16xf32>, vector<16xi1>
          }
          %scan3A_763 = arith.constant 64 : i32
        } else {
        }
        %add3A_707 = arith.constant 80 : i32
        %add3A_708 = arith.addi %mul3A_531, %add3A_707 : i32
        %get3A_709 = arith.index_cast %add3A_708 : i32 to index
        %get3A_710 = tpu.vector_load %arg5[%get3A_709] {strides = array<i32>} : memref<6400xi32, #tpu.memory_space<vmem>>, vector<16xi32>,
        %eq3A_711 = arith.constant 0 : i32
        %eq3A_712 = vector.broadcast %eq3A_711 : i32 to vector<16xi32>
        %eq3A_713 = arith.cmpi eq, %get3A_710, %eq3A_712 : vector<16xi32>
        %convert_element_type3A_714 = arith.extui %eq3A_713 : vector<16xi1> to vector<16xi32>
        %reduce_sum3A_715 = arith.constant true
        %reduce_sum3A_716 = vector.broadcast %reduce_sum3A_715 : i1 to vector<16xi1>
        %reduce_sum3A_717 = tpu.scan <sum>, %convert_element_type3A_714 masked %reduce_sum3A_716 : vector<16xi32>, vector<16xi1> -> vector<16xi32>
        %reduce_sum3A_718 = vector.extract %reduce_sum3A_717[15] : i32 from vector<16xi32>
        %ne3A_719 = arith.constant 0 : i32
        %ne3A_720 = arith.cmpi ne, %reduce_sum3A_718, %ne3A_719 : i32
        %convert_element_type3A_721 = arith.extui %ne3A_720 : i1 to i32
        %cond3A_722 = arith.constant 0 : i32
        %cond3A_723 = arith.cmpi ne, %convert_element_type3A_721, %cond3A_722 : i32
        scf.if %cond3A_723 {
          %scan3A_758 = arith.constant 0 : i32
          %scan3A_759 = arith.constant 0 : i32
          %scan3A_760 = arith.constant 64 : i32
          %scan3A_761 = arith.addi %scan3A_759, %scan3A_760 : i32
          %scan3A_762 = arith.constant 1 : i32
          scf.for %scan3A_764 = %scan3A_759 to %scan3A_761 step %scan3A_762  : i32 {
            %broadcast_in_dim3A_765 = arith.constant 0 : i32
            %broadcast_in_dim3A_766 = vector.broadcast %broadcast_in_dim3A_765 : i32 to vector<16xi32>
            %add3A_767 = vector.broadcast %scan3A_764 : i32 to vector<16xi32>
            %add3A_768 = arith.addi %broadcast_in_dim3A_766, %add3A_767 : vector<16xi32>
            tpu.vector_store_idx %arg10[%add3A_25, %add3A_768], %broadcast_in_dim3A_34 masked %eq3A_713 : memref<128x64xf32, #tpu.memory_space<vmem>>[vector<16xi32>, vector<16xi32>], vector<16xf32>, vector<16xi1>
          }
          %scan3A_763 = arith.constant 64 : i32
        } else {
        }
        %add3A_724 = arith.constant 96 : i32
        %add3A_725 = arith.addi %mul3A_531, %add3A_724 : i32
        %get3A_726 = arith.index_cast %add3A_725 : i32 to index
        %get3A_727 = tpu.vector_load %arg5[%get3A_726] {strides = array<i32>} : memref<6400xi32, #tpu.memory_space<vmem>>, vector<16xi32>,
        %eq3A_728 = arith.constant 0 : i32
        %eq3A_729 = vector.broadcast %eq3A_728 : i32 to vector<16xi32>
        %eq3A_730 = arith.cmpi eq, %get3A_727, %eq3A_729 : vector<16xi32>
        %convert_element_type3A_731 = arith.extui %eq3A_730 : vector<16xi1> to vector<16xi32>
        %reduce_sum3A_732 = arith.constant true
        %reduce_sum3A_733 = vector.broadcast %reduce_sum3A_732 : i1 to vector<16xi1>
        %reduce_sum3A_734 = tpu.scan <sum>, %convert_element_type3A_731 masked %reduce_sum3A_733 : vector<16xi32>, vector<16xi1> -> vector<16xi32>
        %reduce_sum3A_735 = vector.extract %reduce_sum3A_734[15] : i32 from vector<16xi32>
        %ne3A_736 = arith.constant 0 : i32
        %ne3A_737 = arith.cmpi ne, %reduce_sum3A_735, %ne3A_736 : i32
        %convert_element_type3A_738 = arith.extui %ne3A_737 : i1 to i32
        %cond3A_739 = arith.constant 0 : i32
        %cond3A_740 = arith.cmpi ne, %convert_element_type3A_738, %cond3A_739 : i32
        scf.if %cond3A_740 {
          %scan3A_758 = arith.constant 0 : i32
          %scan3A_759 = arith.constant 0 : i32
          %scan3A_760 = arith.constant 64 : i32
          %scan3A_761 = arith.addi %scan3A_759, %scan3A_760 : i32
          %scan3A_762 = arith.constant 1 : i32
          scf.for %scan3A_764 = %scan3A_759 to %scan3A_761 step %scan3A_762  : i32 {
            %broadcast_in_dim3A_765 = arith.constant 0 : i32
            %broadcast_in_dim3A_766 = vector.broadcast %broadcast_in_dim3A_765 : i32 to vector<16xi32>
            %add3A_767 = vector.broadcast %scan3A_764 : i32 to vector<16xi32>
            %add3A_768 = arith.addi %broadcast_in_dim3A_766, %add3A_767 : vector<16xi32>
            tpu.vector_store_idx %arg10[%add3A_29, %add3A_768], %broadcast_in_dim3A_34 masked %eq3A_730 : memref<128x64xf32, #tpu.memory_space<vmem>>[vector<16xi32>, vector<16xi32>], vector<16xf32>, vector<16xi1>
          }
          %scan3A_763 = arith.constant 64 : i32
        } else {
        }
        %add3A_741 = arith.constant 112 : i32
        %add3A_742 = arith.addi %mul3A_531, %add3A_741 : i32
        %get3A_743 = arith.index_cast %add3A_742 : i32 to index
        %get3A_744 = tpu.vector_load %arg5[%get3A_743] {strides = array<i32>} : memref<6400xi32, #tpu.memory_space<vmem>>, vector<16xi32>,
        %eq3A_745 = arith.constant 0 : i32
        %eq3A_746 = vector.broadcast %eq3A_745 : i32 to vector<16xi32>
        %eq3A_747 = arith.cmpi eq, %get3A_744, %eq3A_746 : vector<16xi32>
        %convert_element_type3A_748 = arith.extui %eq3A_747 : vector<16xi1> to vector<16xi32>
        %reduce_sum3A_749 = arith.constant true
        %reduce_sum3A_750 = vector.broadcast %reduce_sum3A_749 : i1 to vector<16xi1>
        %reduce_sum3A_751 = tpu.scan <sum>, %convert_element_type3A_748 masked %reduce_sum3A_750 : vector<16xi32>, vector<16xi1> -> vector<16xi32>
        %reduce_sum3A_752 = vector.extract %reduce_sum3A_751[15] : i32 from vector<16xi32>
        %ne3A_753 = arith.constant 0 : i32
        %ne3A_754 = arith.cmpi ne, %reduce_sum3A_752, %ne3A_753 : i32
        %convert_element_type3A_755 = arith.extui %ne3A_754 : i1 to i32
        %cond3A_756 = arith.constant 0 : i32
        %cond3A_757 = arith.cmpi ne, %convert_element_type3A_755, %cond3A_756 : i32
        scf.if %cond3A_757 {
          %scan3A_758 = arith.constant 0 : i32
          %scan3A_759 = arith.constant 0 : i32
          %scan3A_760 = arith.constant 64 : i32
          %scan3A_761 = arith.addi %scan3A_759, %scan3A_760 : i32
          %scan3A_762 = arith.constant 1 : i32
          scf.for %scan3A_764 = %scan3A_759 to %scan3A_761 step %scan3A_762  : i32 {
            %broadcast_in_dim3A_765 = arith.constant 0 : i32
            %broadcast_in_dim3A_766 = vector.broadcast %broadcast_in_dim3A_765 : i32 to vector<16xi32>
            %add3A_767 = vector.broadcast %scan3A_764 : i32 to vector<16xi32>
            %add3A_768 = arith.addi %broadcast_in_dim3A_766, %add3A_767 : vector<16xi32>
            tpu.vector_store_idx %arg10[%add3A_33, %add3A_768], %broadcast_in_dim3A_34 masked %eq3A_747 : memref<128x64xf32, #tpu.memory_space<vmem>>[vector<16xi32>, vector<16xi32>], vector<16xf32>, vector<16xi1>
          }
          %scan3A_763 = arith.constant 64 : i32
        } else {
        }
      } else {
      }
      %mul3A_615 = arith.constant 128 : i32
      %mul3A_616 = arith.muli %add3A_516, %mul3A_615 : i32
      %add3A_617 = arith.addi %mul3A_2, %mul3A_616 : i32
      %dma_start3A_618 = arith.constant 0 : i32
      %dma_start3A_619 = tpu.memref_slice %arg4[%add3A_617, %dma_start3A_618] : memref<204800x64xf32, #tpu.memory_space<hbm>> -> memref<128x64xf32, #tpu.memory_space<hbm>>
      %dma_start3A_620 = arith.constant 0 : i32
      %dma_start3A_621 = tpu.memref_slice %arg4[%add3A_617, %dma_start3A_620] : memref<204800x64xf32, #tpu.memory_space<hbm>> -> memref<128x64xf32, #tpu.memory_space<hbm>>
      tpu.enqueue_dma source(%arg10 : memref<128x64xf32, #tpu.memory_space<vmem>>) target(%dma_start3A_621 : memref<128x64xf32, #tpu.memory_space<hbm>>) target_semaphore(%arg20 : memref<!tpu.dma_semaphore, #tpu.memory_space<semaphore_mem>>)
    }
    %scan3A_53 = arith.constant 10 : i32
    %dma_wait3A = arith.constant 0 : i32
    %dma_wait3A_54 = arith.constant 0 : i32
    %dma_wait3A_55 = tpu.memref_slice %arg4[%dma_wait3A, %dma_wait3A_54] : memref<204800x64xf32, #tpu.memory_space<hbm>> -> memref<128x64xf32, #tpu.memory_space<hbm>>
    %dma_wait3A_56 = arith.constant 0 : i32
    %dma_wait3A_57 = arith.constant 0 : i32
    %dma_wait3A_58 = tpu.memref_slice %arg4[%dma_wait3A_56, %dma_wait3A_57] : memref<204800x64xf32, #tpu.memory_space<hbm>> -> memref<128x64xf32, #tpu.memory_space<hbm>>
    tpu.wait_dma2 semaphore(%arg16 : memref<!tpu.dma_semaphore, #tpu.memory_space<semaphore_mem>>) src(%arg6 : memref<128x64xf32, #tpu.memory_space<vmem>>) dst(%dma_wait3A_58 : memref<128x64xf32, #tpu.memory_space<hbm>>)
    %dma_wait3A_59 = arith.constant 0 : i32
    %dma_wait3A_60 = arith.constant 0 : i32
    %dma_wait3A_61 = tpu.memref_slice %arg4[%dma_wait3A_59, %dma_wait3A_60] : memref<204800x64xf32, #tpu.memory_space<hbm>> -> memref<128x64xf32, #tpu.memory_space<hbm>>
    %dma_wait3A_62 = arith.constant 0 : i32
    %dma_wait3A_63 = arith.constant 0 : i32
    %dma_wait3A_64 = tpu.memref_slice %arg4[%dma_wait3A_62, %dma_wait3A_63] : memref<204800x64xf32, #tpu.memory_space<hbm>> -> memref<128x64xf32, #tpu.memory_space<hbm>>
    tpu.wait_dma2 semaphore(%arg17 : memref<!tpu.dma_semaphore, #tpu.memory_space<semaphore_mem>>) src(%arg7 : memref<128x64xf32, #tpu.memory_space<vmem>>) dst(%dma_wait3A_64 : memref<128x64xf32, #tpu.memory_space<hbm>>)
    %dma_wait3A_65 = arith.constant 0 : i32
    %dma_wait3A_66 = arith.constant 0 : i32
    %dma_wait3A_67 = tpu.memref_slice %arg4[%dma_wait3A_65, %dma_wait3A_66] : memref<204800x64xf32, #tpu.memory_space<hbm>> -> memref<128x64xf32, #tpu.memory_space<hbm>>
    %dma_wait3A_68 = arith.constant 0 : i32
    %dma_wait3A_69 = arith.constant 0 : i32
    %dma_wait3A_70 = tpu.memref_slice %arg4[%dma_wait3A_68, %dma_wait3A_69] : memref<204800x64xf32, #tpu.memory_space<hbm>> -> memref<128x64xf32, #tpu.memory_space<hbm>>
    tpu.wait_dma2 semaphore(%arg18 : memref<!tpu.dma_semaphore, #tpu.memory_space<semaphore_mem>>) src(%arg8 : memref<128x64xf32, #tpu.memory_space<vmem>>) dst(%dma_wait3A_70 : memref<128x64xf32, #tpu.memory_space<hbm>>)
    %dma_wait3A_71 = arith.constant 0 : i32
    %dma_wait3A_72 = arith.constant 0 : i32
    %dma_wait3A_73 = tpu.memref_slice %arg4[%dma_wait3A_71, %dma_wait3A_72] : memref<204800x64xf32, #tpu.memory_space<hbm>> -> memref<128x64xf32, #tpu.memory_space<hbm>>
    %dma_wait3A_74 = arith.constant 0 : i32
    %dma_wait3A_75 = arith.constant 0 : i32
    %dma_wait3A_76 = tpu.memref_slice %arg4[%dma_wait3A_74, %dma_wait3A_75] : memref<204800x64xf32, #tpu.memory_space<hbm>> -> memref<128x64xf32, #tpu.memory_space<hbm>>
    tpu.wait_dma2 semaphore(%arg19 : memref<!tpu.dma_semaphore, #tpu.memory_space<semaphore_mem>>) src(%arg9 : memref<128x64xf32, #tpu.memory_space<vmem>>) dst(%dma_wait3A_76 : memref<128x64xf32, #tpu.memory_space<hbm>>)
    %dma_wait3A_77 = arith.constant 0 : i32
    %dma_wait3A_78 = arith.constant 0 : i32
    %dma_wait3A_79 = tpu.memref_slice %arg4[%dma_wait3A_77, %dma_wait3A_78] : memref<204800x64xf32, #tpu.memory_space<hbm>> -> memref<128x64xf32, #tpu.memory_space<hbm>>
    %dma_wait3A_80 = arith.constant 0 : i32
    %dma_wait3A_81 = arith.constant 0 : i32
    %dma_wait3A_82 = tpu.memref_slice %arg4[%dma_wait3A_80, %dma_wait3A_81] : memref<204800x64xf32, #tpu.memory_space<hbm>> -> memref<128x64xf32, #tpu.memory_space<hbm>>
    tpu.wait_dma2 semaphore(%arg20 : memref<!tpu.dma_semaphore, #tpu.memory_space<semaphore_mem>>) src(%arg10 : memref<128x64xf32, #tpu.memory_space<vmem>>) dst(%dma_wait3A_82 : memref<128x64xf32, #tpu.memory_space<hbm>>)
    return
  }
}

</mosaic_0001>

<sc_bundles>
// kernel: kernel.3.cloned.1.call-start
scs
__scs_entry_jumppad:
0x0: {  	(pc) =	sbr.rel $0x88, $3  }
0x1: {  	(tag) =	ssettag $0x0;
	lr =	simm.s32 $0x1  }
0x2: {  	[smem:$0x3F9F] =	sst lr;
	_ =	strace $0xD0000000  }
0x3: {  	_ = 	snop  }
0x4: {  	_ = 	snop  }
0x5: {  	_ = 	snop  }
0x6: {  	_ = 	snop  }
0x7: {  	_ = 	snop  }
__scs_overlays_trampoline_lowered:
0x8: {  	[smem:$0x3FAE] =	sst s0  }
0x9: {  	[smem:$0x3FAF] =	sst s1  }
0xa: {  	[smem:$0x3FB0] =	sst s2  }
0xb: {  	[smem:$0x3FB1] =	sst s3  }
0xc: {  	[smem:$0x3FB2] =	sst s4  }
0xd: {  	[smem:$0x3FB3] =	sst s5  }
0xe: {  	[smem:$0x3FB4] =	sst s6  }
0xf: {  	[smem:$0x3FB5] =	sst s7  }
0x10: {  	[smem:$0x3FB6] =	sst s8  }
0x11: {  	[smem:$0x3FB7] =	sst s9;
	s0 =	simm.s32 @!p0 $0x0  }
0x12: {  	s1 =	sld [smem:$0x3F9D];
	s0 =	simm.s32 @p0 $0x1  }
0x13: {  	[smem:$0x3FB8] =	sst s0;
	s0 =	simm.s32 @!p1 $0x0  }
0x14: {  	s2 =	sld [smem:$0x3F9C];
	s0 =	simm.s32 @p1 $0x1  }
0x15: {  	[smem:$0x3FB9] =	sst s0;
	s0 =	simm.s32 @!p2 $0x0  }
0x16: {  	s3 =	sld [smem:$0x3FDB];
	s0 =	simm.s32 @p2 $0x1  }
0x17: {  	s4 =	simm.s32 $0x1BF5;
	[smem:$0x3FBB] =	sst s0  }
0x18: {  	s0 =	sld [smem:$0x3F9E];
	_ =	swait.ge [sflag:s4], $0x0  }
0x19: {  	s7 =	sld [smem:$0x3F9F]  }
0x1a: {  	s8 =	sadd.s32 $0xFFFFE003, lr  }
0x1b: {  	s9 =	sadd.s32 $0xFFFFFEF7, lr;
	s5 =	simm.s32 $0xFFFFFFFF;
	p2 =	slt.u32 s8, $0xFFFFF086  }
0x1c: {  	p1 =	slt.u32 s9, $0xF7A;
	s5 =	simm.s32 @!p2 $0x0  }
0x1d: {  	s5 =	simm.s32 @p1 $0x1;
	p0 =	seq.s32 s7, s2  }
0x1e: {  	s7 =	smul.u32 @!p0 $0xF7A, s2;
	p2 =	seq.s32 @!p0 s5, $0x0  }
0x1f: {  	s9 =	smul.u32 $0xF7A, s1;
	s8 =	simm.s32 @!p0 $0x1BF5;
	p2 =	por !p2, p0  }
0x20: {  	[sflag:s8] =	ssyncset.s32 @!p0 $0xFFFFF086;
	s6 =	sadd.s32 @!p0 s3, s7;
	s7 =	simm.s32 @!p0 $0x108  }
0x21: {  	s3 =	sadd.s32 s3, s9;
	s6 =	sadd.s32 @!p0 $0x88, s6;
	s7 =	simm.s32 @p2 $0x1082  }
0x22: {  	[simem:s7], [sflag:s8] =	dma.local @!p0 [hbm:s6], $0xF7A  }
0x23: {  	s9 =	sor.u32 $0xD0000000, s2;
	s6 =	simm.s32 $0x108;
	_ =	swait.ge @!p0 [sflag:s8], $0x0  }
0x24: {  	s3 =	sadd.s32 $0x88, s3;
	s6 =	simm.s32 @!p1 $0x1082;
	[sflag:s4] =	ssyncset.s32 $0xFFFFF086  }
0x25: {  	[simem:s6], [sflag:s4] =	dma.local [hbm:s3], $0xF7A  }
0x26: {  	[smem:$0x3F9F] =	sst s1;
	(tag) =	ssettag s2;
	_ =	strace s9  }
0x27: {  	s1 =	sld [smem:$0x3FAF]  }
0x28: {  	s2 =	sld [smem:$0x3FB0]  }
0x29: {  	s4 =	sld [smem:$0x3FB2]  }
0x2a: {  	p0 =	seq.s32 s5, $0x0;
	s5 =	sld [smem:$0x3FB3]  }
0x2b: {  	s6 =	sld [smem:$0x3FB4]  }
0x2c: {  	s7 =	sld [smem:$0x3FB5]  }
0x2d: {  	s3 =	simm.s32 $0x108;
	s8 =	sld [smem:$0x3FB6]  }
0x2e: {  	s3 =	simm.s32 @!p0 $0x1082;
	s9 =	sld [smem:$0x3FB7]  }
0x2f: {  	lr =	sadd.s32 s0, s3;
	s0 =	sld [smem:$0x3FAE]  }
0x30: {  	s3 =	sld [smem:$0x3FB1]  }
0x31: {  	[smem:$0x3FBA] =	sst s10  }
0x32: {  	s10 =	sld [smem:$0x3FB8];
	_ =	sdelay $0x3  }
0x33: {  	p0 =	seq.s32 s10, $0x1;
	s10 =	sld [smem:$0x3FBA];
	_ =	sdelay $0x3  }
0x34: {  	[smem:$0x3FBA] =	sst s10  }
0x35: {  	s10 =	sld [smem:$0x3FB9];
	_ =	sdelay $0x3  }
0x36: {  	p1 =	seq.s32 s10, $0x1;
	s10 =	sld [smem:$0x3FBA];
	_ =	sdelay $0x3  }
0x37: {  	[smem:$0x3FBA] =	sst s10  }
0x38: {  	s10 =	sld [smem:$0x3FBB]  }
0x39: {  	_ = 	snop;
	(pc) =	sbr.ind lr, $3  }
0x3a: {  	_ = 	snop  }
0x3b: {  	_ = 	snop  }
0x3c: {  	p2 =	seq.s32 s10, $0x1;
	s10 =	sld [smem:$0x3FBA]  }
0x3d: {  	_ =	shalt  }
0x3e: {  	_ =	shalt  }
0x3f: {  	_ =	shalt  }
0x40: {  	_ =	shalt  }
0x41: {  	_ =	shalt  }
0x42: {  	_ =	shalt  }
0x43: {  	_ =	shalt  }
0x44: {  	_ =	shalt  }
0x45: {  	_ =	shalt  }
0x46: {  	_ =	shalt  }
0x47: {  	_ =	shalt  }
0x48: {  	_ =	shalt  }
0x49: {  	_ =	shalt  }
0x4a: {  	_ =	shalt  }
0x4b: {  	_ =	shalt  }
0x4c: {  	_ =	shalt  }
0x4d: {  	_ =	shalt  }
0x4e: {  	_ =	shalt  }
0x4f: {  	_ =	shalt  }
0x50: {  	_ =	shalt  }
0x51: {  	_ =	shalt  }
0x52: {  	_ =	shalt  }
0x53: {  	_ =	shalt  }
0x54: {  	_ =	shalt  }
0x55: {  	_ =	shalt  }
0x56: {  	_ =	shalt  }
0x57: {  	_ =	shalt  }
0x58: {  	_ =	shalt  }
0x59: {  	_ =	shalt  }
0x5a: {  	_ =	shalt  }
0x5b: {  	_ =	shalt  }
0x5c: {  	_ =	shalt  }
0x5d: {  	_ =	shalt  }
0x5e: {  	_ =	shalt  }
0x5f: {  	_ =	shalt  }
0x60: {  	_ =	shalt  }
0x61: {  	_ =	shalt  }
0x62: {  	_ =	shalt  }
0x63: {  	_ =	shalt  }
0x64: {  	_ =	shalt  }
0x65: {  	_ =	shalt  }
0x66: {  	_ =	shalt  }
0x67: {  	_ =	shalt  }
0x68: {  	_ =	shalt  }
0x69: {  	_ =	shalt  }
0x6a: {  	_ =	shalt  }
0x6b: {  	_ =	shalt  }
0x6c: {  	_ =	shalt  }
0x6d: {  	_ =	shalt  }
0x6e: {  	_ =	shalt  }
0x6f: {  	_ =	shalt  }
0x70: {  	_ =	shalt  }
0x71: {  	_ =	shalt  }
0x72: {  	_ =	shalt  }
0x73: {  	_ =	shalt  }
0x74: {  	_ =	shalt  }
0x75: {  	_ =	shalt  }
0x76: {  	_ =	shalt  }
0x77: {  	_ =	shalt  }
0x78: {  	_ =	shalt  }
0x79: {  	_ =	shalt  }
0x7a: {  	_ =	shalt  }
0x7b: {  	_ =	shalt  }
0x7c: {  	_ =	shalt  }
0x7d: {  	_ =	shalt  }
0x7e: {  	_ =	shalt  }
0x7f: {  	_ =	shalt  }
0x80: {  	_ =	shalt  }
0x81: {  	_ =	shalt  }
0x82: {  	_ =	shalt  }
0x83: {  	_ =	shalt  }
0x84: {  	_ =	shalt  }
0x85: {  	_ =	shalt  }
0x86: {  	_ =	shalt  }
0x87: {  	_ =	shalt  }
.Lfunc_end0:
.L_simem_size_0:
called_computation.1_lowered:
.L_overlay_start_0:
0x88: {  	s2 =	sld [smem:$0x3FD9]  }
0x89: {  	s3 =	sld [smem:$0x3FFE];
	_ =	sdelay $0x1  }
0x8a: {  	s1 =	srdreg.scid  }
0x8b: {  	s0 =	sand.u32 $0x1, s1  }
0x8c: {  	s17 =	sshll.u32 s0, $0xA;
	s2 =	sadd.s32 s3, s2  }
0x8d: {  	s2 =	sadd.s32 s2, s17  }
0x8e: {  	[smem:$0x3FC6] =	sst s2  }
0x8f: {  	_ = 	snop  }
0x90: {  	s2 =	sld [smem:$0x3FD0];
	(tm) =	ssettm $0x1  }
0x91: {  	s18 =	sld [smem:$0x3FFB];
	_ =	sdelay $0x3  }
0x92: {  	_ =	strace s18  }
0x93: {  	s3 =	sld [smem:$0x3FFC];
	_ =	sdelay $0x3  }
0x94: {  	_ =	strace s3  }
0x95: {  	s3 =	sld [smem:$0x3FFD];
	_ =	sdelay $0x3  }
0x96: {  	_ =	strace s3  }
0x97: {  	_ =	strace $0x8FFFFFFF  }
0x98: {  	s19 =	sld [smem:$0x3FDB];
	_ =	sdelay $0x1  }
0x99: {  	s4 =	simm.s32 $_scs_section_size  }
0x9a: {  	s5 =	simm.s32 $_size__tile_overlayer_lowered;
	s6 =	simm.s32 $_tile_overlayer_lowered  }
0x9b: {  	s22 =	simm.s32 $0x1BFF;
	s21 =	sshll.u32 s6, $0x1;
	s3 =	sadd.s32 s4, s19  }
0x9c: {  	s7 =	simm.s32 $0x0;
	s20 =	sshll.u32 s5, $0x1;
	s5 =	sadd.s32 s21, s3  }
0x9d: {  	[timem:s7], [sflag:s22] =	dma.local [hbm:s5], s20  }
0x9e: {  	_ =	swait.ge [sflag:s22], s20  }
0x9f: {  	s4 =	ssub.s32 $0x0, s20;
	[sflag:s22] =	ssyncset.done $0x0  }
0xa0: {  	[sflag:s22] =	ssyncadd.s32 s4;
	_ =	sdelay $0x1  }
0xa1: {  	s23 =	simm.s32 $0x1B8B  }
0xa2: {  	_ =	swait.ge [sflag:s23], $0x1  }
0xa3: {  	[sflag:s23] =	ssyncset.done $0x0  }
0xa4: {  	s25 =	simm.s32 $0x1B8E;
	s24 =	sld [smem:$0x3FFE];
	[sflag:s23] =	ssyncadd.s32 $0xFFFFFFFF  }
0xa5: {  	s26 =	simm.s32 $execute0_lowered;
	[smem:$0x3FD2] =	sst s25  }
0xa6: {  	s5 =	sshll.u32 s26, $0x1;
	_ =	strace $0x80000046;
	[dreg:$0x1] =	wrdreg $0xFFFFFFFF  }
0xa7: {  	s28 =	simm.s32 $_size_execute0_lowered;
	s3 =	sadd.s32 s3, s5;
	[dreg:$0x0] =	wrdreg $0x0  }
0xa8: {  	s5 =	sshll.u32 s28, $0x1;
	[dreg:$0x2] =	wrdreg s3  }
0xa9: {  	[dreg:$0x3] =	wrdreg s5  }
0xaa: {  	[dreg:$0x4] =	wrdreg $0xC0  }
0xab: {  	_ =	task [dreg:s7], $0x5FFFF  }
0xac: {  	[dreg:$0x1] =	wrdreg $0xFFFFFFFF  }
0xad: {  	[dreg:$0x0] =	wrdreg $0x60  }
0xae: {  	[dreg:$0x2] =	wrdreg s24  }
0xaf: {  	[dreg:$0x3] =	wrdreg s2  }
0xb0: {  	[dreg:$0x4] =	wrdreg $0x9  }
0xb1: {  	_ =	task.clear_ibuf [dreg:s7], $0x5FFFF;
	_ =	strace $0x90000046  }
0xb2: {  	s29 =	simm.s32 $0x9;
	_ =	strace $0x80000048  }
0xb3: {  	_ =	swait.ge [sflag:s29], $0x1  }
0xb4: {  	[sflag:s29] =	ssyncadd.s32 $0xFFFFFFFF  }
0xb5: {  	_ =	strace $0x90000048  }
0xb6: {  	_ =	sfence  }
0xb7: {  	s30 =	sld [smem:$0x0];
	_ =	sdelay $0x2  }
0xb8: {  	s31 =	sshll.u32 s1, $0xD;
	s1 =	sshrl.u32 s1, $0x2  }
0xb9: {  	s3 =	sand.u32 $0x4000, s31;
	s1 =	sadd.s32 s1, s30  }
0xba: {  	s0 =	sor.u32 s3, s0;
	s1 =	sshll.u32 s1, $0x11  }
0xbb: {  	s0 =	sor.u32 s1, s0  }
0xbc: {  	s0 =	sadd.s32 $0x8F2B, s0  }
0xbd: {  	[sflag:s0] =	ssyncadd.remote.s32 $0x1  }
0xbe: {  	_ =	sfence.sel $0xFFFF  }
0xbf: {  	[dreg:$0x0] =	wrdreg $0xFFFFFFFF;
	(pc) =	sbr.abs _section_cstart, $3  }
0xc0: {  	[dreg:$0x1] =	wrdreg $0xFFFFFFFF  }
0xc1: {  	_ =	task.clear_ibuf [dreg:s7], $0x2FFFF;
	_ =	strace $0x9FFFFFFF  }
0xc2: {  	(tm) =	ssettm $0x7FFFFFFF  }
0xc3: {  	_ =	shalt  }
tec
execute0_lowered:
.L_overlay_start_1:
0x0: {  	(tag) =	ssettag $0x1  }
0x1: {  	s0 =	srdreg.scid  }
0x2: {  	s2 =	stileid.u32;
	s1 =	rddreg [dreg:$0x0]  }
0x3: {  	s8 =	simm.s32 $0xB;
	s9 =	simm.s32 $0x80;
	s10 =	simm.s32 $0x1900  }
0x4: {  	s11 =	simm.s32 $0x3900;
	s13 =	simm.s32 $0x5900;
	s14 =	simm.s32 $0x7900  }
0x5: {  	s15 =	simm.s32 $0x1;
	s16 =	simm.s32 $0x9900;
	s17 =	simm.s32 $0x2  }
0x6: {  	s18 =	simm.s32 $0x3;
	s19 =	simm.s32 $0x4;
	s20 =	simm.s32 $0x5  }
0x7: {  	s21 =	simm.s32 $0x6;
	s0 =	sand.u32 $0x1, s0;
	s3 =	sshll.u32 s2, $0x1  }
0x8: {  	s22 =	simm.s32 $0x7;
	s23 =	simm.s32 $0x8;
	s4 =	sor.u32 s0, s3  }
0x9: {  	v0 =	vlaneseq.u32;
	s24 =	simm.s32 $0x9;
	s25 =	simm.s32 $0xA;
	s4 =	smul.u32 $0x1900, s4  }
.Ltmp0:
0xa: {  	s26 =	simm.s32 $0x0;
	s2 =	rddreg [dreg:$0x1];
	v0 =	vmul.u32 $0x40, v0;
	(pc) =	sbr.rel .LBB2_1-.Ltmp0, $4  }
0xb: {  	s5 =	sadd.s32 $0xF42E00, s1;
	s0 =	ssub.s32 $0x2, s0;
	s6 =	sshrl.u32 s4, $0x3  }
0xc: {  	v1 =	vimm.s32 $0x0;
	v3 =	vimm.f32 $0.0e+00;
	s3 =	simm.s32 $0x0;
	s7 =	sshrl.u32 s0, $0x1;
	v2 =	vor.u32 $0x1C00, v0;
	s1 =	sadd.s32 s6, s1  }
0xd: {  	[smem:$0x7FF] =	sst s3;
	v4 =	vor.u32 $0x1800, v0;
	v5 =	vor.u32 $0x1400, v0;
	v6 =	vor.u32 $0x1000, v0;
	s0 =	ssub.s32 s0, s7;
	s1 =	sadd.s32 $0xA00, s1  }
0xe: {  	v7 =	vor.u32 $0xC00, v0;
	v8 =	vor.u32 $0x800, v0;
	v9 =	vor.u32 $0x400, v0;
	_ =	strace $0x80000047;
	s7 =	smax.u32 s0, $0x1;
	[dreg:$0x3] =	wrdreg s1  }
.LBB2_168:
0xf: {  	_ =	swait.ge [sflag:s21], $0x2000  }
0x10: {  	[sflag:s21] =	ssyncset.done $0x0  }
0x11: {  	[sflag:s21] =	ssyncadd.s32 $0xFFFFE000  }
0x12: {  	_ =	swait.ge [sflag:s22], $0x2000  }
0x13: {  	[sflag:s22] =	ssyncset.done $0x0  }
0x14: {  	[sflag:s22] =	ssyncadd.s32 $0xFFFFE000  }
0x15: {  	_ =	swait.ge [sflag:s23], $0x2000  }
0x16: {  	[sflag:s23] =	ssyncset.done $0x0  }
0x17: {  	s26 =	sadd.s32 $0x1, s26;
	[sflag:s23] =	ssyncadd.s32 $0xFFFFE000  }
0x18: {  	p0 =	sne.s32 s26, s7;
	_ =	swait.ge [sflag:s24], $0x2000  }
.Ltmp1:
0x19: {  	[sflag:s24] =	ssyncset.done $0x0;
	(pc) =	sbr.rel @!p0 .LBB2_169-.Ltmp1, $4  }
0x1a: {  	[sflag:s24] =	ssyncadd.s32 $0xFFFFE000  }
0x1b: {  	_ =	swait.ge [sflag:s25], $0x2000  }
0x1c: {  	[sflag:s25] =	ssyncset.done $0x0  }
0x1d: {  	[sflag:s25] =	ssyncadd.s32 $0xFFFFE000  }
.LBB2_1:
0x1e: {  	s0 =	rddreg [dreg:$0x3]  }
0x1f: {  	[tilespmem:s3], [sflag:$0xB] =	stream.linear.gather [hbm4b:s0+s3], $0x1900, $0x38;
	[tilespmem:$0xB900] =	vst v63  }
0x20: {  	_ =	swait.ge [sflag:s8], $0x1900  }
0x21: {  	[sflag:s8] =	ssyncset.done $0x0  }
0x22: {  	[sflag:s8] =	ssyncadd.s32 $0xFFFFE700  }
0x23: {  	[tilespmem:s10], [sflag:$0x1] =	stream.indirect.gather [hbm4b:s5+s9], $0x40, s3, s9, $0xb8;
	[tilespmem:$0xB900] =	vst v63  }
.Ltmp2:
0x24: {  	_ = 	snop;
	(pc) =	sbr.rel .LBB2_2-.Ltmp2, $4  }
0x25: {  	_ = 	snop  }
0x26: {  	[tilespmem:s11], [sflag:$0x2] =	stream.indirect.gather [hbm4b:s5+s9], $0x40, s9, s9, $0xb8;
	[tilespmem:$0xB900] =	vst v63  }
0x27: {  	s31 =	simm.s32 $0x100;
	s28 =	simm.s32 $0x0  }
0x28: {  	[tilespmem:s13], [sflag:$0x3] =	stream.indirect.gather [hbm4b:s5+s9], $0x40, s31, s9, $0xb8;
	[tilespmem:$0xB900] =	vst v63  }
.LBB2_167:
0x29: {  	s28 =	sadd.s32 $0x1, s28  }
0x2a: {  	p0 =	sne.s32 s28, $0xA  }
.Ltmp3:
0x2b: {  	s0 =	sadd.s32 s4, s30;
	(pc) =	sbr.rel @!p0 .LBB2_168-.Ltmp3, $4  }
0x2c: {  	s0 =	sshll.u32 s0, $0x3  }
0x2d: {  	s0 =	sand.u32 $0x1FFFFC00, s0  }
0x2e: {  	s0 =	sadd.s32 s2, s0  }
0x2f: {  	[hbm4b:s0+s3] =	stream.linear.scatter [tilespmem:s16], [sflag:$0xA], $0x2000, $0x38;
	[tilespmem:$0xB900] =	vst v63  }
.LBB2_2:
0x30: {  	s1 =	smul.u32 $0x5, s28;
	p0 =	seq.s32 s28, $0x0  }
0x31: {  	s0 =	simm.s32 @!p0 $0x9  }
0x32: {  	s12 =	sadd.s32 $0x3, s1;
	_ =	swait.ge @!p0 [sflag:s0], $0x2000  }
0x33: {  	[sflag:s0] =	ssyncset.done @!p0 $0x0;
	s29 =	sshll.u32 s12, $0x7  }
0x34: {  	[sflag:s0] =	ssyncadd.s32 @!p0 $0xFFFFE000;
	s12 =	sand.u32 $0x3FFFFF80, s29  }
0x35: {  	[tilespmem:s14], [sflag:$0x4] =	stream.indirect.gather [hbm4b:s5+s9], $0x40, s12, s9, $0xb8;
	[tilespmem:$0xB900] =	vst v63  }
0x36: {  	_ =	swait.ge [sflag:s15], $0x2000  }
0x37: {  	s31 =	smul.u32 $0x280, s28;
	[sflag:s15] =	ssyncset.done $0x0  }
0x38: {  	[sflag:s15] =	ssyncadd.s32 $0xFFFFE000  }
0x39: {  	v10 =	vld [tilespmem:s31+$0x0]  }
0x3a: {  	v11 =	vld [tilespmem:s31+$0x10]  }
0x3b: {  	v12 =	vld [tilespmem:s31+$0x20]  }
0x3c: {  	v13 =	vld [tilespmem:s31+$0x30]  }
0x3d: {  	v14 =	vld [tilespmem:s31+$0x40]  }
0x3e: {  	v15 =	vld [tilespmem:s31+$0x50]  }
0x3f: {  	vm0 =	veq.s32 v10, $0x0;
	vm1 =	veq.s32 v11, $0x0;
	v11 =	vld [tilespmem:s31+$0x60]  }
0x40: {  	v59 =	vld [tilespmem:s31+$0x70];
	v10 =	vsel vm0, $0x1, v1;
	v16 =	vsel vm1, $0x1, v1;
	vm1 =	veq.s32 v12, $0x0  }
0x41: {  	v17 =	vsel vm1, $0x1, v1;
	vm1 =	veq.s32 v13, $0x0;
	v60 =	vadd.s32 v10, v16  }
0x42: {  	v13 =	vadd.s32 v17, v60;
	v61 =	vsel vm1, $0x1, v1;
	vm1 =	veq.s32 v14, $0x0  }
0x43: {  	v13 =	vadd.s32 v61, v13;
	v14 =	vsel vm1, $0x1, v1;
	vm1 =	veq.s32 v15, $0x0  }
0x44: {  	v13 =	vadd.s32 v14, v13;
	v62 =	vsel vm1, $0x1, v1;
	vm1 =	veq.s32 v11, $0x0  }
0x45: {  	v11 =	vadd.s32 v62, v13;
	v63 =	vsel vm1, $0x1, v1;
	vm1 =	veq.s32 v59, $0x0  }
0x46: {  	v11 =	vadd.s32 v63, v11;
	v12 =	vsel vm1, $0x1, v1  }
0x47: {  	v11 =	vadd.s32 v12, v11  }
0x48: {  	(xrf0) =	vadd.scan.msk.s32 $0xffff, v11;
	_ =	sdelay $0x5  }
0x49: {  	v11, _, _ =	vpop (xrf0)  }
0x4a: {  	(v2sf) =	vpush v11, $0xF;
	_ =	sdelay $0xe  }
0x4b: {  	s30 =	spop (v2sf)  }
0x4c: {  	p1 =	seq.s32 s30, $0x0  }
.Ltmp4:
0x4d: {  	_ = 	snop;
	(pc) =	sbr.rel @p1 .LBB2_35-.Ltmp4, $1  }
0x4e: {  	_ =	sdelay $0x3  }
0x4f: {  	(xrf0) =	vadd.scan.msk.s32 $0xffff, v10;
	_ =	sdelay $0x5  }
0x50: {  	v10, _, _ =	vpop (xrf0)  }
0x51: {  	(v2sf) =	vpush v10, $0xF;
	_ =	sdelay $0xe  }
0x52: {  	s0 =	spop (v2sf)  }
0x53: {  	p1 =	seq.s32 s0, $0x0  }
.Ltmp5:
0x54: {  	_ = 	snop;
	(pc) =	sbr.rel @p1 .LBB2_7-.Ltmp5, $2  }
0x55: {  	_ =	sdelay $0x2  }
0x56: {  	s0 =	simm.s32 $0x0  }
0x57: {  	v10 =	vmov s0  }
0x58: {  	v10 =	vand.u32 $0x3F, v10  }
0x59: {  	v10 =	vbroadcast v10, $0x0;
	_ =	sdelay $0x1  }
0x5a: {  	s0 =	sadd.s32 $0x1, s0;
	v10 =	vor.u32 v0, v10  }
.LBB2_5:
0x5b: {  	p1 =	sne.s32 s0, $0x3F  }
.Ltmp6:
0x5c: {  	v11 =	vmov s0;
	s0 =	sadd.s32 $0x1, s0;
	(pc) =	sbr.rel @p1 .LBB2_5-.Ltmp6, $4  }
0x5d: {  	v11 =	vand.u32 $0x3F, v11  }
0x5e: {  	v11 =	vbroadcast v11, $0x0  }
0x5f: {  	[tilespmem:v10+s10+$0x0] =	vst.idx.msk vm0, v3  }
0x60: {  	v10 =	vor.u32 v0, v11  }
0x61: {  	_ =	sdelay $0x4  }
0x62: {  	[tilespmem:v10+s10+$0x0] =	vst.idx.msk vm0, v3  }
.LBB2_7:
0x63: {  	v10 =	vld [tilespmem:s31+$0x10];
	_ =	sdelay $0x4  }
0x64: {  	vm0 =	veq.s32 v10, $0x0  }
0x65: {  	v10 =	vsel vm0, $0x1, v1  }
0x66: {  	(xrf0) =	vadd.scan.msk.s32 $0xffff, v10;
	_ =	sdelay $0x5  }
0x67: {  	v10, _, _ =	vpop (xrf0)  }
0x68: {  	(v2sf) =	vpush v10, $0xF;
	_ =	sdelay $0xe  }
0x69: {  	s0 =	spop (v2sf)  }
0x6a: {  	p1 =	seq.s32 s0, $0x0  }
.Ltmp7:
0x6b: {  	_ = 	snop;
	(pc) =	sbr.rel @p1 .LBB2_11-.Ltmp7, $2  }
0x6c: {  	_ =	sdelay $0x2  }
0x6d: {  	s0 =	simm.s32 $0x0  }
0x6e: {  	v10 =	vmov s0  }
0x6f: {  	v10 =	vand.u32 $0x3F, v10  }
0x70: {  	v10 =	vbroadcast v10, $0x0;
	_ =	sdelay $0x1  }
0x71: {  	s0 =	sadd.s32 $0x1, s0;
	v10 =	vor.u32 v9, v10  }
.LBB2_9:
0x72: {  	p1 =	sne.s32 s0, $0x3F  }
.Ltmp8:
0x73: {  	v11 =	vmov s0;
	s0 =	sadd.s32 $0x1, s0;
	(pc) =	sbr.rel @p1 .LBB2_9-.Ltmp8, $4  }
0x74: {  	v11 =	vand.u32 $0x3F, v11  }
0x75: {  	v11 =	vbroadcast v11, $0x0  }
0x76: {  	[tilespmem:v10+s10+$0x0] =	vst.idx.msk vm0, v3  }
0x77: {  	v10 =	vor.u32 v9, v11  }
0x78: {  	_ =	sdelay $0x4  }
0x79: {  	[tilespmem:v10+s10+$0x0] =	vst.idx.msk vm0, v3  }
.LBB2_11:
0x7a: {  	v10 =	vld [tilespmem:s31+$0x20];
	_ =	sdelay $0x4  }
0x7b: {  	vm0 =	veq.s32 v10, $0x0  }
0x7c: {  	v10 =	vsel vm0, $0x1, v1  }
0x7d: {  	(xrf0) =	vadd.scan.msk.s32 $0xffff, v10;
	_ =	sdelay $0x5  }
0x7e: {  	v10, _, _ =	vpop (xrf0)  }
0x7f: {  	(v2sf) =	vpush v10, $0xF;
	_ =	sdelay $0xe  }
0x80: {  	s0 =	spop (v2sf)  }
0x81: {  	p1 =	seq.s32 s0, $0x0  }
.Ltmp9:
0x82: {  	_ = 	snop;
	(pc) =	sbr.rel @p1 .LBB2_15-.Ltmp9, $2  }
0x83: {  	_ =	sdelay $0x2  }
0x84: {  	s0 =	simm.s32 $0x0  }
0x85: {  	v10 =	vmov s0  }
0x86: {  	v10 =	vand.u32 $0x3F, v10  }
0x87: {  	v10 =	vbroadcast v10, $0x0;
	_ =	sdelay $0x1  }
0x88: {  	s0 =	sadd.s32 $0x1, s0;
	v10 =	vor.u32 v8, v10  }
.LBB2_13:
0x89: {  	p1 =	sne.s32 s0, $0x3F  }
.Ltmp10:
0x8a: {  	v11 =	vmov s0;
	s0 =	sadd.s32 $0x1, s0;
	(pc) =	sbr.rel @p1 .LBB2_13-.Ltmp10, $4  }
0x8b: {  	v11 =	vand.u32 $0x3F, v11  }
0x8c: {  	v11 =	vbroadcast v11, $0x0  }
0x8d: {  	[tilespmem:v10+s10+$0x0] =	vst.idx.msk vm0, v3  }
0x8e: {  	v10 =	vor.u32 v8, v11  }
0x8f: {  	_ =	sdelay $0x4  }
0x90: {  	[tilespmem:v10+s10+$0x0] =	vst.idx.msk vm0, v3  }
.LBB2_15:
0x91: {  	v10 =	vld [tilespmem:s31+$0x30];
	_ =	sdelay $0x4  }
0x92: {  	vm0 =	veq.s32 v10, $0x0  }
0x93: {  	v10 =	vsel vm0, $0x1, v1  }
0x94: {  	(xrf0) =	vadd.scan.msk.s32 $0xffff, v10;
	_ =	sdelay $0x5  }
0x95: {  	v10, _, _ =	vpop (xrf0)  }
0x96: {  	(v2sf) =	vpush v10, $0xF;
	_ =	sdelay $0xe  }
0x97: {  	s0 =	spop (v2sf)  }
0x98: {  	p1 =	seq.s32 s0, $0x0  }
.Ltmp11:
0x99: {  	_ = 	snop;
	(pc) =	sbr.rel @p1 .LBB2_19-.Ltmp11, $2  }
0x9a: {  	_ =	sdelay $0x2  }
0x9b: {  	s0 =	simm.s32 $0x0  }
0x9c: {  	v10 =	vmov s0  }
0x9d: {  	v10 =	vand.u32 $0x3F, v10  }
0x9e: {  	v10 =	vbroadcast v10, $0x0;
	_ =	sdelay $0x1  }
0x9f: {  	s0 =	sadd.s32 $0x1, s0;
	v10 =	vor.u32 v7, v10  }
.LBB2_17:
0xa0: {  	p1 =	sne.s32 s0, $0x3F  }
.Ltmp12:
0xa1: {  	v11 =	vmov s0;
	s0 =	sadd.s32 $0x1, s0;
	(pc) =	sbr.rel @p1 .LBB2_17-.Ltmp12, $4  }
0xa2: {  	v11 =	vand.u32 $0x3F, v11  }
0xa3: {  	v11 =	vbroadcast v11, $0x0  }
0xa4: {  	[tilespmem:v10+s10+$0x0] =	vst.idx.msk vm0, v3  }
0xa5: {  	v10 =	vor.u32 v7, v11  }
0xa6: {  	_ =	sdelay $0x4  }
0xa7: {  	[tilespmem:v10+s10+$0x0] =	vst.idx.msk vm0, v3  }
.LBB2_19:
0xa8: {  	v10 =	vld [tilespmem:s31+$0x40];
	_ =	sdelay $0x4  }
0xa9: {  	vm0 =	veq.s32 v10, $0x0  }
0xaa: {  	v10 =	vsel vm0, $0x1, v1  }
0xab: {  	(xrf0) =	vadd.scan.msk.s32 $0xffff, v10;
	_ =	sdelay $0x5  }
0xac: {  	v10, _, _ =	vpop (xrf0)  }
0xad: {  	(v2sf) =	vpush v10, $0xF;
	_ =	sdelay $0xe  }
0xae: {  	s0 =	spop (v2sf)  }
0xaf: {  	p1 =	seq.s32 s0, $0x0  }
.Ltmp13:
0xb0: {  	_ = 	snop;
	(pc) =	sbr.rel @p1 .LBB2_23-.Ltmp13, $2  }
0xb1: {  	_ =	sdelay $0x2  }
0xb2: {  	s0 =	simm.s32 $0x0  }
0xb3: {  	v10 =	vmov s0  }
0xb4: {  	v10 =	vand.u32 $0x3F, v10  }
0xb5: {  	v10 =	vbroadcast v10, $0x0;
	_ =	sdelay $0x1  }
0xb6: {  	s0 =	sadd.s32 $0x1, s0;
	v10 =	vor.u32 v6, v10  }
.LBB2_21:
0xb7: {  	p1 =	sne.s32 s0, $0x3F  }
.Ltmp14:
0xb8: {  	v11 =	vmov s0;
	s0 =	sadd.s32 $0x1, s0;
	(pc) =	sbr.rel @p1 .LBB2_21-.Ltmp14, $4  }
0xb9: {  	v11 =	vand.u32 $0x3F, v11  }
0xba: {  	v11 =	vbroadcast v11, $0x0  }
0xbb: {  	[tilespmem:v10+s10+$0x0] =	vst.idx.msk vm0, v3  }
0xbc: {  	v10 =	vor.u32 v6, v11  }
0xbd: {  	_ =	sdelay $0x4  }
0xbe: {  	[tilespmem:v10+s10+$0x0] =	vst.idx.msk vm0, v3  }
.LBB2_23:
0xbf: {  	v10 =	vld [tilespmem:s31+$0x50];
	_ =	sdelay $0x4  }
0xc0: {  	vm0 =	veq.s32 v10, $0x0  }
0xc1: {  	v10 =	vsel vm0, $0x1, v1  }
0xc2: {  	(xrf0) =	vadd.scan.msk.s32 $0xffff, v10;
	_ =	sdelay $0x5  }
0xc3: {  	v10, _, _ =	vpop (xrf0)  }
0xc4: {  	(v2sf) =	vpush v10, $0xF;
	_ =	sdelay $0xe  }
0xc5: {  	s0 =	spop (v2sf)  }
0xc6: {  	p1 =	seq.s32 s0, $0x0  }
.Ltmp15:
0xc7: {  	_ = 	snop;
	(pc) =	sbr.rel @p1 .LBB2_27-.Ltmp15, $2  }
0xc8: {  	_ =	sdelay $0x2  }
0xc9: {  	s0 =	simm.s32 $0x0  }
0xca: {  	v10 =	vmov s0  }
0xcb: {  	v10 =	vand.u32 $0x3F, v10  }
0xcc: {  	v10 =	vbroadcast v10, $0x0;
	_ =	sdelay $0x1  }
0xcd: {  	s0 =	sadd.s32 $0x1, s0;
	v10 =	vor.u32 v5, v10  }
.LBB2_25:
0xce: {  	p1 =	sne.s32 s0, $0x3F  }
.Ltmp16:
0xcf: {  	v11 =	vmov s0;
	s0 =	sadd.s32 $0x1, s0;
	(pc) =	sbr.rel @p1 .LBB2_25-.Ltmp16, $4  }
0xd0: {  	v11 =	vand.u32 $0x3F, v11  }
0xd1: {  	v11 =	vbroadcast v11, $0x0  }
0xd2: {  	[tilespmem:v10+s10+$0x0] =	vst.idx.msk vm0, v3  }
0xd3: {  	v10 =	vor.u32 v5, v11  }
0xd4: {  	_ =	sdelay $0x4  }
0xd5: {  	[tilespmem:v10+s10+$0x0] =	vst.idx.msk vm0, v3  }
.LBB2_27:
0xd6: {  	v10 =	vld [tilespmem:s31+$0x60];
	_ =	sdelay $0x4  }
0xd7: {  	vm0 =	veq.s32 v10, $0x0  }
0xd8: {  	v10 =	vsel vm0, $0x1, v1  }
0xd9: {  	(xrf0) =	vadd.scan.msk.s32 $0xffff, v10;
	_ =	sdelay $0x5  }
0xda: {  	v10, _, _ =	vpop (xrf0)  }
0xdb: {  	(v2sf) =	vpush v10, $0xF;
	_ =	sdelay $0xe  }
0xdc: {  	s0 =	spop (v2sf)  }
0xdd: {  	p1 =	seq.s32 s0, $0x0  }
.Ltmp17:
0xde: {  	_ = 	snop;
	(pc) =	sbr.rel @p1 .LBB2_31-.Ltmp17, $2  }
0xdf: {  	_ =	sdelay $0x2  }
0xe0: {  	s0 =	simm.s32 $0x0  }
0xe1: {  	v10 =	vmov s0  }
0xe2: {  	v10 =	vand.u32 $0x3F, v10  }
0xe3: {  	v10 =	vbroadcast v10, $0x0;
	_ =	sdelay $0x1  }
0xe4: {  	s0 =	sadd.s32 $0x1, s0;
	v10 =	vor.u32 v4, v10  }
.LBB2_29:
0xe5: {  	p1 =	sne.s32 s0, $0x3F  }
.Ltmp18:
0xe6: {  	v11 =	vmov s0;
	s0 =	sadd.s32 $0x1, s0;
	(pc) =	sbr.rel @p1 .LBB2_29-.Ltmp18, $4  }
0xe7: {  	v11 =	vand.u32 $0x3F, v11  }
0xe8: {  	v11 =	vbroadcast v11, $0x0  }
0xe9: {  	[tilespmem:v10+s10+$0x0] =	vst.idx.msk vm0, v3  }
0xea: {  	v10 =	vor.u32 v4, v11  }
0xeb: {  	_ =	sdelay $0x4  }
0xec: {  	[tilespmem:v10+s10+$0x0] =	vst.idx.msk vm0, v3  }
.LBB2_31:
0xed: {  	v10 =	vld [tilespmem:s31+$0x70];
	_ =	sdelay $0x4  }
0xee: {  	vm0 =	veq.s32 v10, $0x0  }
0xef: {  	v10 =	vsel vm0, $0x1, v1  }
0xf0: {  	(xrf0) =	vadd.scan.msk.s32 $0xffff, v10;
	_ =	sdelay $0x5  }
0xf1: {  	v10, _, _ =	vpop (xrf0)  }
0xf2: {  	(v2sf) =	vpush v10, $0xF;
	_ =	sdelay $0xe  }
0xf3: {  	s0 =	spop (v2sf)  }
0xf4: {  	p1 =	seq.s32 s0, $0x0  }
.Ltmp19:
0xf5: {  	_ = 	snop;
	(pc) =	sbr.rel @p1 .LBB2_35-.Ltmp19, $2  }
0xf6: {  	_ =	sdelay $0x2  }
0xf7: {  	s0 =	simm.s32 $0x0  }
0xf8: {  	v10 =	vmov s0  }
0xf9: {  	v10 =	vand.u32 $0x3F, v10  }
0xfa: {  	v10 =	vbroadcast v10, $0x0;
	_ =	sdelay $0x1  }
0xfb: {  	s0 =	sadd.s32 $0x1, s0;
	v10 =	vor.u32 v2, v10  }
.LBB2_33:
0xfc: {  	p1 =	sne.s32 s0, $0x3F  }
.Ltmp20:
0xfd: {  	v11 =	vmov s0;
	s0 =	sadd.s32 $0x1, s0;
	(pc) =	sbr.rel @p1 .LBB2_33-.Ltmp20, $4  }
0xfe: {  	v11 =	vand.u32 $0x3F, v11  }
0xff: {  	v11 =	vbroadcast v11, $0x0  }
0x100: {  	[tilespmem:v10+s10+$0x0] =	vst.idx.msk vm0, v3  }
0x101: {  	v10 =	vor.u32 v2, v11  }
0x102: {  	_ =	sdelay $0x4  }
0x103: {  	[tilespmem:v10+s10+$0x0] =	vst.idx.msk vm0, v3  }
.LBB2_35:
0x104: {  	s0 =	sadd.s32 s4, s31  }
0x105: {  	s0 =	sshll.u32 s0, $0x3  }
0x106: {  	s0 =	sadd.s32 s2, s0  }
0x107: {  	[hbm4b:s0+s3] =	stream.linear.scatter [tilespmem:s10], [sflag:$0x6], $0x2000, $0x38;
	[tilespmem:$0xB900] =	vst v63  }
0x108: {  	s0 =	simm.s32 @!p0 $0xA  }
0x109: {  	s1 =	sadd.s32 $0x4, s1;
	_ =	swait.ge @!p0 [sflag:s0], $0x2000  }
0x10a: {  	s30 =	sshll.u32 s1, $0x7;
	[sflag:s0] =	ssyncset.done @!p0 $0x0  }
0x10b: {  	s6 =	sand.u32 $0x3FFFFF80, s30;
	[sflag:s0] =	ssyncadd.s32 @!p0 $0xFFFFE000  }
0x10c: {  	[tilespmem:s16], [sflag:$0x5] =	stream.indirect.gather [hbm4b:s5+s9], $0x40, s6, s9, $0xb8;
	[tilespmem:$0xB900] =	vst v63  }
0x10d: {  	_ =	swait.ge [sflag:s17], $0x2000  }
0x10e: {  	[sflag:s17] =	ssyncset.done $0x0  }
0x10f: {  	[sflag:s17] =	ssyncadd.s32 $0xFFFFE000  }
0x110: {  	v10 =	vld [tilespmem:s31+$0x80]  }
0x111: {  	v11 =	vld [tilespmem:s31+$0x90]  }
0x112: {  	v12 =	vld [tilespmem:s31+$0xA0]  }
0x113: {  	v13 =	vld [tilespmem:s31+$0xB0]  }
0x114: {  	v14 =	vld [tilespmem:s31+$0xC0]  }
0x115: {  	v15 =	vld [tilespmem:s31+$0xD0]  }
0x116: {  	vm0 =	veq.s32 v10, $0x0;
	vm1 =	veq.s32 v11, $0x0;
	v11 =	vld [tilespmem:s31+$0xE0]  }
0x117: {  	v59 =	vld [tilespmem:s31+$0xF0];
	v10 =	vsel vm0, $0x1, v1;
	v16 =	vsel vm1, $0x1, v1;
	vm1 =	veq.s32 v12, $0x0  }
0x118: {  	v17 =	vsel vm1, $0x1, v1;
	vm1 =	veq.s32 v13, $0x0;
	v60 =	vadd.s32 v10, v16  }
0x119: {  	v13 =	vadd.s32 v17, v60;
	v61 =	vsel vm1, $0x1, v1;
	vm1 =	veq.s32 v14, $0x0  }
0x11a: {  	v13 =	vadd.s32 v61, v13;
	v14 =	vsel vm1, $0x1, v1;
	vm1 =	veq.s32 v15, $0x0  }
0x11b: {  	v13 =	vadd.s32 v14, v13;
	v62 =	vsel vm1, $0x1, v1;
	vm1 =	veq.s32 v11, $0x0  }
0x11c: {  	v11 =	vadd.s32 v62, v13;
	v63 =	vsel vm1, $0x1, v1;
	vm1 =	veq.s32 v59, $0x0  }
0x11d: {  	v11 =	vadd.s32 v63, v11;
	v12 =	vsel vm1, $0x1, v1  }
0x11e: {  	v11 =	vadd.s32 v12, v11  }
0x11f: {  	(xrf0) =	vadd.scan.msk.s32 $0xffff, v11;
	_ =	sdelay $0x5  }
0x120: {  	v11, _, _ =	vpop (xrf0)  }
0x121: {  	(v2sf) =	vpush v11, $0xF;
	_ =	sdelay $0xe  }
0x122: {  	s12 =	spop (v2sf)  }
0x123: {  	p0 =	seq.s32 s12, $0x0  }
.Ltmp21:
0x124: {  	_ = 	snop;
	(pc) =	sbr.rel @p0 .LBB2_68-.Ltmp21, $1  }
0x125: {  	_ =	sdelay $0x3  }
0x126: {  	(xrf0) =	vadd.scan.msk.s32 $0xffff, v10;
	_ =	sdelay $0x5  }
0x127: {  	v10, _, _ =	vpop (xrf0)  }
0x128: {  	(v2sf) =	vpush v10, $0xF;
	_ =	sdelay $0xe  }
0x129: {  	s0 =	spop (v2sf)  }
0x12a: {  	p0 =	seq.s32 s0, $0x0  }
.Ltmp22:
0x12b: {  	_ = 	snop;
	(pc) =	sbr.rel @p0 .LBB2_40-.Ltmp22, $2  }
0x12c: {  	_ =	sdelay $0x2  }
0x12d: {  	s0 =	simm.s32 $0x0  }
0x12e: {  	v10 =	vmov s0  }
0x12f: {  	v10 =	vand.u32 $0x3F, v10  }
0x130: {  	v10 =	vbroadcast v10, $0x0;
	_ =	sdelay $0x1  }
0x131: {  	s0 =	sadd.s32 $0x1, s0;
	v10 =	vor.u32 v0, v10  }
.LBB2_38:
0x132: {  	p0 =	sne.s32 s0, $0x3F  }
.Ltmp23:
0x133: {  	v11 =	vmov s0;
	s0 =	sadd.s32 $0x1, s0;
	(pc) =	sbr.rel @p0 .LBB2_38-.Ltmp23, $4  }
0x134: {  	v11 =	vand.u32 $0x3F, v11  }
0x135: {  	v11 =	vbroadcast v11, $0x0  }
0x136: {  	[tilespmem:v10+s11+$0x0] =	vst.idx.msk vm0, v3  }
0x137: {  	v10 =	vor.u32 v0, v11  }
0x138: {  	_ =	sdelay $0x4  }
0x139: {  	[tilespmem:v10+s11+$0x0] =	vst.idx.msk vm0, v3  }
.LBB2_40:
0x13a: {  	v10 =	vld [tilespmem:s31+$0x90];
	_ =	sdelay $0x4  }
0x13b: {  	vm0 =	veq.s32 v10, $0x0  }
0x13c: {  	v10 =	vsel vm0, $0x1, v1  }
0x13d: {  	(xrf0) =	vadd.scan.msk.s32 $0xffff, v10;
	_ =	sdelay $0x5  }
0x13e: {  	v10, _, _ =	vpop (xrf0)  }
0x13f: {  	(v2sf) =	vpush v10, $0xF;
	_ =	sdelay $0xe  }
0x140: {  	s0 =	spop (v2sf)  }
0x141: {  	p0 =	seq.s32 s0, $0x0  }
.Ltmp24:
0x142: {  	_ = 	snop;
	(pc) =	sbr.rel @p0 .LBB2_44-.Ltmp24, $2  }
0x143: {  	_ =	sdelay $0x2  }
0x144: {  	s0 =	simm.s32 $0x0  }
0x145: {  	v10 =	vmov s0  }
0x146: {  	v10 =	vand.u32 $0x3F, v10  }
0x147: {  	v10 =	vbroadcast v10, $0x0;
	_ =	sdelay $0x1  }
0x148: {  	s0 =	sadd.s32 $0x1, s0;
	v10 =	vor.u32 v9, v10  }
.LBB2_42:
0x149: {  	p0 =	sne.s32 s0, $0x3F  }
.Ltmp25:
0x14a: {  	v11 =	vmov s0;
	s0 =	sadd.s32 $0x1, s0;
	(pc) =	sbr.rel @p0 .LBB2_42-.Ltmp25, $4  }
0x14b: {  	v11 =	vand.u32 $0x3F, v11  }
0x14c: {  	v11 =	vbroadcast v11, $0x0  }
0x14d: {  	[tilespmem:v10+s11+$0x0] =	vst.idx.msk vm0, v3  }
0x14e: {  	v10 =	vor.u32 v9, v11  }
0x14f: {  	_ =	sdelay $0x4  }
0x150: {  	[tilespmem:v10+s11+$0x0] =	vst.idx.msk vm0, v3  }
.LBB2_44:
0x151: {  	v10 =	vld [tilespmem:s31+$0xA0];
	_ =	sdelay $0x4  }
0x152: {  	vm0 =	veq.s32 v10, $0x0  }
0x153: {  	v10 =	vsel vm0, $0x1, v1  }
0x154: {  	(xrf0) =	vadd.scan.msk.s32 $0xffff, v10;
	_ =	sdelay $0x5  }
0x155: {  	v10, _, _ =	vpop (xrf0)  }
0x156: {  	(v2sf) =	vpush v10, $0xF;
	_ =	sdelay $0xe  }
0x157: {  	s0 =	spop (v2sf)  }
0x158: {  	p0 =	seq.s32 s0, $0x0  }
.Ltmp26:
0x159: {  	_ = 	snop;
	(pc) =	sbr.rel @p0 .LBB2_48-.Ltmp26, $2  }
0x15a: {  	_ =	sdelay $0x2  }
0x15b: {  	s0 =	simm.s32 $0x0  }
0x15c: {  	v10 =	vmov s0  }
0x15d: {  	v10 =	vand.u32 $0x3F, v10  }
0x15e: {  	v10 =	vbroadcast v10, $0x0;
	_ =	sdelay $0x1  }
0x15f: {  	s0 =	sadd.s32 $0x1, s0;
	v10 =	vor.u32 v8, v10  }
.LBB2_46:
0x160: {  	p0 =	sne.s32 s0, $0x3F  }
.Ltmp27:
0x161: {  	v11 =	vmov s0;
	s0 =	sadd.s32 $0x1, s0;
	(pc) =	sbr.rel @p0 .LBB2_46-.Ltmp27, $4  }
0x162: {  	v11 =	vand.u32 $0x3F, v11  }
0x163: {  	v11 =	vbroadcast v11, $0x0  }
0x164: {  	[tilespmem:v10+s11+$0x0] =	vst.idx.msk vm0, v3  }
0x165: {  	v10 =	vor.u32 v8, v11  }
0x166: {  	_ =	sdelay $0x4  }
0x167: {  	[tilespmem:v10+s11+$0x0] =	vst.idx.msk vm0, v3  }
.LBB2_48:
0x168: {  	v10 =	vld [tilespmem:s31+$0xB0];
	_ =	sdelay $0x4  }
0x169: {  	vm0 =	veq.s32 v10, $0x0  }
0x16a: {  	v10 =	vsel vm0, $0x1, v1  }
0x16b: {  	(xrf0) =	vadd.scan.msk.s32 $0xffff, v10;
	_ =	sdelay $0x5  }
0x16c: {  	v10, _, _ =	vpop (xrf0)  }
0x16d: {  	(v2sf) =	vpush v10, $0xF;
	_ =	sdelay $0xe  }
0x16e: {  	s0 =	spop (v2sf)  }
0x16f: {  	p0 =	seq.s32 s0, $0x0  }
.Ltmp28:
0x170: {  	_ = 	snop;
	(pc) =	sbr.rel @p0 .LBB2_52-.Ltmp28, $2  }
0x171: {  	_ =	sdelay $0x2  }
0x172: {  	s0 =	simm.s32 $0x0  }
0x173: {  	v10 =	vmov s0  }
0x174: {  	v10 =	vand.u32 $0x3F, v10  }
0x175: {  	v10 =	vbroadcast v10, $0x0;
	_ =	sdelay $0x1  }
0x176: {  	s0 =	sadd.s32 $0x1, s0;
	v10 =	vor.u32 v7, v10  }
.LBB2_50:
0x177: {  	p0 =	sne.s32 s0, $0x3F  }
.Ltmp29:
0x178: {  	v11 =	vmov s0;
	s0 =	sadd.s32 $0x1, s0;
	(pc) =	sbr.rel @p0 .LBB2_50-.Ltmp29, $4  }
0x179: {  	v11 =	vand.u32 $0x3F, v11  }
0x17a: {  	v11 =	vbroadcast v11, $0x0  }
0x17b: {  	[tilespmem:v10+s11+$0x0] =	vst.idx.msk vm0, v3  }
0x17c: {  	v10 =	vor.u32 v7, v11  }
0x17d: {  	_ =	sdelay $0x4  }
0x17e: {  	[tilespmem:v10+s11+$0x0] =	vst.idx.msk vm0, v3  }
.LBB2_52:
0x17f: {  	v10 =	vld [tilespmem:s31+$0xC0];
	_ =	sdelay $0x4  }
0x180: {  	vm0 =	veq.s32 v10, $0x0  }
0x181: {  	v10 =	vsel vm0, $0x1, v1  }
0x182: {  	(xrf0) =	vadd.scan.msk.s32 $0xffff, v10;
	_ =	sdelay $0x5  }
0x183: {  	v10, _, _ =	vpop (xrf0)  }
0x184: {  	(v2sf) =	vpush v10, $0xF;
	_ =	sdelay $0xe  }
0x185: {  	s0 =	spop (v2sf)  }
0x186: {  	p0 =	seq.s32 s0, $0x0  }
.Ltmp30:
0x187: {  	_ = 	snop;
	(pc) =	sbr.rel @p0 .LBB2_56-.Ltmp30, $2  }
0x188: {  	_ =	sdelay $0x2  }
0x189: {  	s0 =	simm.s32 $0x0  }
0x18a: {  	v10 =	vmov s0  }
0x18b: {  	v10 =	vand.u32 $0x3F, v10  }
0x18c: {  	v10 =	vbroadcast v10, $0x0;
	_ =	sdelay $0x1  }
0x18d: {  	s0 =	sadd.s32 $0x1, s0;
	v10 =	vor.u32 v6, v10  }
.LBB2_54:
0x18e: {  	p0 =	sne.s32 s0, $0x3F  }
.Ltmp31:
0x18f: {  	v11 =	vmov s0;
	s0 =	sadd.s32 $0x1, s0;
	(pc) =	sbr.rel @p0 .LBB2_54-.Ltmp31, $4  }
0x190: {  	v11 =	vand.u32 $0x3F, v11  }
0x191: {  	v11 =	vbroadcast v11, $0x0  }
0x192: {  	[tilespmem:v10+s11+$0x0] =	vst.idx.msk vm0, v3  }
0x193: {  	v10 =	vor.u32 v6, v11  }
0x194: {  	_ =	sdelay $0x4  }
0x195: {  	[tilespmem:v10+s11+$0x0] =	vst.idx.msk vm0, v3  }
.LBB2_56:
0x196: {  	v10 =	vld [tilespmem:s31+$0xD0];
	_ =	sdelay $0x4  }
0x197: {  	vm0 =	veq.s32 v10, $0x0  }
0x198: {  	v10 =	vsel vm0, $0x1, v1  }
0x199: {  	(xrf0) =	vadd.scan.msk.s32 $0xffff, v10;
	_ =	sdelay $0x5  }
0x19a: {  	v10, _, _ =	vpop (xrf0)  }
0x19b: {  	(v2sf) =	vpush v10, $0xF;
	_ =	sdelay $0xe  }
0x19c: {  	s0 =	spop (v2sf)  }
0x19d: {  	p0 =	seq.s32 s0, $0x0  }
.Ltmp32:
0x19e: {  	_ = 	snop;
	(pc) =	sbr.rel @p0 .LBB2_60-.Ltmp32, $2  }
0x19f: {  	_ =	sdelay $0x2  }
0x1a0: {  	s0 =	simm.s32 $0x0  }
0x1a1: {  	v10 =	vmov s0  }
0x1a2: {  	v10 =	vand.u32 $0x3F, v10  }
0x1a3: {  	v10 =	vbroadcast v10, $0x0;
	_ =	sdelay $0x1  }
0x1a4: {  	s0 =	sadd.s32 $0x1, s0;
	v10 =	vor.u32 v5, v10  }
.LBB2_58:
0x1a5: {  	p0 =	sne.s32 s0, $0x3F  }
.Ltmp33:
0x1a6: {  	v11 =	vmov s0;
	s0 =	sadd.s32 $0x1, s0;
	(pc) =	sbr.rel @p0 .LBB2_58-.Ltmp33, $4  }
0x1a7: {  	v11 =	vand.u32 $0x3F, v11  }
0x1a8: {  	v11 =	vbroadcast v11, $0x0  }
0x1a9: {  	[tilespmem:v10+s11+$0x0] =	vst.idx.msk vm0, v3  }
0x1aa: {  	v10 =	vor.u32 v5, v11  }
0x1ab: {  	_ =	sdelay $0x4  }
0x1ac: {  	[tilespmem:v10+s11+$0x0] =	vst.idx.msk vm0, v3  }
.LBB2_60:
0x1ad: {  	v10 =	vld [tilespmem:s31+$0xE0];
	_ =	sdelay $0x4  }
0x1ae: {  	vm0 =	veq.s32 v10, $0x0  }
0x1af: {  	v10 =	vsel vm0, $0x1, v1  }
0x1b0: {  	(xrf0) =	vadd.scan.msk.s32 $0xffff, v10;
	_ =	sdelay $0x5  }
0x1b1: {  	v10, _, _ =	vpop (xrf0)  }
0x1b2: {  	(v2sf) =	vpush v10, $0xF;
	_ =	sdelay $0xe  }
0x1b3: {  	s0 =	spop (v2sf)  }
0x1b4: {  	p0 =	seq.s32 s0, $0x0  }
.Ltmp34:
0x1b5: {  	_ = 	snop;
	(pc) =	sbr.rel @p0 .LBB2_64-.Ltmp34, $2  }
0x1b6: {  	_ =	sdelay $0x2  }
0x1b7: {  	s0 =	simm.s32 $0x0  }
0x1b8: {  	v10 =	vmov s0  }
0x1b9: {  	v10 =	vand.u32 $0x3F, v10  }
0x1ba: {  	v10 =	vbroadcast v10, $0x0;
	_ =	sdelay $0x1  }
0x1bb: {  	s0 =	sadd.s32 $0x1, s0;
	v10 =	vor.u32 v4, v10  }
.LBB2_62:
0x1bc: {  	p0 =	sne.s32 s0, $0x3F  }
.Ltmp35:
0x1bd: {  	v11 =	vmov s0;
	s0 =	sadd.s32 $0x1, s0;
	(pc) =	sbr.rel @p0 .LBB2_62-.Ltmp35, $4  }
0x1be: {  	v11 =	vand.u32 $0x3F, v11  }
0x1bf: {  	v11 =	vbroadcast v11, $0x0  }
0x1c0: {  	[tilespmem:v10+s11+$0x0] =	vst.idx.msk vm0, v3  }
0x1c1: {  	v10 =	vor.u32 v4, v11  }
0x1c2: {  	_ =	sdelay $0x4  }
0x1c3: {  	[tilespmem:v10+s11+$0x0] =	vst.idx.msk vm0, v3  }
.LBB2_64:
0x1c4: {  	v10 =	vld [tilespmem:s31+$0xF0];
	_ =	sdelay $0x4  }
0x1c5: {  	vm0 =	veq.s32 v10, $0x0  }
0x1c6: {  	v10 =	vsel vm0, $0x1, v1  }
0x1c7: {  	(xrf0) =	vadd.scan.msk.s32 $0xffff, v10;
	_ =	sdelay $0x5  }
0x1c8: {  	v10, _, _ =	vpop (xrf0)  }
0x1c9: {  	(v2sf) =	vpush v10, $0xF;
	_ =	sdelay $0xe  }
0x1ca: {  	s0 =	spop (v2sf)  }
0x1cb: {  	p0 =	seq.s32 s0, $0x0  }
.Ltmp36:
0x1cc: {  	_ = 	snop;
	(pc) =	sbr.rel @p0 .LBB2_68-.Ltmp36, $2  }
0x1cd: {  	_ =	sdelay $0x2  }
0x1ce: {  	s0 =	simm.s32 $0x0  }
0x1cf: {  	v10 =	vmov s0  }
0x1d0: {  	v10 =	vand.u32 $0x3F, v10  }
0x1d1: {  	v10 =	vbroadcast v10, $0x0;
	_ =	sdelay $0x1  }
0x1d2: {  	s0 =	sadd.s32 $0x1, s0;
	v10 =	vor.u32 v2, v10  }
.LBB2_66:
0x1d3: {  	p0 =	sne.s32 s0, $0x3F  }
.Ltmp37:
0x1d4: {  	v11 =	vmov s0;
	s0 =	sadd.s32 $0x1, s0;
	(pc) =	sbr.rel @p0 .LBB2_66-.Ltmp37, $4  }
0x1d5: {  	v11 =	vand.u32 $0x3F, v11  }
0x1d6: {  	v11 =	vbroadcast v11, $0x0  }
0x1d7: {  	[tilespmem:v10+s11+$0x0] =	vst.idx.msk vm0, v3  }
0x1d8: {  	v10 =	vor.u32 v2, v11  }
0x1d9: {  	_ =	sdelay $0x4  }
0x1da: {  	[tilespmem:v10+s11+$0x0] =	vst.idx.msk vm0, v3  }
.LBB2_68:
0x1db: {  	s0 =	sadd.s32 $0x80, s31  }
0x1dc: {  	s0 =	sadd.s32 s4, s0  }
0x1dd: {  	s0 =	sshll.u32 s0, $0x3  }
0x1de: {  	s0 =	sand.u32 $0x1FFFFC00, s0  }
0x1df: {  	p0 =	seq.s32 s28, $0x9;
	s0 =	sadd.s32 s2, s0  }
0x1e0: {  	[hbm4b:s0+s3] =	stream.linear.scatter [tilespmem:s11], [sflag:$0x7], $0x2000, $0x38;
	[tilespmem:$0xB900] =	vst v63  }
0x1e1: {  	s1 =	smul.u32 @!p0 $0xA00, s28;
	s0 =	simm.s32 @!p0 $0x6  }
0x1e2: {  	_ =	swait.ge @!p0 [sflag:s0], $0x2000  }
0x1e3: {  	s6 =	simm.s32 @!p0 $0x1900;
	s1 =	sshra.s32 @!p0 s1, $0x2;
	[sflag:s0] =	ssyncset.done @!p0 $0x0  }
0x1e4: {  	s12 =	sadd.s32 @!p0 $0x280, s1;
	[sflag:s0] =	ssyncadd.s32 @!p0 $0xFFFFE000;
	s0 =	simm.s32 @!p0 $0x80  }
0x1e5: {  	[tilespmem:s6], [sflag:$0x1] =	stream.indirect.gather @!p0 [hbm4b:s5+s0], $0x40, s12, s0, $0xb8;
	[tilespmem:$0xB900] =	vst v63  }
0x1e6: {  	_ =	swait.ge [sflag:s18], $0x2000  }
0x1e7: {  	[sflag:s18] =	ssyncset.done $0x0  }
0x1e8: {  	[sflag:s18] =	ssyncadd.s32 $0xFFFFE000  }
0x1e9: {  	v10 =	vld [tilespmem:s31+$0x100]  }
0x1ea: {  	v11 =	vld [tilespmem:s31+$0x110]  }
0x1eb: {  	v12 =	vld [tilespmem:s31+$0x120]  }
0x1ec: {  	v13 =	vld [tilespmem:s31+$0x130]  }
0x1ed: {  	v14 =	vld [tilespmem:s31+$0x140]  }
0x1ee: {  	v15 =	vld [tilespmem:s31+$0x150]  }
0x1ef: {  	vm0 =	veq.s32 v10, $0x0;
	vm1 =	veq.s32 v11, $0x0;
	v11 =	vld [tilespmem:s31+$0x160]  }
0x1f0: {  	v59 =	vld [tilespmem:s31+$0x170];
	v10 =	vsel vm0, $0x1, v1;
	v16 =	vsel vm1, $0x1, v1;
	vm1 =	veq.s32 v12, $0x0  }
0x1f1: {  	v17 =	vsel vm1, $0x1, v1;
	vm1 =	veq.s32 v13, $0x0;
	v60 =	vadd.s32 v10, v16  }
0x1f2: {  	v13 =	vadd.s32 v17, v60;
	v61 =	vsel vm1, $0x1, v1;
	vm1 =	veq.s32 v14, $0x0  }
0x1f3: {  	v13 =	vadd.s32 v61, v13;
	v14 =	vsel vm1, $0x1, v1;
	vm1 =	veq.s32 v15, $0x0  }
0x1f4: {  	v13 =	vadd.s32 v14, v13;
	v62 =	vsel vm1, $0x1, v1;
	vm1 =	veq.s32 v11, $0x0  }
0x1f5: {  	v11 =	vadd.s32 v62, v13;
	v63 =	vsel vm1, $0x1, v1;
	vm1 =	veq.s32 v59, $0x0  }
0x1f6: {  	v11 =	vadd.s32 v63, v11;
	v12 =	vsel vm1, $0x1, v1  }
0x1f7: {  	v11 =	vadd.s32 v12, v11  }
0x1f8: {  	(xrf0) =	vadd.scan.msk.s32 $0xffff, v11;
	_ =	sdelay $0x5  }
0x1f9: {  	v11, _, _ =	vpop (xrf0)  }
0x1fa: {  	(v2sf) =	vpush v11, $0xF;
	_ =	sdelay $0xe  }
0x1fb: {  	s12 =	spop (v2sf)  }
0x1fc: {  	p1 =	seq.s32 s12, $0x0  }
.Ltmp38:
0x1fd: {  	_ = 	snop;
	(pc) =	sbr.rel @p1 .LBB2_101-.Ltmp38, $1  }
0x1fe: {  	_ =	sdelay $0x3  }
0x1ff: {  	(xrf0) =	vadd.scan.msk.s32 $0xffff, v10;
	_ =	sdelay $0x5  }
0x200: {  	v10, _, _ =	vpop (xrf0)  }
0x201: {  	(v2sf) =	vpush v10, $0xF;
	_ =	sdelay $0xe  }
0x202: {  	s6 =	spop (v2sf)  }
0x203: {  	p1 =	seq.s32 s6, $0x0  }
.Ltmp39:
0x204: {  	_ = 	snop;
	(pc) =	sbr.rel @p1 .LBB2_73-.Ltmp39, $2  }
0x205: {  	_ =	sdelay $0x2  }
0x206: {  	s12 =	simm.s32 $0x0  }
0x207: {  	v10 =	vmov s12  }
0x208: {  	v10 =	vand.u32 $0x3F, v10  }
0x209: {  	v10 =	vbroadcast v10, $0x0;
	_ =	sdelay $0x1  }
0x20a: {  	s12 =	sadd.s32 $0x1, s12;
	v10 =	vor.u32 v0, v10  }
.LBB2_71:
0x20b: {  	p1 =	sne.s32 s12, $0x3F  }
.Ltmp40:
0x20c: {  	v11 =	vmov s12;
	s12 =	sadd.s32 $0x1, s12;
	(pc) =	sbr.rel @p1 .LBB2_71-.Ltmp40, $4  }
0x20d: {  	v11 =	vand.u32 $0x3F, v11  }
0x20e: {  	v11 =	vbroadcast v11, $0x0  }
0x20f: {  	[tilespmem:v10+s13+$0x0] =	vst.idx.msk vm0, v3  }
0x210: {  	v10 =	vor.u32 v0, v11  }
0x211: {  	_ =	sdelay $0x4  }
0x212: {  	[tilespmem:v10+s13+$0x0] =	vst.idx.msk vm0, v3  }
.LBB2_73:
0x213: {  	v10 =	vld [tilespmem:s31+$0x110];
	_ =	sdelay $0x4  }
0x214: {  	vm0 =	veq.s32 v10, $0x0  }
0x215: {  	v10 =	vsel vm0, $0x1, v1  }
0x216: {  	(xrf0) =	vadd.scan.msk.s32 $0xffff, v10;
	_ =	sdelay $0x5  }
0x217: {  	v10, _, _ =	vpop (xrf0)  }
0x218: {  	(v2sf) =	vpush v10, $0xF;
	_ =	sdelay $0xe  }
0x219: {  	s6 =	spop (v2sf)  }
0x21a: {  	p1 =	seq.s32 s6, $0x0  }
.Ltmp41:
0x21b: {  	_ = 	snop;
	(pc) =	sbr.rel @p1 .LBB2_77-.Ltmp41, $2  }
0x21c: {  	_ =	sdelay $0x2  }
0x21d: {  	s12 =	simm.s32 $0x0  }
0x21e: {  	v10 =	vmov s12  }
0x21f: {  	v10 =	vand.u32 $0x3F, v10  }
0x220: {  	v10 =	vbroadcast v10, $0x0;
	_ =	sdelay $0x1  }
0x221: {  	s12 =	sadd.s32 $0x1, s12;
	v10 =	vor.u32 v9, v10  }
.LBB2_75:
0x222: {  	p1 =	sne.s32 s12, $0x3F  }
.Ltmp42:
0x223: {  	v11 =	vmov s12;
	s12 =	sadd.s32 $0x1, s12;
	(pc) =	sbr.rel @p1 .LBB2_75-.Ltmp42, $4  }
0x224: {  	v11 =	vand.u32 $0x3F, v11  }
0x225: {  	v11 =	vbroadcast v11, $0x0  }
0x226: {  	[tilespmem:v10+s13+$0x0] =	vst.idx.msk vm0, v3  }
0x227: {  	v10 =	vor.u32 v9, v11  }
0x228: {  	_ =	sdelay $0x4  }
0x229: {  	[tilespmem:v10+s13+$0x0] =	vst.idx.msk vm0, v3  }
.LBB2_77:
0x22a: {  	v10 =	vld [tilespmem:s31+$0x120];
	_ =	sdelay $0x4  }
0x22b: {  	vm0 =	veq.s32 v10, $0x0  }
0x22c: {  	v10 =	vsel vm0, $0x1, v1  }
0x22d: {  	(xrf0) =	vadd.scan.msk.s32 $0xffff, v10;
	_ =	sdelay $0x5  }
0x22e: {  	v10, _, _ =	vpop (xrf0)  }
0x22f: {  	(v2sf) =	vpush v10, $0xF;
	_ =	sdelay $0xe  }
0x230: {  	s6 =	spop (v2sf)  }
0x231: {  	p1 =	seq.s32 s6, $0x0  }
.Ltmp43:
0x232: {  	_ = 	snop;
	(pc) =	sbr.rel @p1 .LBB2_81-.Ltmp43, $2  }
0x233: {  	_ =	sdelay $0x2  }
0x234: {  	s12 =	simm.s32 $0x0  }
0x235: {  	v10 =	vmov s12  }
0x236: {  	v10 =	vand.u32 $0x3F, v10  }
0x237: {  	v10 =	vbroadcast v10, $0x0;
	_ =	sdelay $0x1  }
0x238: {  	s12 =	sadd.s32 $0x1, s12;
	v10 =	vor.u32 v8, v10  }
.LBB2_79:
0x239: {  	p1 =	sne.s32 s12, $0x3F  }
.Ltmp44:
0x23a: {  	v11 =	vmov s12;
	s12 =	sadd.s32 $0x1, s12;
	(pc) =	sbr.rel @p1 .LBB2_79-.Ltmp44, $4  }
0x23b: {  	v11 =	vand.u32 $0x3F, v11  }
0x23c: {  	v11 =	vbroadcast v11, $0x0  }
0x23d: {  	[tilespmem:v10+s13+$0x0] =	vst.idx.msk vm0, v3  }
0x23e: {  	v10 =	vor.u32 v8, v11  }
0x23f: {  	_ =	sdelay $0x4  }
0x240: {  	[tilespmem:v10+s13+$0x0] =	vst.idx.msk vm0, v3  }
.LBB2_81:
0x241: {  	v10 =	vld [tilespmem:s31+$0x130];
	_ =	sdelay $0x4  }
0x242: {  	vm0 =	veq.s32 v10, $0x0  }
0x243: {  	v10 =	vsel vm0, $0x1, v1  }
0x244: {  	(xrf0) =	vadd.scan.msk.s32 $0xffff, v10;
	_ =	sdelay $0x5  }
0x245: {  	v10, _, _ =	vpop (xrf0)  }
0x246: {  	(v2sf) =	vpush v10, $0xF;
	_ =	sdelay $0xe  }
0x247: {  	s6 =	spop (v2sf)  }
0x248: {  	p1 =	seq.s32 s6, $0x0  }
.Ltmp45:
0x249: {  	_ = 	snop;
	(pc) =	sbr.rel @p1 .LBB2_85-.Ltmp45, $2  }
0x24a: {  	_ =	sdelay $0x2  }
0x24b: {  	s12 =	simm.s32 $0x0  }
0x24c: {  	v10 =	vmov s12  }
0x24d: {  	v10 =	vand.u32 $0x3F, v10  }
0x24e: {  	v10 =	vbroadcast v10, $0x0;
	_ =	sdelay $0x1  }
0x24f: {  	s12 =	sadd.s32 $0x1, s12;
	v10 =	vor.u32 v7, v10  }
.LBB2_83:
0x250: {  	p1 =	sne.s32 s12, $0x3F  }
.Ltmp46:
0x251: {  	v11 =	vmov s12;
	s12 =	sadd.s32 $0x1, s12;
	(pc) =	sbr.rel @p1 .LBB2_83-.Ltmp46, $4  }
0x252: {  	v11 =	vand.u32 $0x3F, v11  }
0x253: {  	v11 =	vbroadcast v11, $0x0  }
0x254: {  	[tilespmem:v10+s13+$0x0] =	vst.idx.msk vm0, v3  }
0x255: {  	v10 =	vor.u32 v7, v11  }
0x256: {  	_ =	sdelay $0x4  }
0x257: {  	[tilespmem:v10+s13+$0x0] =	vst.idx.msk vm0, v3  }
.LBB2_85:
0x258: {  	v10 =	vld [tilespmem:s31+$0x140];
	_ =	sdelay $0x4  }
0x259: {  	vm0 =	veq.s32 v10, $0x0  }
0x25a: {  	v10 =	vsel vm0, $0x1, v1  }
0x25b: {  	(xrf0) =	vadd.scan.msk.s32 $0xffff, v10;
	_ =	sdelay $0x5  }
0x25c: {  	v10, _, _ =	vpop (xrf0)  }
0x25d: {  	(v2sf) =	vpush v10, $0xF;
	_ =	sdelay $0xe  }
0x25e: {  	s6 =	spop (v2sf)  }
0x25f: {  	p1 =	seq.s32 s6, $0x0  }
.Ltmp47:
0x260: {  	_ = 	snop;
	(pc) =	sbr.rel @p1 .LBB2_89-.Ltmp47, $2  }
0x261: {  	_ =	sdelay $0x2  }
0x262: {  	s12 =	simm.s32 $0x0  }
0x263: {  	v10 =	vmov s12  }
0x264: {  	v10 =	vand.u32 $0x3F, v10  }
0x265: {  	v10 =	vbroadcast v10, $0x0;
	_ =	sdelay $0x1  }
0x266: {  	s12 =	sadd.s32 $0x1, s12;
	v10 =	vor.u32 v6, v10  }
.LBB2_87:
0x267: {  	p1 =	sne.s32 s12, $0x3F  }
.Ltmp48:
0x268: {  	v11 =	vmov s12;
	s12 =	sadd.s32 $0x1, s12;
	(pc) =	sbr.rel @p1 .LBB2_87-.Ltmp48, $4  }
0x269: {  	v11 =	vand.u32 $0x3F, v11  }
0x26a: {  	v11 =	vbroadcast v11, $0x0  }
0x26b: {  	[tilespmem:v10+s13+$0x0] =	vst.idx.msk vm0, v3  }
0x26c: {  	v10 =	vor.u32 v6, v11  }
0x26d: {  	_ =	sdelay $0x4  }
0x26e: {  	[tilespmem:v10+s13+$0x0] =	vst.idx.msk vm0, v3  }
.LBB2_89:
0x26f: {  	v10 =	vld [tilespmem:s31+$0x150];
	_ =	sdelay $0x4  }
0x270: {  	vm0 =	veq.s32 v10, $0x0  }
0x271: {  	v10 =	vsel vm0, $0x1, v1  }
0x272: {  	(xrf0) =	vadd.scan.msk.s32 $0xffff, v10;
	_ =	sdelay $0x5  }
0x273: {  	v10, _, _ =	vpop (xrf0)  }
0x274: {  	(v2sf) =	vpush v10, $0xF;
	_ =	sdelay $0xe  }
0x275: {  	s6 =	spop (v2sf)  }
0x276: {  	p1 =	seq.s32 s6, $0x0  }
.Ltmp49:
0x277: {  	_ = 	snop;
	(pc) =	sbr.rel @p1 .LBB2_93-.Ltmp49, $2  }
0x278: {  	_ =	sdelay $0x2  }
0x279: {  	s12 =	simm.s32 $0x0  }
0x27a: {  	v10 =	vmov s12  }
0x27b: {  	v10 =	vand.u32 $0x3F, v10  }
0x27c: {  	v10 =	vbroadcast v10, $0x0;
	_ =	sdelay $0x1  }
0x27d: {  	s12 =	sadd.s32 $0x1, s12;
	v10 =	vor.u32 v5, v10  }
.LBB2_91:
0x27e: {  	p1 =	sne.s32 s12, $0x3F  }
.Ltmp50:
0x27f: {  	v11 =	vmov s12;
	s12 =	sadd.s32 $0x1, s12;
	(pc) =	sbr.rel @p1 .LBB2_91-.Ltmp50, $4  }
0x280: {  	v11 =	vand.u32 $0x3F, v11  }
0x281: {  	v11 =	vbroadcast v11, $0x0  }
0x282: {  	[tilespmem:v10+s13+$0x0] =	vst.idx.msk vm0, v3  }
0x283: {  	v10 =	vor.u32 v5, v11  }
0x284: {  	_ =	sdelay $0x4  }
0x285: {  	[tilespmem:v10+s13+$0x0] =	vst.idx.msk vm0, v3  }
.LBB2_93:
0x286: {  	v10 =	vld [tilespmem:s31+$0x160];
	_ =	sdelay $0x4  }
0x287: {  	vm0 =	veq.s32 v10, $0x0  }
0x288: {  	v10 =	vsel vm0, $0x1, v1  }
0x289: {  	(xrf0) =	vadd.scan.msk.s32 $0xffff, v10;
	_ =	sdelay $0x5  }
0x28a: {  	v10, _, _ =	vpop (xrf0)  }
0x28b: {  	(v2sf) =	vpush v10, $0xF;
	_ =	sdelay $0xe  }
0x28c: {  	s6 =	spop (v2sf)  }
0x28d: {  	p1 =	seq.s32 s6, $0x0  }
.Ltmp51:
0x28e: {  	_ = 	snop;
	(pc) =	sbr.rel @p1 .LBB2_97-.Ltmp51, $2  }
0x28f: {  	_ =	sdelay $0x2  }
0x290: {  	s12 =	simm.s32 $0x0  }
0x291: {  	v10 =	vmov s12  }
0x292: {  	v10 =	vand.u32 $0x3F, v10  }
0x293: {  	v10 =	vbroadcast v10, $0x0;
	_ =	sdelay $0x1  }
0x294: {  	s12 =	sadd.s32 $0x1, s12;
	v10 =	vor.u32 v4, v10  }
.LBB2_95:
0x295: {  	p1 =	sne.s32 s12, $0x3F  }
.Ltmp52:
0x296: {  	v11 =	vmov s12;
	s12 =	sadd.s32 $0x1, s12;
	(pc) =	sbr.rel @p1 .LBB2_95-.Ltmp52, $4  }
0x297: {  	v11 =	vand.u32 $0x3F, v11  }
0x298: {  	v11 =	vbroadcast v11, $0x0  }
0x299: {  	[tilespmem:v10+s13+$0x0] =	vst.idx.msk vm0, v3  }
0x29a: {  	v10 =	vor.u32 v4, v11  }
0x29b: {  	_ =	sdelay $0x4  }
0x29c: {  	[tilespmem:v10+s13+$0x0] =	vst.idx.msk vm0, v3  }
.LBB2_97:
0x29d: {  	v10 =	vld [tilespmem:s31+$0x170];
	_ =	sdelay $0x4  }
0x29e: {  	vm0 =	veq.s32 v10, $0x0  }
0x29f: {  	v10 =	vsel vm0, $0x1, v1  }
0x2a0: {  	(xrf0) =	vadd.scan.msk.s32 $0xffff, v10;
	_ =	sdelay $0x5  }
0x2a1: {  	v10, _, _ =	vpop (xrf0)  }
0x2a2: {  	(v2sf) =	vpush v10, $0xF;
	_ =	sdelay $0xe  }
0x2a3: {  	s6 =	spop (v2sf)  }
0x2a4: {  	p1 =	seq.s32 s6, $0x0  }
.Ltmp53:
0x2a5: {  	_ = 	snop;
	(pc) =	sbr.rel @p1 .LBB2_101-.Ltmp53, $2  }
0x2a6: {  	_ =	sdelay $0x2  }
0x2a7: {  	s12 =	simm.s32 $0x0  }
0x2a8: {  	v10 =	vmov s12  }
0x2a9: {  	v10 =	vand.u32 $0x3F, v10  }
0x2aa: {  	v10 =	vbroadcast v10, $0x0;
	_ =	sdelay $0x1  }
0x2ab: {  	s12 =	sadd.s32 $0x1, s12;
	v10 =	vor.u32 v2, v10  }
.LBB2_99:
0x2ac: {  	p1 =	sne.s32 s12, $0x3F  }
.Ltmp54:
0x2ad: {  	v11 =	vmov s12;
	s12 =	sadd.s32 $0x1, s12;
	(pc) =	sbr.rel @p1 .LBB2_99-.Ltmp54, $4  }
0x2ae: {  	v11 =	vand.u32 $0x3F, v11  }
0x2af: {  	v11 =	vbroadcast v11, $0x0  }
0x2b0: {  	[tilespmem:v10+s13+$0x0] =	vst.idx.msk vm0, v3  }
0x2b1: {  	v10 =	vor.u32 v2, v11  }
0x2b2: {  	_ =	sdelay $0x4  }
0x2b3: {  	[tilespmem:v10+s13+$0x0] =	vst.idx.msk vm0, v3  }
.LBB2_101:
0x2b4: {  	s6 =	sadd.s32 $0x100, s31  }
0x2b5: {  	s6 =	sadd.s32 s4, s6  }
0x2b6: {  	s6 =	sshll.u32 s6, $0x3  }
0x2b7: {  	s6 =	sand.u32 $0x1FFFFC00, s6  }
0x2b8: {  	s6 =	sadd.s32 s2, s6  }
0x2b9: {  	[hbm4b:s6+s3] =	stream.linear.scatter [tilespmem:s13], [sflag:$0x8], $0x2000, $0x38;
	[tilespmem:$0xB900] =	vst v63  }
0x2ba: {  	s6 =	simm.s32 @!p0 $0x7  }
0x2bb: {  	_ =	swait.ge @!p0 [sflag:s6], $0x2000  }
0x2bc: {  	[sflag:s6] =	ssyncset.done @!p0 $0x0  }
0x2bd: {  	s12 =	simm.s32 @!p0 $0x3900;
	[sflag:s6] =	ssyncadd.s32 @!p0 $0xFFFFE000;
	s6 =	sadd.s32 @!p0 $0x300, s1  }
0x2be: {  	[tilespmem:s12], [sflag:$0x2] =	stream.indirect.gather @!p0 [hbm4b:s5+s0], $0x40, s6, s0, $0xb8;
	[tilespmem:$0xB900] =	vst v63  }
0x2bf: {  	_ =	swait.ge [sflag:s19], $0x2000  }
0x2c0: {  	[sflag:s19] =	ssyncset.done $0x0  }
0x2c1: {  	[sflag:s19] =	ssyncadd.s32 $0xFFFFE000  }
0x2c2: {  	v10 =	vld [tilespmem:s29+$0x0]  }
0x2c3: {  	v11 =	vld [tilespmem:s29+$0x10]  }
0x2c4: {  	v12 =	vld [tilespmem:s29+$0x20]  }
0x2c5: {  	v13 =	vld [tilespmem:s29+$0x30]  }
0x2c6: {  	v14 =	vld [tilespmem:s29+$0x40]  }
0x2c7: {  	v15 =	vld [tilespmem:s29+$0x50]  }
0x2c8: {  	vm0 =	veq.s32 v10, $0x0;
	vm1 =	veq.s32 v11, $0x0;
	v11 =	vld [tilespmem:s29+$0x60]  }
0x2c9: {  	v59 =	vld [tilespmem:s29+$0x70];
	v10 =	vsel vm0, $0x1, v1;
	v16 =	vsel vm1, $0x1, v1;
	vm1 =	veq.s32 v12, $0x0  }
0x2ca: {  	v17 =	vsel vm1, $0x1, v1;
	vm1 =	veq.s32 v13, $0x0;
	v60 =	vadd.s32 v10, v16  }
0x2cb: {  	v13 =	vadd.s32 v17, v60;
	v61 =	vsel vm1, $0x1, v1;
	vm1 =	veq.s32 v14, $0x0  }
0x2cc: {  	v13 =	vadd.s32 v61, v13;
	v14 =	vsel vm1, $0x1, v1;
	vm1 =	veq.s32 v15, $0x0  }
0x2cd: {  	v13 =	vadd.s32 v14, v13;
	v62 =	vsel vm1, $0x1, v1;
	vm1 =	veq.s32 v11, $0x0  }
0x2ce: {  	v11 =	vadd.s32 v62, v13;
	v63 =	vsel vm1, $0x1, v1;
	vm1 =	veq.s32 v59, $0x0  }
0x2cf: {  	v11 =	vadd.s32 v63, v11;
	v12 =	vsel vm1, $0x1, v1  }
0x2d0: {  	v11 =	vadd.s32 v12, v11  }
0x2d1: {  	(xrf0) =	vadd.scan.msk.s32 $0xffff, v11;
	_ =	sdelay $0x5  }
0x2d2: {  	v11, _, _ =	vpop (xrf0)  }
0x2d3: {  	(v2sf) =	vpush v11, $0xF;
	_ =	sdelay $0xe  }
0x2d4: {  	s31 =	spop (v2sf)  }
0x2d5: {  	p1 =	seq.s32 s31, $0x0  }
.Ltmp55:
0x2d6: {  	_ = 	snop;
	(pc) =	sbr.rel @p1 .LBB2_134-.Ltmp55, $1  }
0x2d7: {  	_ =	sdelay $0x3  }
0x2d8: {  	(xrf0) =	vadd.scan.msk.s32 $0xffff, v10;
	_ =	sdelay $0x5  }
0x2d9: {  	v10, _, _ =	vpop (xrf0)  }
0x2da: {  	(v2sf) =	vpush v10, $0xF;
	_ =	sdelay $0xe  }
0x2db: {  	s0 =	spop (v2sf)  }
0x2dc: {  	p1 =	seq.s32 s0, $0x0  }
.Ltmp56:
0x2dd: {  	_ = 	snop;
	(pc) =	sbr.rel @p1 .LBB2_106-.Ltmp56, $2  }
0x2de: {  	_ =	sdelay $0x2  }
0x2df: {  	s0 =	simm.s32 $0x0  }
0x2e0: {  	v10 =	vmov s0  }
0x2e1: {  	v10 =	vand.u32 $0x3F, v10  }
0x2e2: {  	v10 =	vbroadcast v10, $0x0;
	_ =	sdelay $0x1  }
0x2e3: {  	s0 =	sadd.s32 $0x1, s0;
	v10 =	vor.u32 v0, v10  }
.LBB2_104:
0x2e4: {  	p1 =	sne.s32 s0, $0x3F  }
.Ltmp57:
0x2e5: {  	v11 =	vmov s0;
	s0 =	sadd.s32 $0x1, s0;
	(pc) =	sbr.rel @p1 .LBB2_104-.Ltmp57, $4  }
0x2e6: {  	v11 =	vand.u32 $0x3F, v11  }
0x2e7: {  	v11 =	vbroadcast v11, $0x0  }
0x2e8: {  	[tilespmem:v10+s14+$0x0] =	vst.idx.msk vm0, v3  }
0x2e9: {  	v10 =	vor.u32 v0, v11  }
0x2ea: {  	_ =	sdelay $0x4  }
0x2eb: {  	[tilespmem:v10+s14+$0x0] =	vst.idx.msk vm0, v3  }
.LBB2_106:
0x2ec: {  	v10 =	vld [tilespmem:s29+$0x10];
	_ =	sdelay $0x4  }
0x2ed: {  	vm0 =	veq.s32 v10, $0x0  }
0x2ee: {  	v10 =	vsel vm0, $0x1, v1  }
0x2ef: {  	(xrf0) =	vadd.scan.msk.s32 $0xffff, v10;
	_ =	sdelay $0x5  }
0x2f0: {  	v10, _, _ =	vpop (xrf0)  }
0x2f1: {  	(v2sf) =	vpush v10, $0xF;
	_ =	sdelay $0xe  }
0x2f2: {  	s0 =	spop (v2sf)  }
0x2f3: {  	p1 =	seq.s32 s0, $0x0  }
.Ltmp58:
0x2f4: {  	_ = 	snop;
	(pc) =	sbr.rel @p1 .LBB2_110-.Ltmp58, $2  }
0x2f5: {  	_ =	sdelay $0x2  }
0x2f6: {  	s0 =	simm.s32 $0x0  }
0x2f7: {  	v10 =	vmov s0  }
0x2f8: {  	v10 =	vand.u32 $0x3F, v10  }
0x2f9: {  	v10 =	vbroadcast v10, $0x0;
	_ =	sdelay $0x1  }
0x2fa: {  	s0 =	sadd.s32 $0x1, s0;
	v10 =	vor.u32 v9, v10  }
.LBB2_108:
0x2fb: {  	p1 =	sne.s32 s0, $0x3F  }
.Ltmp59:
0x2fc: {  	v11 =	vmov s0;
	s0 =	sadd.s32 $0x1, s0;
	(pc) =	sbr.rel @p1 .LBB2_108-.Ltmp59, $4  }
0x2fd: {  	v11 =	vand.u32 $0x3F, v11  }
0x2fe: {  	v11 =	vbroadcast v11, $0x0  }
0x2ff: {  	[tilespmem:v10+s14+$0x0] =	vst.idx.msk vm0, v3  }
0x300: {  	v10 =	vor.u32 v9, v11  }
0x301: {  	_ =	sdelay $0x4  }
0x302: {  	[tilespmem:v10+s14+$0x0] =	vst.idx.msk vm0, v3  }
.LBB2_110:
0x303: {  	v10 =	vld [tilespmem:s29+$0x20];
	_ =	sdelay $0x4  }
0x304: {  	vm0 =	veq.s32 v10, $0x0  }
0x305: {  	v10 =	vsel vm0, $0x1, v1  }
0x306: {  	(xrf0) =	vadd.scan.msk.s32 $0xffff, v10;
	_ =	sdelay $0x5  }
0x307: {  	v10, _, _ =	vpop (xrf0)  }
0x308: {  	(v2sf) =	vpush v10, $0xF;
	_ =	sdelay $0xe  }
0x309: {  	s0 =	spop (v2sf)  }
0x30a: {  	p1 =	seq.s32 s0, $0x0  }
.Ltmp60:
0x30b: {  	_ = 	snop;
	(pc) =	sbr.rel @p1 .LBB2_114-.Ltmp60, $2  }
0x30c: {  	_ =	sdelay $0x2  }
0x30d: {  	s0 =	simm.s32 $0x0  }
0x30e: {  	v10 =	vmov s0  }
0x30f: {  	v10 =	vand.u32 $0x3F, v10  }
0x310: {  	v10 =	vbroadcast v10, $0x0;
	_ =	sdelay $0x1  }
0x311: {  	s0 =	sadd.s32 $0x1, s0;
	v10 =	vor.u32 v8, v10  }
.LBB2_112:
0x312: {  	p1 =	sne.s32 s0, $0x3F  }
.Ltmp61:
0x313: {  	v11 =	vmov s0;
	s0 =	sadd.s32 $0x1, s0;
	(pc) =	sbr.rel @p1 .LBB2_112-.Ltmp61, $4  }
0x314: {  	v11 =	vand.u32 $0x3F, v11  }
0x315: {  	v11 =	vbroadcast v11, $0x0  }
0x316: {  	[tilespmem:v10+s14+$0x0] =	vst.idx.msk vm0, v3  }
0x317: {  	v10 =	vor.u32 v8, v11  }
0x318: {  	_ =	sdelay $0x4  }
0x319: {  	[tilespmem:v10+s14+$0x0] =	vst.idx.msk vm0, v3  }
.LBB2_114:
0x31a: {  	v10 =	vld [tilespmem:s29+$0x30];
	_ =	sdelay $0x4  }
0x31b: {  	vm0 =	veq.s32 v10, $0x0  }
0x31c: {  	v10 =	vsel vm0, $0x1, v1  }
0x31d: {  	(xrf0) =	vadd.scan.msk.s32 $0xffff, v10;
	_ =	sdelay $0x5  }
0x31e: {  	v10, _, _ =	vpop (xrf0)  }
0x31f: {  	(v2sf) =	vpush v10, $0xF;
	_ =	sdelay $0xe  }
0x320: {  	s0 =	spop (v2sf)  }
0x321: {  	p1 =	seq.s32 s0, $0x0  }
.Ltmp62:
0x322: {  	_ = 	snop;
	(pc) =	sbr.rel @p1 .LBB2_118-.Ltmp62, $2  }
0x323: {  	_ =	sdelay $0x2  }
0x324: {  	s0 =	simm.s32 $0x0  }
0x325: {  	v10 =	vmov s0  }
0x326: {  	v10 =	vand.u32 $0x3F, v10  }
0x327: {  	v10 =	vbroadcast v10, $0x0;
	_ =	sdelay $0x1  }
0x328: {  	s0 =	sadd.s32 $0x1, s0;
	v10 =	vor.u32 v7, v10  }
.LBB2_116:
0x329: {  	p1 =	sne.s32 s0, $0x3F  }
.Ltmp63:
0x32a: {  	v11 =	vmov s0;
	s0 =	sadd.s32 $0x1, s0;
	(pc) =	sbr.rel @p1 .LBB2_116-.Ltmp63, $4  }
0x32b: {  	v11 =	vand.u32 $0x3F, v11  }
0x32c: {  	v11 =	vbroadcast v11, $0x0  }
0x32d: {  	[tilespmem:v10+s14+$0x0] =	vst.idx.msk vm0, v3  }
0x32e: {  	v10 =	vor.u32 v7, v11  }
0x32f: {  	_ =	sdelay $0x4  }
0x330: {  	[tilespmem:v10+s14+$0x0] =	vst.idx.msk vm0, v3  }
.LBB2_118:
0x331: {  	v10 =	vld [tilespmem:s29+$0x40];
	_ =	sdelay $0x4  }
0x332: {  	vm0 =	veq.s32 v10, $0x0  }
0x333: {  	v10 =	vsel vm0, $0x1, v1  }
0x334: {  	(xrf0) =	vadd.scan.msk.s32 $0xffff, v10;
	_ =	sdelay $0x5  }
0x335: {  	v10, _, _ =	vpop (xrf0)  }
0x336: {  	(v2sf) =	vpush v10, $0xF;
	_ =	sdelay $0xe  }
0x337: {  	s0 =	spop (v2sf)  }
0x338: {  	p1 =	seq.s32 s0, $0x0  }
.Ltmp64:
0x339: {  	_ = 	snop;
	(pc) =	sbr.rel @p1 .LBB2_122-.Ltmp64, $2  }
0x33a: {  	_ =	sdelay $0x2  }
0x33b: {  	s0 =	simm.s32 $0x0  }
0x33c: {  	v10 =	vmov s0  }
0x33d: {  	v10 =	vand.u32 $0x3F, v10  }
0x33e: {  	v10 =	vbroadcast v10, $0x0;
	_ =	sdelay $0x1  }
0x33f: {  	s0 =	sadd.s32 $0x1, s0;
	v10 =	vor.u32 v6, v10  }
.LBB2_120:
0x340: {  	p1 =	sne.s32 s0, $0x3F  }
.Ltmp65:
0x341: {  	v11 =	vmov s0;
	s0 =	sadd.s32 $0x1, s0;
	(pc) =	sbr.rel @p1 .LBB2_120-.Ltmp65, $4  }
0x342: {  	v11 =	vand.u32 $0x3F, v11  }
0x343: {  	v11 =	vbroadcast v11, $0x0  }
0x344: {  	[tilespmem:v10+s14+$0x0] =	vst.idx.msk vm0, v3  }
0x345: {  	v10 =	vor.u32 v6, v11  }
0x346: {  	_ =	sdelay $0x4  }
0x347: {  	[tilespmem:v10+s14+$0x0] =	vst.idx.msk vm0, v3  }
.LBB2_122:
0x348: {  	v10 =	vld [tilespmem:s29+$0x50];
	_ =	sdelay $0x4  }
0x349: {  	vm0 =	veq.s32 v10, $0x0  }
0x34a: {  	v10 =	vsel vm0, $0x1, v1  }
0x34b: {  	(xrf0) =	vadd.scan.msk.s32 $0xffff, v10;
	_ =	sdelay $0x5  }
0x34c: {  	v10, _, _ =	vpop (xrf0)  }
0x34d: {  	(v2sf) =	vpush v10, $0xF;
	_ =	sdelay $0xe  }
0x34e: {  	s0 =	spop (v2sf)  }
0x34f: {  	p1 =	seq.s32 s0, $0x0  }
.Ltmp66:
0x350: {  	_ = 	snop;
	(pc) =	sbr.rel @p1 .LBB2_126-.Ltmp66, $2  }
0x351: {  	_ =	sdelay $0x2  }
0x352: {  	s0 =	simm.s32 $0x0  }
0x353: {  	v10 =	vmov s0  }
0x354: {  	v10 =	vand.u32 $0x3F, v10  }
0x355: {  	v10 =	vbroadcast v10, $0x0;
	_ =	sdelay $0x1  }
0x356: {  	s0 =	sadd.s32 $0x1, s0;
	v10 =	vor.u32 v5, v10  }
.LBB2_124:
0x357: {  	p1 =	sne.s32 s0, $0x3F  }
.Ltmp67:
0x358: {  	v11 =	vmov s0;
	s0 =	sadd.s32 $0x1, s0;
	(pc) =	sbr.rel @p1 .LBB2_124-.Ltmp67, $4  }
0x359: {  	v11 =	vand.u32 $0x3F, v11  }
0x35a: {  	v11 =	vbroadcast v11, $0x0  }
0x35b: {  	[tilespmem:v10+s14+$0x0] =	vst.idx.msk vm0, v3  }
0x35c: {  	v10 =	vor.u32 v5, v11  }
0x35d: {  	_ =	sdelay $0x4  }
0x35e: {  	[tilespmem:v10+s14+$0x0] =	vst.idx.msk vm0, v3  }
.LBB2_126:
0x35f: {  	v10 =	vld [tilespmem:s29+$0x60];
	_ =	sdelay $0x4  }
0x360: {  	vm0 =	veq.s32 v10, $0x0  }
0x361: {  	v10 =	vsel vm0, $0x1, v1  }
0x362: {  	(xrf0) =	vadd.scan.msk.s32 $0xffff, v10;
	_ =	sdelay $0x5  }
0x363: {  	v10, _, _ =	vpop (xrf0)  }
0x364: {  	(v2sf) =	vpush v10, $0xF;
	_ =	sdelay $0xe  }
0x365: {  	s0 =	spop (v2sf)  }
0x366: {  	p1 =	seq.s32 s0, $0x0  }
.Ltmp68:
0x367: {  	_ = 	snop;
	(pc) =	sbr.rel @p1 .LBB2_130-.Ltmp68, $2  }
0x368: {  	_ =	sdelay $0x2  }
0x369: {  	s0 =	simm.s32 $0x0  }
0x36a: {  	v10 =	vmov s0  }
0x36b: {  	v10 =	vand.u32 $0x3F, v10  }
0x36c: {  	v10 =	vbroadcast v10, $0x0;
	_ =	sdelay $0x1  }
0x36d: {  	s0 =	sadd.s32 $0x1, s0;
	v10 =	vor.u32 v4, v10  }
.LBB2_128:
0x36e: {  	p1 =	sne.s32 s0, $0x3F  }
.Ltmp69:
0x36f: {  	v11 =	vmov s0;
	s0 =	sadd.s32 $0x1, s0;
	(pc) =	sbr.rel @p1 .LBB2_128-.Ltmp69, $4  }
0x370: {  	v11 =	vand.u32 $0x3F, v11  }
0x371: {  	v11 =	vbroadcast v11, $0x0  }
0x372: {  	[tilespmem:v10+s14+$0x0] =	vst.idx.msk vm0, v3  }
0x373: {  	v10 =	vor.u32 v4, v11  }
0x374: {  	_ =	sdelay $0x4  }
0x375: {  	[tilespmem:v10+s14+$0x0] =	vst.idx.msk vm0, v3  }
.LBB2_130:
0x376: {  	v10 =	vld [tilespmem:s29+$0x70];
	_ =	sdelay $0x4  }
0x377: {  	vm0 =	veq.s32 v10, $0x0  }
0x378: {  	v10 =	vsel vm0, $0x1, v1  }
0x379: {  	(xrf0) =	vadd.scan.msk.s32 $0xffff, v10;
	_ =	sdelay $0x5  }
0x37a: {  	v10, _, _ =	vpop (xrf0)  }
0x37b: {  	(v2sf) =	vpush v10, $0xF;
	_ =	sdelay $0xe  }
0x37c: {  	s0 =	spop (v2sf)  }
0x37d: {  	p1 =	seq.s32 s0, $0x0  }
.Ltmp70:
0x37e: {  	_ = 	snop;
	(pc) =	sbr.rel @p1 .LBB2_134-.Ltmp70, $2  }
0x37f: {  	_ =	sdelay $0x2  }
0x380: {  	s0 =	simm.s32 $0x0  }
0x381: {  	v10 =	vmov s0  }
0x382: {  	v10 =	vand.u32 $0x3F, v10  }
0x383: {  	v10 =	vbroadcast v10, $0x0;
	_ =	sdelay $0x1  }
0x384: {  	s0 =	sadd.s32 $0x1, s0;
	v10 =	vor.u32 v2, v10  }
.LBB2_132:
0x385: {  	p1 =	sne.s32 s0, $0x3F  }
.Ltmp71:
0x386: {  	v11 =	vmov s0;
	s0 =	sadd.s32 $0x1, s0;
	(pc) =	sbr.rel @p1 .LBB2_132-.Ltmp71, $4  }
0x387: {  	v11 =	vand.u32 $0x3F, v11  }
0x388: {  	v11 =	vbroadcast v11, $0x0  }
0x389: {  	[tilespmem:v10+s14+$0x0] =	vst.idx.msk vm0, v3  }
0x38a: {  	v10 =	vor.u32 v2, v11  }
0x38b: {  	_ =	sdelay $0x4  }
0x38c: {  	[tilespmem:v10+s14+$0x0] =	vst.idx.msk vm0, v3  }
.LBB2_134:
0x38d: {  	s0 =	sadd.s32 s4, s29  }
0x38e: {  	s0 =	sshll.u32 s0, $0x3  }
0x38f: {  	s0 =	sand.u32 $0x1FFFFC00, s0  }
0x390: {  	s0 =	sadd.s32 s2, s0  }
0x391: {  	[hbm4b:s0+s3] =	stream.linear.scatter [tilespmem:s14], [sflag:$0x9], $0x2000, $0x38;
	[tilespmem:$0xB900] =	vst v63  }
0x392: {  	s0 =	simm.s32 @!p0 $0x8  }
0x393: {  	_ =	swait.ge @!p0 [sflag:s0], $0x2000  }
0x394: {  	s6 =	simm.s32 @!p0 $0x5900;
	[sflag:s0] =	ssyncset.done @!p0 $0x0  }
0x395: {  	[sflag:s0] =	ssyncadd.s32 @!p0 $0xFFFFE000;
	s0 =	sadd.s32 @!p0 $0x380, s1;
	s1 =	simm.s32 @!p0 $0x80  }
0x396: {  	[tilespmem:s6], [sflag:$0x3] =	stream.indirect.gather @!p0 [hbm4b:s5+s1], $0x40, s0, s1, $0xb8;
	[tilespmem:$0xB900] =	vst v63  }
0x397: {  	_ =	swait.ge [sflag:s20], $0x2000  }
0x398: {  	[sflag:s20] =	ssyncset.done $0x0  }
0x399: {  	[sflag:s20] =	ssyncadd.s32 $0xFFFFE000  }
0x39a: {  	v10 =	vld [tilespmem:s30+$0x0]  }
0x39b: {  	v11 =	vld [tilespmem:s30+$0x10]  }
0x39c: {  	v12 =	vld [tilespmem:s30+$0x20]  }
0x39d: {  	v13 =	vld [tilespmem:s30+$0x30]  }
0x39e: {  	v14 =	vld [tilespmem:s30+$0x40]  }
0x39f: {  	v15 =	vld [tilespmem:s30+$0x50]  }
0x3a0: {  	vm0 =	veq.s32 v10, $0x0;
	vm1 =	veq.s32 v11, $0x0;
	v11 =	vld [tilespmem:s30+$0x60]  }
0x3a1: {  	v59 =	vld [tilespmem:s30+$0x70];
	v10 =	vsel vm0, $0x1, v1;
	v16 =	vsel vm1, $0x1, v1;
	vm1 =	veq.s32 v12, $0x0  }
0x3a2: {  	v17 =	vsel vm1, $0x1, v1;
	vm1 =	veq.s32 v13, $0x0;
	v60 =	vadd.s32 v10, v16  }
0x3a3: {  	v13 =	vadd.s32 v17, v60;
	v61 =	vsel vm1, $0x1, v1;
	vm1 =	veq.s32 v14, $0x0  }
0x3a4: {  	v13 =	vadd.s32 v61, v13;
	v14 =	vsel vm1, $0x1, v1;
	vm1 =	veq.s32 v15, $0x0  }
0x3a5: {  	v13 =	vadd.s32 v14, v13;
	v62 =	vsel vm1, $0x1, v1;
	vm1 =	veq.s32 v11, $0x0  }
0x3a6: {  	v11 =	vadd.s32 v62, v13;
	v63 =	vsel vm1, $0x1, v1;
	vm1 =	veq.s32 v59, $0x0  }
0x3a7: {  	v11 =	vadd.s32 v63, v11;
	v12 =	vsel vm1, $0x1, v1  }
0x3a8: {  	v11 =	vadd.s32 v12, v11  }
0x3a9: {  	(xrf0) =	vadd.scan.msk.s32 $0xffff, v11;
	_ =	sdelay $0x5  }
0x3aa: {  	v11, _, _ =	vpop (xrf0)  }
0x3ab: {  	(v2sf) =	vpush v11, $0xF;
	_ =	sdelay $0xe  }
0x3ac: {  	s31 =	spop (v2sf)  }
0x3ad: {  	p0 =	seq.s32 s31, $0x0  }
.Ltmp72:
0x3ae: {  	_ = 	snop;
	(pc) =	sbr.rel @p0 .LBB2_167-.Ltmp72, $1  }
0x3af: {  	_ =	sdelay $0x3  }
0x3b0: {  	(xrf0) =	vadd.scan.msk.s32 $0xffff, v10;
	_ =	sdelay $0x5  }
0x3b1: {  	v10, _, _ =	vpop (xrf0)  }
0x3b2: {  	(v2sf) =	vpush v10, $0xF;
	_ =	sdelay $0xe  }
0x3b3: {  	s0 =	spop (v2sf)  }
0x3b4: {  	p0 =	seq.s32 s0, $0x0  }
.Ltmp73:
0x3b5: {  	_ = 	snop;
	(pc) =	sbr.rel @p0 .LBB2_139-.Ltmp73, $2  }
0x3b6: {  	_ =	sdelay $0x2  }
0x3b7: {  	s0 =	simm.s32 $0x0  }
0x3b8: {  	v10 =	vmov s0  }
0x3b9: {  	v10 =	vand.u32 $0x3F, v10  }
0x3ba: {  	v10 =	vbroadcast v10, $0x0;
	_ =	sdelay $0x1  }
0x3bb: {  	s0 =	sadd.s32 $0x1, s0;
	v10 =	vor.u32 v0, v10  }
.LBB2_137:
0x3bc: {  	p0 =	sne.s32 s0, $0x3F  }
.Ltmp74:
0x3bd: {  	v11 =	vmov s0;
	s0 =	sadd.s32 $0x1, s0;
	(pc) =	sbr.rel @p0 .LBB2_137-.Ltmp74, $4  }
0x3be: {  	v11 =	vand.u32 $0x3F, v11  }
0x3bf: {  	v11 =	vbroadcast v11, $0x0  }
0x3c0: {  	[tilespmem:v10+s16+$0x0] =	vst.idx.msk vm0, v3  }
0x3c1: {  	v10 =	vor.u32 v0, v11  }
0x3c2: {  	_ =	sdelay $0x4  }
0x3c3: {  	[tilespmem:v10+s16+$0x0] =	vst.idx.msk vm0, v3  }
.LBB2_139:
0x3c4: {  	v10 =	vld [tilespmem:s30+$0x10];
	_ =	sdelay $0x4  }
0x3c5: {  	vm0 =	veq.s32 v10, $0x0  }
0x3c6: {  	v10 =	vsel vm0, $0x1, v1  }
0x3c7: {  	(xrf0) =	vadd.scan.msk.s32 $0xffff, v10;
	_ =	sdelay $0x5  }
0x3c8: {  	v10, _, _ =	vpop (xrf0)  }
0x3c9: {  	(v2sf) =	vpush v10, $0xF;
	_ =	sdelay $0xe  }
0x3ca: {  	s0 =	spop (v2sf)  }
0x3cb: {  	p0 =	seq.s32 s0, $0x0  }
.Ltmp75:
0x3cc: {  	_ = 	snop;
	(pc) =	sbr.rel @p0 .LBB2_143-.Ltmp75, $2  }
0x3cd: {  	_ =	sdelay $0x2  }
0x3ce: {  	s0 =	simm.s32 $0x0  }
0x3cf: {  	v10 =	vmov s0  }
0x3d0: {  	v10 =	vand.u32 $0x3F, v10  }
0x3d1: {  	v10 =	vbroadcast v10, $0x0;
	_ =	sdelay $0x1  }
0x3d2: {  	s0 =	sadd.s32 $0x1, s0;
	v10 =	vor.u32 v9, v10  }
.LBB2_141:
0x3d3: {  	p0 =	sne.s32 s0, $0x3F  }
.Ltmp76:
0x3d4: {  	v11 =	vmov s0;
	s0 =	sadd.s32 $0x1, s0;
	(pc) =	sbr.rel @p0 .LBB2_141-.Ltmp76, $4  }
0x3d5: {  	v11 =	vand.u32 $0x3F, v11  }
0x3d6: {  	v11 =	vbroadcast v11, $0x0  }
0x3d7: {  	[tilespmem:v10+s16+$0x0] =	vst.idx.msk vm0, v3  }
0x3d8: {  	v10 =	vor.u32 v9, v11  }
0x3d9: {  	_ =	sdelay $0x4  }
0x3da: {  	[tilespmem:v10+s16+$0x0] =	vst.idx.msk vm0, v3  }
.LBB2_143:
0x3db: {  	v10 =	vld [tilespmem:s30+$0x20];
	_ =	sdelay $0x4  }
0x3dc: {  	vm0 =	veq.s32 v10, $0x0  }
0x3dd: {  	v10 =	vsel vm0, $0x1, v1  }
0x3de: {  	(xrf0) =	vadd.scan.msk.s32 $0xffff, v10;
	_ =	sdelay $0x5  }
0x3df: {  	v10, _, _ =	vpop (xrf0)  }
0x3e0: {  	(v2sf) =	vpush v10, $0xF;
	_ =	sdelay $0xe  }
0x3e1: {  	s0 =	spop (v2sf)  }
0x3e2: {  	p0 =	seq.s32 s0, $0x0  }
.Ltmp77:
0x3e3: {  	_ = 	snop;
	(pc) =	sbr.rel @p0 .LBB2_147-.Ltmp77, $2  }
0x3e4: {  	_ =	sdelay $0x2  }
0x3e5: {  	s0 =	simm.s32 $0x0  }
0x3e6: {  	v10 =	vmov s0  }
0x3e7: {  	v10 =	vand.u32 $0x3F, v10  }
0x3e8: {  	v10 =	vbroadcast v10, $0x0;
	_ =	sdelay $0x1  }
0x3e9: {  	s0 =	sadd.s32 $0x1, s0;
	v10 =	vor.u32 v8, v10  }
.LBB2_145:
0x3ea: {  	p0 =	sne.s32 s0, $0x3F  }
.Ltmp78:
0x3eb: {  	v11 =	vmov s0;
	s0 =	sadd.s32 $0x1, s0;
	(pc) =	sbr.rel @p0 .LBB2_145-.Ltmp78, $4  }
0x3ec: {  	v11 =	vand.u32 $0x3F, v11  }
0x3ed: {  	v11 =	vbroadcast v11, $0x0  }
0x3ee: {  	[tilespmem:v10+s16+$0x0] =	vst.idx.msk vm0, v3  }
0x3ef: {  	v10 =	vor.u32 v8, v11  }
0x3f0: {  	_ =	sdelay $0x4  }
0x3f1: {  	[tilespmem:v10+s16+$0x0] =	vst.idx.msk vm0, v3  }
.LBB2_147:
0x3f2: {  	v10 =	vld [tilespmem:s30+$0x30];
	_ =	sdelay $0x4  }
0x3f3: {  	vm0 =	veq.s32 v10, $0x0  }
0x3f4: {  	v10 =	vsel vm0, $0x1, v1  }
0x3f5: {  	(xrf0) =	vadd.scan.msk.s32 $0xffff, v10;
	_ =	sdelay $0x5  }
0x3f6: {  	v10, _, _ =	vpop (xrf0)  }
0x3f7: {  	(v2sf) =	vpush v10, $0xF;
	_ =	sdelay $0xe  }
0x3f8: {  	s0 =	spop (v2sf)  }
0x3f9: {  	p0 =	seq.s32 s0, $0x0  }
.Ltmp79:
0x3fa: {  	_ = 	snop;
	(pc) =	sbr.rel @p0 .LBB2_151-.Ltmp79, $2  }
0x3fb: {  	_ =	sdelay $0x2  }
0x3fc: {  	s0 =	simm.s32 $0x0  }
0x3fd: {  	v10 =	vmov s0  }
0x3fe: {  	v10 =	vand.u32 $0x3F, v10  }
0x3ff: {  	v10 =	vbroadcast v10, $0x0;
	_ =	sdelay $0x1  }
0x400: {  	s0 =	sadd.s32 $0x1, s0;
	v10 =	vor.u32 v7, v10  }
.LBB2_149:
0x401: {  	p0 =	sne.s32 s0, $0x3F  }
.Ltmp80:
0x402: {  	v11 =	vmov s0;
	s0 =	sadd.s32 $0x1, s0;
	(pc) =	sbr.rel @p0 .LBB2_149-.Ltmp80, $4  }
0x403: {  	v11 =	vand.u32 $0x3F, v11  }
0x404: {  	v11 =	vbroadcast v11, $0x0  }
0x405: {  	[tilespmem:v10+s16+$0x0] =	vst.idx.msk vm0, v3  }
0x406: {  	v10 =	vor.u32 v7, v11  }
0x407: {  	_ =	sdelay $0x4  }
0x408: {  	[tilespmem:v10+s16+$0x0] =	vst.idx.msk vm0, v3  }
.LBB2_151:
0x409: {  	v10 =	vld [tilespmem:s30+$0x40];
	_ =	sdelay $0x4  }
0x40a: {  	vm0 =	veq.s32 v10, $0x0  }
0x40b: {  	v10 =	vsel vm0, $0x1, v1  }
0x40c: {  	(xrf0) =	vadd.scan.msk.s32 $0xffff, v10;
	_ =	sdelay $0x5  }
0x40d: {  	v10, _, _ =	vpop (xrf0)  }
0x40e: {  	(v2sf) =	vpush v10, $0xF;
	_ =	sdelay $0xe  }
0x40f: {  	s0 =	spop (v2sf)  }
0x410: {  	p0 =	seq.s32 s0, $0x0  }
.Ltmp81:
0x411: {  	_ = 	snop;
	(pc) =	sbr.rel @p0 .LBB2_155-.Ltmp81, $2  }
0x412: {  	_ =	sdelay $0x2  }
0x413: {  	s0 =	simm.s32 $0x0  }
0x414: {  	v10 =	vmov s0  }
0x415: {  	v10 =	vand.u32 $0x3F, v10  }
0x416: {  	v10 =	vbroadcast v10, $0x0;
	_ =	sdelay $0x1  }
0x417: {  	s0 =	sadd.s32 $0x1, s0;
	v10 =	vor.u32 v6, v10  }
.LBB2_153:
0x418: {  	p0 =	sne.s32 s0, $0x3F  }
.Ltmp82:
0x419: {  	v11 =	vmov s0;
	s0 =	sadd.s32 $0x1, s0;
	(pc) =	sbr.rel @p0 .LBB2_153-.Ltmp82, $4  }
0x41a: {  	v11 =	vand.u32 $0x3F, v11  }
0x41b: {  	v11 =	vbroadcast v11, $0x0  }
0x41c: {  	[tilespmem:v10+s16+$0x0] =	vst.idx.msk vm0, v3  }
0x41d: {  	v10 =	vor.u32 v6, v11  }
0x41e: {  	_ =	sdelay $0x4  }
0x41f: {  	[tilespmem:v10+s16+$0x0] =	vst.idx.msk vm0, v3  }
.LBB2_155:
0x420: {  	v10 =	vld [tilespmem:s30+$0x50];
	_ =	sdelay $0x4  }
0x421: {  	vm0 =	veq.s32 v10, $0x0  }
0x422: {  	v10 =	vsel vm0, $0x1, v1  }
0x423: {  	(xrf0) =	vadd.scan.msk.s32 $0xffff, v10;
	_ =	sdelay $0x5  }
0x424: {  	v10, _, _ =	vpop (xrf0)  }
0x425: {  	(v2sf) =	vpush v10, $0xF;
	_ =	sdelay $0xe  }
0x426: {  	s0 =	spop (v2sf)  }
0x427: {  	p0 =	seq.s32 s0, $0x0  }
.Ltmp83:
0x428: {  	_ = 	snop;
	(pc) =	sbr.rel @p0 .LBB2_159-.Ltmp83, $2  }
0x429: {  	_ =	sdelay $0x2  }
0x42a: {  	s0 =	simm.s32 $0x0  }
0x42b: {  	v10 =	vmov s0  }
0x42c: {  	v10 =	vand.u32 $0x3F, v10  }
0x42d: {  	v10 =	vbroadcast v10, $0x0;
	_ =	sdelay $0x1  }
0x42e: {  	s0 =	sadd.s32 $0x1, s0;
	v10 =	vor.u32 v5, v10  }
.LBB2_157:
0x42f: {  	p0 =	sne.s32 s0, $0x3F  }
.Ltmp84:
0x430: {  	v11 =	vmov s0;
	s0 =	sadd.s32 $0x1, s0;
	(pc) =	sbr.rel @p0 .LBB2_157-.Ltmp84, $4  }
0x431: {  	v11 =	vand.u32 $0x3F, v11  }
0x432: {  	v11 =	vbroadcast v11, $0x0  }
0x433: {  	[tilespmem:v10+s16+$0x0] =	vst.idx.msk vm0, v3  }
0x434: {  	v10 =	vor.u32 v5, v11  }
0x435: {  	_ =	sdelay $0x4  }
0x436: {  	[tilespmem:v10+s16+$0x0] =	vst.idx.msk vm0, v3  }
.LBB2_159:
0x437: {  	v10 =	vld [tilespmem:s30+$0x60];
	_ =	sdelay $0x4  }
0x438: {  	vm0 =	veq.s32 v10, $0x0  }
0x439: {  	v10 =	vsel vm0, $0x1, v1  }
0x43a: {  	(xrf0) =	vadd.scan.msk.s32 $0xffff, v10;
	_ =	sdelay $0x5  }
0x43b: {  	v10, _, _ =	vpop (xrf0)  }
0x43c: {  	(v2sf) =	vpush v10, $0xF;
	_ =	sdelay $0xe  }
0x43d: {  	s0 =	spop (v2sf)  }
0x43e: {  	p0 =	seq.s32 s0, $0x0  }
.Ltmp85:
0x43f: {  	_ = 	snop;
	(pc) =	sbr.rel @p0 .LBB2_163-.Ltmp85, $2  }
0x440: {  	_ =	sdelay $0x2  }
0x441: {  	s0 =	simm.s32 $0x0  }
0x442: {  	v10 =	vmov s0  }
0x443: {  	v10 =	vand.u32 $0x3F, v10  }
0x444: {  	v10 =	vbroadcast v10, $0x0;
	_ =	sdelay $0x1  }
0x445: {  	s0 =	sadd.s32 $0x1, s0;
	v10 =	vor.u32 v4, v10  }
.LBB2_161:
0x446: {  	p0 =	sne.s32 s0, $0x3F  }
.Ltmp86:
0x447: {  	v11 =	vmov s0;
	s0 =	sadd.s32 $0x1, s0;
	(pc) =	sbr.rel @p0 .LBB2_161-.Ltmp86, $4  }
0x448: {  	v11 =	vand.u32 $0x3F, v11  }
0x449: {  	v11 =	vbroadcast v11, $0x0  }
0x44a: {  	[tilespmem:v10+s16+$0x0] =	vst.idx.msk vm0, v3  }
0x44b: {  	v10 =	vor.u32 v4, v11  }
0x44c: {  	_ =	sdelay $0x4  }
0x44d: {  	[tilespmem:v10+s16+$0x0] =	vst.idx.msk vm0, v3  }
.LBB2_163:
0x44e: {  	v10 =	vld [tilespmem:s30+$0x70];
	_ =	sdelay $0x4  }
0x44f: {  	vm0 =	veq.s32 v10, $0x0  }
0x450: {  	v10 =	vsel vm0, $0x1, v1  }
0x451: {  	(xrf0) =	vadd.scan.msk.s32 $0xffff, v10;
	_ =	sdelay $0x5  }
0x452: {  	v10, _, _ =	vpop (xrf0)  }
0x453: {  	(v2sf) =	vpush v10, $0xF;
	_ =	sdelay $0xe  }
0x454: {  	s0 =	spop (v2sf)  }
0x455: {  	p0 =	seq.s32 s0, $0x0  }
.Ltmp87:
0x456: {  	_ = 	snop;
	(pc) =	sbr.rel @p0 .LBB2_167-.Ltmp87, $2  }
0x457: {  	_ =	sdelay $0x2  }
0x458: {  	s0 =	simm.s32 $0x0  }
0x459: {  	v10 =	vmov s0  }
0x45a: {  	v10 =	vand.u32 $0x3F, v10  }
0x45b: {  	v10 =	vbroadcast v10, $0x0;
	_ =	sdelay $0x1  }
0x45c: {  	s0 =	sadd.s32 $0x1, s0;
	v10 =	vor.u32 v2, v10  }
.LBB2_165:
0x45d: {  	p0 =	sne.s32 s0, $0x3F  }
.Ltmp88:
0x45e: {  	v11 =	vmov s0;
	s0 =	sadd.s32 $0x1, s0;
	(pc) =	sbr.rel @p0 .LBB2_165-.Ltmp88, $4  }
0x45f: {  	v11 =	vand.u32 $0x3F, v11  }
0x460: {  	v11 =	vbroadcast v11, $0x0  }
0x461: {  	[tilespmem:v10+s16+$0x0] =	vst.idx.msk vm0, v3  }
0x462: {  	v10 =	vor.u32 v2, v11  }
0x463: {  	_ = 	snop  }
.Ltmp89:
0x464: {  	_ = 	snop;
	(pc) =	sbr.rel .LBB2_167-.Ltmp89, $2  }
0x465: {  	_ =	sdelay $0x2  }
0x466: {  	[tilespmem:v10+s16+$0x0] =	vst.idx.msk vm0, v3  }
.LBB2_169:
0x467: {  	_ =	sfence.sel $0x180000  }
0x468: {  	[bflag:$0x0] =	sbarrier.arrive $0xFFFF  }
0x469: {  	_ =	strace $0x90000047  }
0x46a: {  	s0 =	stileid.u32;
	[bflag:$0x2] =	sbarrier.arrive $0xFFFF  }
0x46b: {  	p0 =	sne.s32 s0, $0x0;
	s0 =	rddreg [dreg:$0x2]  }
0x46c: {  	s0 =	sadd.s32 @!p0 $0x100000, s0  }
0x46d: {  	[sflag:s0] =	ssyncadd.tile.s32 @!p0 $0x1;
	_ =	shalt  }
.Lfunc_end2:
_tile_overlayer_lowered:
.L_overlay_start_2:
0x46e: {  	(tag) =	ssettag $0x2  }
0x46f: {  	s0 =	rddreg [dreg:$0x0];
	s2 =	stileid.u32  }
0x470: {  	s1 =	rddreg [dreg:$0x1];
	p0 =	sne.s32 s2, $0x0  }
0x471: {  	s3 =	rddreg [dreg:$0x2];
	[bflag:$0x3] =	sbarrier.arrive $0xFFFF;
	s2 =	simm.s32 @!p0 $0x1C0B  }
0x472: {  	[timem:s3], [sflag:s2] =	dma.local @!p0 [hbm:s0], s1  }
0x473: {  	s0 =	simm.s32 @!p0 $0xB  }
0x474: {  	_ =	swait.ge @!p0 [sflag:s0], s1  }
0x475: {  	s1 =	ssub.s32 @!p0 $0x0, s1;
	[sflag:s0] =	ssyncset.done @!p0 $0x0  }
0x476: {  	[sflag:s0] =	ssyncadd.s32 @!p0 s1  }
0x477: {  	[bflag:$0x3] =	sbarrier.arrive $0xFFFF  }
0x478: {  	_ =	shalt  }

// kernel: sparse-core-data-format-call.cloned.1.call-start
scs
called_computation_lowered:
.L_overlay_start_0:
0x0: {  	s2 =	sld [smem:$0x3FD9]  }
0x1: {  	s3 =	sld [smem:$0x3FFE];
	_ =	sdelay $0x1  }
0x2: {  	s1 =	srdreg.scid  }
0x3: {  	s0 =	sand.u32 $0x1, s1  }
0x4: {  	s18 =	sshll.u32 s0, $0xA;
	s2 =	sadd.s32 s3, s2  }
0x5: {  	s2 =	sadd.s32 s2, s18  }
0x6: {  	[smem:$0x3FC6] =	sst s2  }
0x7: {  	_ = 	snop  }
0x8: {  	s2 =	sld [smem:$0x3FD0];
	(tm) =	ssettm $0x1  }
0x9: {  	s19 =	sld [smem:$0x3FFB];
	_ =	sdelay $0x3  }
0xa: {  	_ =	strace s19  }
0xb: {  	s3 =	sld [smem:$0x3FFC];
	_ =	sdelay $0x3  }
0xc: {  	_ =	strace s3  }
0xd: {  	s3 =	sld [smem:$0x3FFD];
	_ =	sdelay $0x3  }
0xe: {  	_ =	strace s3  }
0xf: {  	_ =	strace $0x8FFFFFFF  }
0x10: {  	s20 =	sld [smem:$0x3FDB];
	_ =	sdelay $0x1  }
0x11: {  	s4 =	simm.s32 $_scs_section_size  }
0x12: {  	s5 =	simm.s32 $_size__tile_overlayer_lowered;
	s6 =	simm.s32 $_tile_overlayer_lowered  }
0x13: {  	s23 =	simm.s32 $0x1BFF;
	s22 =	sshll.u32 s6, $0x1;
	s3 =	sadd.s32 s4, s20  }
0x14: {  	s7 =	simm.s32 $0x0;
	s21 =	sshll.u32 s5, $0x1;
	s5 =	sadd.s32 s22, s3  }
0x15: {  	[timem:s7], [sflag:s23] =	dma.local [hbm:s5], s21  }
0x16: {  	_ =	swait.ge [sflag:s23], s21  }
0x17: {  	s4 =	ssub.s32 $0x0, s21;
	[sflag:s23] =	ssyncset.done $0x0  }
0x18: {  	[sflag:s23] =	ssyncadd.s32 s4;
	_ =	sdelay $0x1  }
0x19: {  	s24 =	simm.s32 $0x1B8B  }
0x1a: {  	_ =	swait.ge [sflag:s24], $0x1  }
0x1b: {  	[sflag:s24] =	ssyncset.done $0x0  }
0x1c: {  	s26 =	simm.s32 $0x1B8E;
	s25 =	sld [smem:$0x3FFE];
	[sflag:s24] =	ssyncadd.s32 $0xFFFFFFFF  }
0x1d: {  	s27 =	simm.s32 $execute0_lowered;
	[smem:$0x3FD2] =	sst s26  }
0x1e: {  	s5 =	sshll.u32 s27, $0x1;
	_ =	strace $0x80000049;
	[dreg:$0x1] =	wrdreg $0xFFFFFFFF  }
0x1f: {  	s28 =	simm.s32 $_size_execute0_lowered;
	s3 =	sadd.s32 s3, s5;
	[dreg:$0x0] =	wrdreg $0x0  }
0x20: {  	s5 =	sshll.u32 s28, $0x1;
	[dreg:$0x2] =	wrdreg s3  }
0x21: {  	[dreg:$0x3] =	wrdreg s5  }
0x22: {  	[dreg:$0x4] =	wrdreg $0xC0  }
0x23: {  	_ =	task [dreg:s7], $0x5FFFF  }
0x24: {  	[dreg:$0x1] =	wrdreg $0xFFFFFFFF  }
0x25: {  	[dreg:$0x0] =	wrdreg $0x60  }
0x26: {  	[dreg:$0x2] =	wrdreg s25  }
0x27: {  	[dreg:$0x3] =	wrdreg s2  }
0x28: {  	[dreg:$0x4] =	wrdreg $0x9  }
0x29: {  	_ =	task.clear_ibuf [dreg:s7], $0x5FFFF;
	_ =	strace $0x90000049  }
0x2a: {  	s29 =	simm.s32 $0x9;
	_ =	strace $0x8000004B  }
0x2b: {  	_ =	swait.ge [sflag:s29], $0x1  }
0x2c: {  	[sflag:s29] =	ssyncadd.s32 $0xFFFFFFFF  }
0x2d: {  	_ =	strace $0x9000004B  }
0x2e: {  	_ =	sfence  }
0x2f: {  	s30 =	sld [smem:$0x0];
	_ =	sdelay $0x2  }
0x30: {  	s31 =	sshll.u32 s1, $0xD;
	s1 =	sshrl.u32 s1, $0x2  }
0x31: {  	s3 =	sand.u32 $0x4000, s31;
	s1 =	sadd.s32 s1, s30  }
0x32: {  	s0 =	sor.u32 s3, s0;
	s1 =	sshll.u32 s1, $0x11  }
0x33: {  	s0 =	sor.u32 s1, s0  }
0x34: {  	s0 =	sadd.s32 $0x8F2B, s0  }
0x35: {  	[sflag:s0] =	ssyncadd.remote.s32 $0x1  }
0x36: {  	_ =	sfence.sel $0xFFFF  }
0x37: {  	[dreg:$0x0] =	wrdreg $0xFFFFFFFF;
	(pc) =	sbr.abs _section_cstart, $3  }
0x38: {  	[dreg:$0x1] =	wrdreg $0xFFFFFFFF  }
0x39: {  	_ =	task.clear_ibuf [dreg:s7], $0x2FFFF;
	_ =	strace $0x9FFFFFFF  }
0x3a: {  	(tm) =	ssettm $0x7FFFFFFF  }
0x3b: {  	_ =	shalt  }
tec
execute0_lowered:
.L_overlay_start_1:
0x0: {  	(tag) =	ssettag $0x1  }
0x1: {  	s0 =	srdreg.scid  }
0x2: {  	s1 =	sshll.u32 s0, $0x4  }
0x3: {  	s0 =	stileid.u32;
	s1 =	sand.u32 $0x10, s1  }
0x4: {  	s1 =	sor.u32 s0, s1  }
0x5: {  	s6 =	rddreg [dreg:$0x0];
	s4 =	simm.s32 $0x1;
	s2 =	sshll.u32 s1, $0x7  }
0x6: {  	s7 =	simm.s32 $0x2;
	s12 =	simm.s32 $0x0;
	s1 =	ssub.s32 $0x1000, s2  }
0x7: {  	s8 =	simm.s32 $0x8000;
	s13 =	simm.s32 $0x0;
	s3 =	sand.u32 $0xF80, s1  }
0x8: {  	s9 =	simm.s32 $0x0;
	s5 =	sshrl.u32 s1, $0xC;
	p0 =	sne.s32 s3, $0x0  }
.Ltmp0:
0x9: {  	s1 =	rddreg [dreg:$0x2];
	s4 =	simm.s32 @!p0 $0x0;
	(pc) =	sbr.rel .LBB1_1-.Ltmp0, $4  }
0xa: {  	s11 =	simm.s32 $0x0;
	s3 =	rddreg [dreg:$0x1];
	s5 =	sadd.s32 s4, s5  }
0xb: {  	_ =	strace $0x8000004A;
	s4 =	simm.s32 $0x1;
	s5 =	smul.u32 $0x32, s5  }
0xc: {  	s6 =	sadd.s32 $0xA00, s6;
	s10 =	smov.u32 s2;
	[sflag:s4] =	ssyncpa.u1 $0x0  }
0xd: {  	p0 =	por $0x0, $0x0;
	[sflag:s7] =	ssyncpa.u1 $0x0;
	s7 =	sor.u32 $0x1, s5  }
.LBB1_4:
0xe: {  	s16 =	sshll.u32 s13, $0x3;
	s17 =	sand.u32 $0x78, s13  }
0xf: {  	s30 =	sand.u32 $0x7E00, s13;
	s12 =	sshll.u32 s12, $0xF;
	s16 =	sand.u32 $0xC00, s16  }
0x10: {  	[tilespmem:s15+$0x810 ss:$0x81] =	vst.msk $0xffff, v2;
	s31 =	sand.u32 $0x7, s13;
	s16 =	sor.u32 s17, s16;
	s17 =	sadd.s32 s3, s30  }
0x11: {  	[tilespmem:s15+$0x1020 ss:$0x81] =	vst.msk $0xffff, v0;
	s13 =	sshll.u32 s31, $0x12;
	s12 =	sadd.s32 s12, s17;
	s16 =	sshrl.u32 s16, $0x3  }
0x12: {  	[tilespmem:s15+$0x0 ss:$0x81] =	vst.msk $0xffff, v1;
	s13 =	sor.u32 $0x400, s13;
	s12 =	sadd.s32 s16, s12  }
0x13: {  	[hbm4b:s12+s13] =	stream.strided.scatter [tilespmem:s14], [sflag:$0x2], $0x2000, s8, s13, $0x20;
	[tilespmem:$0x8080] =	vst v63  }
.LBB1_5:
0x14: {  	s14 =	sadd.s32 $0x1, s9  }
0x15: {  	s12 =	sadd.s32 $0x1000, s10;
	s16 =	smov.u32 s10;
	p2 =	sgt.s32 s14, $0x31  }
0x16: {  	s16 =	smov.u32 @p2 s12  }
0x17: {  	s14 =	simm.s32 @p2 $0x0;
	p2 =	sgt.s32 s16, $0xFFF  }
0x18: {  	s16 =	smov.u32 @p2 s2;
	p2 =	sne.s32 s11, s7  }
.Ltmp1:
0x19: {  	p1 =	slt.u32 s11, $0x2;
	(pc) =	sbr.rel @!p2 .LBB1_6-.Ltmp1, $4  }
0x1a: {  	s15 =	simm.s32 @!p1 $0x2  }
0x1b: {  	s13 =	smov.u32 s10;
	p0 =	por !p0, !p0;
	_ =	swait.ge @!p1 [sflag:s15], $0x2000  }
0x1c: {  	s12 =	smov.u32 s9;
	[sflag:s15] =	ssyncset.done @!p1 $0x0;
	s9 =	smov.u32 s14  }
0x1d: {  	s11 =	sadd.s32 $0x1, s11;
	[sflag:s15] =	ssyncadd.s32 @!p1 $0xFFFFE000;
	s10 =	smov.u32 s16  }
.LBB1_1:
0x1e: {  	p1 =	sge.u32 s11, s5  }
0x1f: {  	s14 =	sand.u32 @!p1 $0x1FFFFFF, s9  }
0x20: {  	s15 =	smulhi.u32 @!p1 $0x4924925, s14;
	_ =	sdelay $0x1  }
0x21: {  	s15 =	smul.u32 @!p1 $0x38, s15  }
0x22: {  	s16 =	sxor.u32 @!p1 $0xFFFFFFFF, s11;
	s17 =	smul.u32 @!p1 $0x380, s10  }
0x23: {  	s31 =	sadd.s32 $0xFFFFFFFF, s11;
	s16 =	sshll.u32 @!p1 s16, $0xD;
	s14 =	ssub.s32 @!p1 s14, s15  }
0x24: {  	s15 =	sand.u32 @!p1 $0x2000, s16;
	s16 =	sadd.s32 @!p1 s6, s17;
	s14 =	sshll.u32 @!p1 s14, $0x4  }
0x25: {  	s17 =	simm.s32 @!p1 $0x1C00;
	s14 =	sadd.s32 @!p1 s14, s16;
	s16 =	simm.s32 @!p1 $0x40  }
0x26: {  	[tilespmem:s15], [sflag:$0x1] =	stream.strided.gather @!p1 [hbm4b:s14+s16], $0x2000, s17, s16, $0x38;
	[tilespmem:$0x8080] =	vst v63  }
0x27: {  	p1 =	sge.u32 s31, s5  }
.Ltmp2:
0x28: {  	_ = 	snop;
	(pc) =	sbr.rel @p1 .LBB1_5-.Ltmp2, $1  }
0x29: {  	_ =	sdelay $0x3  }
0x2a: {  	s14 =	simm.s32 $0x1  }
0x2b: {  	_ =	swait.ge [sflag:s4], $0x2000;
	s14 =	simm.s32 @!p0 $0x0  }
0x2c: {  	[sflag:s4] =	ssyncset.done $0x0;
	s15 =	sshll.u32 s14, $0xD  }
0x2d: {  	[sflag:s4] =	ssyncadd.s32 $0xFFFFE000;
	s18 =	sor.u32 $0x20, s15  }
0x2e: {  	s14 =	smul.u32 $0x8100, s14;
	v3 =	vld [tilespmem:s18+$0x10]  }
0x2f: {  	s30 =	sand.u32 $0x1, s11;
	v2 =	vld [tilespmem:s18+$0xFFFFFFF0]  }
0x30: {  	s15 =	smul.u32 $0x8100, s30;
	s14 =	sshrl.u32 s14, $0x2;
	v0 =	vld [tilespmem:s18+$0x0]  }
0x31: {  	v1 =	vld [tilespmem:s18+$0xFFFFFFE0];
	s16 =	sor.u32 $0x4000, s14  }
0x32: {  	s31 =	sshrl.u32 s15, $0x2;
	s15 =	sadd.s32 $0x0, s16  }
0x33: {  	s17 =	simm.s32 $0x4;
	s18 =	sadd.s32 $0x40, s18;
	s14 =	sor.u32 $0x4000, s31;
	[tilespmem:s15+$0x1830 ss:$0x81] =	vst.msk $0xffff, v3  }
.LBB1_3:
0x34: {  	v3 =	vld [tilespmem:s18+$0x10];
	p1 =	sne.s32 s17, $0x1FC;
	[tilespmem:s15+$0x810 ss:$0x81] =	vst.msk $0xffff, v2;
	s19 =	smov.u32 s17;
	s17 =	sadd.s32 $0x4, s17  }
.Ltmp3:
0x35: {  	v2 =	vld [tilespmem:s18+$0xFFFFFFF0];
	[tilespmem:s15+$0x1020 ss:$0x81] =	vst.msk $0xffff, v0;
	(pc) =	sbr.rel @p1 .LBB1_3-.Ltmp3, $4  }
0x36: {  	v0 =	vld [tilespmem:s18+$0x0];
	[tilespmem:s15+$0x0 ss:$0x81] =	vst.msk $0xffff, v1  }
0x37: {  	s15 =	sshra.s32 s19, $0x2;
	v1 =	vld [tilespmem:s18+$0xFFFFFFE0]  }
0x38: {  	s15 =	sadd.s32 s15, s16  }
0x39: {  	s18 =	sadd.s32 $0x40, s18;
	[tilespmem:s15+$0x1830 ss:$0x81] =	vst.msk $0xffff, v3  }
.Ltmp4:
0x3a: {  	_ = 	snop;
	(pc) =	sbr.rel .LBB1_4-.Ltmp4, $1  }
0x3b: {  	_ =	sdelay $0x3  }
.LBB1_6:
0x3c: {  	_ =	sfence.sel $0x180000  }
0x3d: {  	s2 =	simm.s32 $0x1;
	[bflag:$0x0] =	sbarrier.arrive $0xFFFF  }
0x3e: {  	s31 =	simm.s32 $0x2;
	[sflag:s2] =	ssyncpa.u1 $0x1  }
0x3f: {  	[sflag:s31] =	ssyncpa.u1 $0x1  }
0x40: {  	p0 =	sne.s32 s0, $0x0;
	_ =	strace $0x9000004A  }
0x41: {  	s0 =	sadd.s32 @!p0 $0x100000, s1;
	[bflag:$0x2] =	sbarrier.arrive $0xFFFF  }
0x42: {  	[sflag:s0] =	ssyncadd.tile.s32 @!p0 $0x1;
	_ =	shalt  }
.Lfunc_end1:
_tile_overlayer_lowered:
.L_overlay_start_2:
0x43: {  	(tag) =	ssettag $0x2  }
0x44: {  	s0 =	rddreg [dreg:$0x0];
	s2 =	stileid.u32  }
0x45: {  	s1 =	rddreg [dreg:$0x1];
	p0 =	sne.s32 s2, $0x0  }
0x46: {  	s3 =	rddreg [dreg:$0x2];
	[bflag:$0x3] =	sbarrier.arrive $0xFFFF;
	s2 =	simm.s32 @!p0 $0x1C01  }
0x47: {  	[timem:s3], [sflag:s2] =	dma.local @!p0 [hbm:s0], s1  }
0x48: {  	s0 =	simm.s32 @!p0 $0x1  }
0x49: {  	_ =	swait.ge @!p0 [sflag:s0], s1  }
0x4a: {  	s1 =	ssub.s32 @!p0 $0x0, s1;
	[sflag:s0] =	ssyncset.done @!p0 $0x0  }
0x4b: {  	[sflag:s0] =	ssyncadd.s32 @!p0 s1  }
0x4c: {  	[bflag:$0x3] =	sbarrier.arrive $0xFFFF  }
0x4d: {  	_ =	shalt  }

</sc_bundles>
